<compile_context>
chip_gen: v7x
topology: tpu7x:2x2x1
jax: 0.10.2.dev20260603
libtpu: 0.0.44.dev20260713+nightly
codegen_flags: <defaults>
</compile_context>

<pallas_src>
import functools

import numpy as np
import jax
import jax.numpy as jnp
from jax import lax
from jax.experimental import pallas as pl
from jax.experimental.pallas import tpu as pltpu
from jax.experimental.pallas import tpu_sc as plsc

N_RAYS = 16384
N_SAMPLES = 64
NEAR = 2.0
FAR = 6.0

NUM_SC_CORES = 2
NUM_SC_SUBCORES = 16
NUM_WORKERS = NUM_SC_CORES * NUM_SC_SUBCORES
RPW = N_RAYS // NUM_WORKERS

R1 = 1024
R2 = 1024

_T64 = np.linspace(0.0, 1.0, N_SAMPLES, dtype=np.float32)
_ZVALS = (NEAR * (1.0 - _T64) + FAR * _T64).astype(np.float32)

_EREP = np.zeros((128, 384), dtype=np.float32)
for _m in range(128):
    _EREP[_m, 3 * _m:3 * _m + 3] = 1.0

_T3 = np.zeros((3, 384), dtype=np.float32)
for _m in range(128):
    for _c in range(3):
        _T3[_c, 3 * _m + _c] = 1.0


def _tc1_body(oT_ref, dT_ref, w1T_ref, b1_ref, w2T_ref, b2_ref, w3_ref,
              out_ref):
    oT = oT_ref[...]
    dT = dT_ref[...]
    W1T = w1T_ref[...]
    b1c = b1_ref[...]
    W2T = w2T_ref[...]
    b2c = b2_ref[...]
    w3c = w3_ref[...]

    aT = jnp.broadcast_to(b1c, (128, R1))
    bbT = jnp.zeros((128, R1), jnp.float32)
    for c in range(3):
        aT = aT + W1T[:, c:c + 1] * oT[c:c + 1, :]
        aT = aT + W1T[:, 3 + c:4 + c] * dT[c:c + 1, :]
        bbT = bbT + W1T[:, c:c + 1] * dT[c:c + 1, :]

    outs = []
    for s in range(N_SAMPLES):
        x = jnp.maximum(aT + float(_ZVALS[s]) * bbT, 0.0)
        h2 = jnp.dot(W2T, x, preferred_element_type=jnp.float32)
        h2 = jnp.maximum(h2 + b2c, 0.0)
        w_s = jnp.sum(h2 * w3c, axis=0, keepdims=True)
        outs.append(w_s)
    out_ref[...] = jnp.concatenate(outs, axis=0).T


def _tc1(oT, dT, W1T, b1c, W2T, b2c, w3c):
    n = oT.shape[1]
    grid = (n // R1,)
    return pl.pallas_call(
        _tc1_body,
        grid=grid,
        in_specs=[
            pl.BlockSpec((3, R1), lambda b: (0, b)),
            pl.BlockSpec((3, R1), lambda b: (0, b)),
            pl.BlockSpec((128, 6), lambda b: (0, 0)),
            pl.BlockSpec((128, 1), lambda b: (0, 0)),
            pl.BlockSpec((64, 128), lambda b: (0, 0)),
            pl.BlockSpec((64, 1), lambda b: (0, 0)),
            pl.BlockSpec((64, 1), lambda b: (0, 0)),
        ],
        out_specs=pl.BlockSpec((R1, 64), lambda b: (b, 0)),
        out_shape=jax.ShapeDtypeStruct((n, 64), jnp.float32),
    )(oT, dT, W1T, b1c, W2T, b2c, w3c)


def _sc_body(rpw, w_hbm, bins_hbm, u_hbm, zv_hbm, out_hbm,
             w_v, out_v, bins_v, u_v, zv_v, cdf_v, hist_v, hist2_v,
             cdf2_v, histb_v, hist2b_v):
    wid = lax.axis_index("s") * NUM_SC_CORES + lax.axis_index("c")
    base = wid * rpw

    pltpu.sync_copy(w_hbm.at[pl.ds(base * 64, rpw * 64)], w_v)
    pltpu.sync_copy(bins_hbm, bins_v)
    pltpu.sync_copy(u_hbm, u_v)
    pltpu.sync_copy(zv_hbm, zv_v)

    iota = lax.iota(jnp.int32, 16)
    ones_i = jnp.ones((16,), jnp.int32)
    zeros_i = jnp.zeros((16,), jnp.int32)
    uu = [u_v[pl.ds(16 * i, 16)] for i in range(4)]
    zvv = [zv_v[pl.ds(16 * i, 16)] for i in range(4)]
    iota16 = [iota + 16 * i for i in range(4)]
    iotaf = [x.astype(jnp.float32) for x in iota16]

    def one_ray(r, cdf_v, hist_v, hist2_v):
        wb = r * 64
        wrow = [w_v[pl.ds(wb + 16 * i, 16)] for i in range(4)]
        mx = jnp.max(jnp.maximum(jnp.maximum(wrow[0], wrow[1]),
                                 jnp.maximum(wrow[2], wrow[3])))
        e = [jnp.exp(x - mx) for x in wrow]
        raw = [plsc.cumsum(x) for x in e]
        t0 = raw[0][15]
        c2s = t0 + raw[1][15]
        c3s = c2s + raw[2][15]
        S = c3s + raw[3][15]
        e_first = raw[0][0]
        ecum62 = raw[3][14] + c3s
        cs = 1e-5 * S
        D = (ecum62 - e_first) + 62.0 * cs
        Dv = jnp.zeros((16,), jnp.float32) + D
        carr = [0.0, t0, c2s, c3s]
        for i in range(5):
            hist_v[pl.ds(16 * i, 16)] = zeros_i
            hist2_v[pl.ds(16 * i, 16)] = zeros_i
        for i in range(4):
            cdfi = ((raw[i] + carr[i]) - e_first + iotaf[i] * cs) / Dv
            cdf_v[pl.ds(16 * i, 16)] = cdfi
            x63 = cdfi * 63.0
            gi = x63.astype(jnp.int32)
            gi = gi + jnp.where(gi.astype(jnp.float32) < x63, 1, 0)
            mask = (iota < 15) if i == 3 else None
            plsc.addupdate_scatter(hist_v, [gi], ones_i, mask=mask)
        hraw = [plsc.cumsum(hist_v[pl.ds(16 * i, 16)]) for i in range(4)]
        h0 = hraw[0][15]
        h01 = h0 + hraw[1][15]
        h012 = h01 + hraw[2][15]
        icar = [0, h0, h01, h012]
        rbase = jnp.full((16,), r * 128, jnp.int32)
        for i in range(4):
            inds = hraw[i] + icar[i]
            below = inds - 1
            above = jnp.minimum(inds, 62)
            clo = plsc.load_gather(cdf_v, [below])
            chi = plsc.load_gather(cdf_v, [above])
            blo = plsc.load_gather(bins_v, [below])
            bhi = plsc.load_gather(bins_v, [above])
            den = chi - clo
            den = jnp.where(den < 1e-5, 1.0, den)
            t = (uu[i] - clo) / den
            z = blo + t * (bhi - blo)
            mf = (z - NEAR) * (63.0 / (FAR - NEAR))
            mi = mf.astype(jnp.int32) + 1
            mi = jnp.minimum(jnp.maximum(mi, 0), 64)
            plsc.store_scatter(out_v, [rbase + iota16[i] + mi], z)
            plsc.addupdate_scatter(hist2_v, [mi], ones_i)
        g2raw = [plsc.cumsum(hist2_v[pl.ds(16 * i, 16)]) for i in range(4)]
        g0 = g2raw[0][15]
        g01 = g0 + g2raw[1][15]
        g012 = g01 + g2raw[2][15]
        gcar = [0, g0, g01, g012]
        for i in range(4):
            pos = rbase + iota16[i] + g2raw[i] + gcar[i]
            plsc.store_scatter(out_v, [pos], zvv[i])

    def body(r, carry):
        one_ray(2 * r, cdf_v, hist_v, hist2_v)
        one_ray(2 * r + 1, cdf2_v, histb_v, hist2b_v)
        return carry

    lax.fori_loop(0, rpw // 2, body, 0)
    pltpu.sync_copy(out_v, out_hbm.at[pl.ds(base * 128, rpw * 128)])


def _sc_sample(w_flat, bins_a, u_a, zv_a):
    n_rays = w_flat.shape[0] // 64
    rpw = n_rays // NUM_WORKERS
    mesh = plsc.VectorSubcoreMesh(core_axis_name="c", subcore_axis_name="s")
    kern = functools.partial(
        pl.kernel,
        out_type=jax.ShapeDtypeStruct((n_rays * 128,), jnp.float32),
        mesh=mesh,
        scratch_types=[
            pltpu.VMEM((rpw * 64,), jnp.float32),
            pltpu.VMEM((rpw * 128,), jnp.float32),
            pltpu.VMEM((64,), jnp.float32),
            pltpu.VMEM((64,), jnp.float32),
            pltpu.VMEM((64,), jnp.float32),
            pltpu.VMEM((64,), jnp.float32),
            pltpu.VMEM((80,), jnp.int32),
            pltpu.VMEM((80,), jnp.int32),
            pltpu.VMEM((64,), jnp.float32),
            pltpu.VMEM((80,), jnp.int32),
            pltpu.VMEM((80,), jnp.int32),
        ],
        compiler_params=pltpu.CompilerParams(needs_layout_passes=False),
    )(functools.partial(_sc_body, rpw))
    return kern(w_flat, bins_a, u_a, zv_a)


def _tc2_body(z_ref, ot_ref, dt_ref, e_ref, out_ref):
    zr = jnp.dot(z_ref[...], e_ref[...],
                 preferred_element_type=jnp.float32)
    out_ref[...] = ot_ref[...] + dt_ref[...] * zr


def _tc2(z_all, o_t, d_t, erep):
    grid = (N_RAYS // R2,)
    return pl.pallas_call(
        _tc2_body,
        grid=grid,
        in_specs=[
            pl.BlockSpec((R2, 128), lambda b: (b, 0)),
            pl.BlockSpec((R2, 384), lambda b: (b, 0)),
            pl.BlockSpec((R2, 384), lambda b: (b, 0)),
            pl.BlockSpec((128, 384), lambda b: (0, 0)),
        ],
        out_specs=pl.BlockSpec((R2, 384), lambda b: (b, 0)),
        out_shape=jax.ShapeDtypeStruct((N_RAYS, 384), jnp.float32),
    )(z_all, o_t, d_t, erep)


def kernel(static_repr, dynamic_repr, ray_origins, ray_directions,
           W1, b1, W2, b2, W3, b3):
    del static_repr, dynamic_repr, b3
    f32 = jnp.float32

    t64 = jnp.linspace(0.0, 1.0, N_SAMPLES, dtype=f32)
    zv = NEAR * (1.0 - t64) + FAR * t64
    bins = 0.5 * (zv[1:] + zv[:-1])
    bins_a = jnp.concatenate([bins, jnp.full((1,), FAR, f32)])
    u_a = jnp.linspace(0.0, 1.0, N_SAMPLES, dtype=f32)

    oT = ray_origins.T.astype(f32)
    dT = ray_directions.T.astype(f32)
    w1t = W1.T.astype(f32)
    b1c = b1.reshape(128, 1).astype(f32)
    w2t = W2.T.astype(f32)
    b2c = b2.reshape(64, 1).astype(f32)
    w3c = W3.reshape(64, 1).astype(f32)

    nchunks = 1
    cn = N_RAYS // nchunks
    z_chunks = []
    for ci in range(nchunks):
        sl = slice(ci * cn, (ci + 1) * cn)
        w2d = _tc1(oT[:, sl], dT[:, sl], w1t, b1c, w2t, b2c, w3c)
        z_chunks.append(_sc_sample(w2d.reshape(-1), bins_a, u_a, zv))
    z_all = jnp.concatenate(z_chunks).reshape(N_RAYS, 128)

    pts2 = (ray_origins[:, None, :].astype(f32)
            + ray_directions[:, None, :].astype(f32) * z_all[:, :, None])
    dirs_exp = jnp.broadcast_to(ray_directions[:, None, :].astype(f32),
                                (N_RAYS, 128, 3))
    return (pts2, dirs_exp, z_all)

# --- scband reference (transcript-rebuilt; emitter-appended) ---
"""Pipeline reference for scband-adaptive-sampler-28638841929925 (READ-ONLY COPY).

The authoritative reference and input builder live on the scoring server;
editing this copy changes nothing except your own understanding.
"""

import jax, jax.numpy as jnp
import numpy as np

N_RAYS = 16384
N_SAMPLES = 64
N_IMPORTANCE = 64
NEAR = 2.0
FAR = 6.0


def setup_inputs(seed: int = 0) -> dict:
    key = jax.random.key(seed)
    ks = jax.random.split(key, 10)
    static_repr = jax.random.normal(ks[0], (1, 64, 64, 64), dtype=jnp.float32)
    dynamic_repr = jax.random.normal(ks[1], (1, 4, 64, 64, 64), dtype=jnp.float32)
    ray_origins = jax.random.normal(ks[2], (N_RAYS, 3), dtype=jnp.float32)
    d = jax.random.normal(ks[3], (N_RAYS, 3), dtype=jnp.float32)
    ray_directions = d / jnp.linalg.norm(d, axis=-1, keepdims=True)
    W1 = jax.random.normal(ks[4], (6, 128), dtype=jnp.float32) * 0.2
    b1 = jnp.zeros((128,), dtype=jnp.float32)
    W2 = jax.random.normal(ks[5], (128, 64), dtype=jnp.float32) * 0.1
    b2 = jnp.zeros((64,), dtype=jnp.float32)
    W3 = jax.random.normal(ks[6], (64, 1), dtype=jnp.float32) * 0.1
    b3 = jnp.zeros((1,), dtype=jnp.float32)
    return {
        'static_repr': static_repr,
        'dynamic_repr': dynamic_repr,
        'ray_origins': ray_origins,
        'ray_directions': ray_directions,
        'W1': W1, 'b1': b1, 'W2': W2, 'b2': b2, 'W3': W3, 'b3': b3,
    }


def _mlp(x, W1, b1, W2, b2, W3, b3):
    h = jax.nn.relu(x @ W1 + b1)
    h = jax.nn.relu(h @ W2 + b2)
    return h @ W3 + b3


def _sample_pdf(bins, weights, n_samples):
    weights = weights + 1e-05
    pdf = weights / jnp.sum(weights, -1, keepdims=True)
    cdf = jnp.cumsum(pdf, -1)
    cdf = jnp.concatenate([jnp.zeros_like(cdf[..., :1]), cdf], -1)
    u = jnp.linspace(0.0, 1.0, n_samples, dtype=cdf.dtype)
    u = jnp.broadcast_to(u, cdf.shape[:-1] + (n_samples,))
    inds = jax.vmap(lambda c, uu: jnp.searchsorted(c, uu, side='right'))(cdf, u)
    below = jnp.maximum(jnp.zeros_like(inds - 1), inds - 1)
    above = jnp.minimum((cdf.shape[-1] - 1) * jnp.ones_like(inds), inds)
    inds_g = jnp.stack([below, above], -1)
    matched = (inds_g.shape[0], inds_g.shape[1], cdf.shape[-1])
    cdf_e = jnp.broadcast_to(cdf[:, None, :], matched)
    bins_e = jnp.broadcast_to(bins[:, None, :], matched)
    cdf_g = jnp.take_along_axis(cdf_e, inds_g, axis=2)
    bins_g = jnp.take_along_axis(bins_e, inds_g, axis=2)
    denom = cdf_g[..., 1] - cdf_g[..., 0]
    denom = jnp.where(denom < 1e-05, jnp.ones_like(denom), denom)
    t = (u - cdf_g[..., 0]) / denom
    samples = bins_g[..., 0] + t * (bins_g[..., 1] - bins_g[..., 0])
    return samples


def reference(static_repr, dynamic_repr, ray_origins, ray_directions, W1, b1, W2, b2, W3, b3):
    N = ray_origins.shape[0]
    t_vals = jnp.linspace(0.0, 1.0, N_SAMPLES, dtype=jnp.float32)
    z_vals = NEAR * (1.0 - t_vals) + FAR * t_vals
    z_vals = jnp.broadcast_to(z_vals, (N, N_SAMPLES))
    # perturb == 0.0, so no stratified jitter (deterministic)
    pts = ray_origins[..., None, :] + ray_directions[..., None, :] * z_vals[..., :, None]
    pts_flat = pts.reshape(-1, 3)
    dirs_flat = jnp.broadcast_to(ray_directions[..., None, :], pts.shape).reshape(-1, 3)
    inputs = jnp.concatenate([pts_flat, dirs_flat], -1)
    weights = _mlp(inputs, W1, b1, W2, b2, W3, b3).reshape(N, N_SAMPLES)
    weights = jax.nn.softmax(weights, -1)
    z_vals_mid = 0.5 * (z_vals[..., 1:] + z_vals[..., :-1])
    z_samples = _sample_pdf(z_vals_mid, weights[..., 1:-1], N_IMPORTANCE)
    z_all = jnp.sort(jnp.concatenate([z_vals, z_samples], -1), -1)
    z_all = jax.lax.stop_gradient(z_all)  # torch.no_grad() + detach()
    pts2 = ray_origins[..., None, :] + ray_directions[..., None, :] * z_all[..., :, None]
    dirs_exp = jnp.broadcast_to(ray_directions[..., None, :], pts2.shape)
    return (pts2, dirs_exp, z_all)

if __name__ == "__main__":
    import jax
    _d = setup_inputs()
    print(jax.jit(kernel)(*tuple(_d.values())))

</pallas_src>

<mosaic_0001>
#map = affine_map<(d0, d1) -> (0)>
module attributes {stable_mosaic.version = 14 : i64} {
  func.func @_sc_body(%arg0: i32, %arg1: i32, %arg2: memref<1048576xf32, #tpu.memory_space<hbm>>, %arg3: memref<64xf32, #tpu.memory_space<hbm>>, %arg4: memref<64xf32, #tpu.memory_space<hbm>>, %arg5: memref<64xf32, #tpu.memory_space<hbm>>, %arg6: memref<2097152xf32, #tpu.memory_space<hbm>>, %arg7: memref<32768xf32, #tpu.memory_space<vmem>>, %arg8: memref<65536xf32, #tpu.memory_space<vmem>>, %arg9: memref<64xf32, #tpu.memory_space<vmem>>, %arg10: memref<64xf32, #tpu.memory_space<vmem>>, %arg11: memref<64xf32, #tpu.memory_space<vmem>>, %arg12: memref<64xf32, #tpu.memory_space<vmem>>, %arg13: memref<80xi32, #tpu.memory_space<vmem>>, %arg14: memref<80xi32, #tpu.memory_space<vmem>>, %arg15: memref<64xf32, #tpu.memory_space<vmem>>, %arg16: memref<80xi32, #tpu.memory_space<vmem>>, %arg17: memref<80xi32, #tpu.memory_space<vmem>>) attributes {dimension_semantics = [#tpu.dimension_semantics<core_parallel>, #tpu.dimension_semantics<subcore_parallel>], iteration_bounds = array<i64: 2, 16>, scalar_prefetch = 0 : i64, scratch_operands = 11 : i64, tpu.core_type = #tpu.core_type<sc_vector_subcore>, window_params = [{transform_indices = #map}, {transform_indices = #map}, {transform_indices = #map}, {transform_indices = #map}, {transform_indices = #map}]} {
    %mul3A = arith.constant 2 : i32
    %mul3A_0 = arith.muli %arg1, %mul3A : i32
    %add3A = arith.addi %mul3A_0, %arg0 : i32
    %mul3A_1 = arith.constant 512 : i32
    %mul3A_2 = arith.muli %add3A, %mul3A_1 : i32
    %mul3A_3 = arith.constant 64 : i32
    %mul3A_4 = arith.muli %mul3A_2, %mul3A_3 : i32
    "tpu.region"() ({
      %run_scoped3A = tpu.sem_alloc : memref<!tpu.dma_semaphore, #tpu.memory_space<semaphore_mem>>
      %dma_start3A = tpu.memref_slice %arg2[%mul3A_4] : memref<1048576xf32, #tpu.memory_space<hbm>> -> memref<32768xf32, #tpu.memory_space<hbm>>
      %dma_start3A_45 = tpu.memref_slice %arg2[%mul3A_4] : memref<1048576xf32, #tpu.memory_space<hbm>> -> memref<32768xf32, #tpu.memory_space<hbm>>
      tpu.enqueue_dma source(%dma_start3A_45 : memref<32768xf32, #tpu.memory_space<hbm>>) target(%arg7 : memref<32768xf32, #tpu.memory_space<vmem>>) target_semaphore(%run_scoped3A : memref<!tpu.dma_semaphore, #tpu.memory_space<semaphore_mem>>)
      %dma_wait3A = tpu.memref_slice %arg2[%mul3A_4] : memref<1048576xf32, #tpu.memory_space<hbm>> -> memref<32768xf32, #tpu.memory_space<hbm>>
      %dma_wait3A_46 = tpu.memref_slice %arg2[%mul3A_4] : memref<1048576xf32, #tpu.memory_space<hbm>> -> memref<32768xf32, #tpu.memory_space<hbm>>
      tpu.wait_dma2 semaphore(%run_scoped3A : memref<!tpu.dma_semaphore, #tpu.memory_space<semaphore_mem>>) src(%dma_wait3A_46 : memref<32768xf32, #tpu.memory_space<hbm>>) dst(%arg7 : memref<32768xf32, #tpu.memory_space<vmem>>)
      tpu.yield
    }) : () -> ()
    "tpu.region"() ({
      %run_scoped3A = tpu.sem_alloc : memref<!tpu.dma_semaphore, #tpu.memory_space<semaphore_mem>>
      tpu.enqueue_dma source(%arg3 : memref<64xf32, #tpu.memory_space<hbm>>) target(%arg9 : memref<64xf32, #tpu.memory_space<vmem>>) target_semaphore(%run_scoped3A : memref<!tpu.dma_semaphore, #tpu.memory_space<semaphore_mem>>)
      tpu.wait_dma2 semaphore(%run_scoped3A : memref<!tpu.dma_semaphore, #tpu.memory_space<semaphore_mem>>) src(%arg3 : memref<64xf32, #tpu.memory_space<hbm>>) dst(%arg9 : memref<64xf32, #tpu.memory_space<vmem>>)
      tpu.yield
    }) : () -> ()
    "tpu.region"() ({
      %run_scoped3A = tpu.sem_alloc : memref<!tpu.dma_semaphore, #tpu.memory_space<semaphore_mem>>
      tpu.enqueue_dma source(%arg4 : memref<64xf32, #tpu.memory_space<hbm>>) target(%arg10 : memref<64xf32, #tpu.memory_space<vmem>>) target_semaphore(%run_scoped3A : memref<!tpu.dma_semaphore, #tpu.memory_space<semaphore_mem>>)
      tpu.wait_dma2 semaphore(%run_scoped3A : memref<!tpu.dma_semaphore, #tpu.memory_space<semaphore_mem>>) src(%arg4 : memref<64xf32, #tpu.memory_space<hbm>>) dst(%arg10 : memref<64xf32, #tpu.memory_space<vmem>>)
      tpu.yield
    }) : () -> ()
    "tpu.region"() ({
      %run_scoped3A = tpu.sem_alloc : memref<!tpu.dma_semaphore, #tpu.memory_space<semaphore_mem>>
      tpu.enqueue_dma source(%arg5 : memref<64xf32, #tpu.memory_space<hbm>>) target(%arg11 : memref<64xf32, #tpu.memory_space<vmem>>) target_semaphore(%run_scoped3A : memref<!tpu.dma_semaphore, #tpu.memory_space<semaphore_mem>>)
      tpu.wait_dma2 semaphore(%run_scoped3A : memref<!tpu.dma_semaphore, #tpu.memory_space<semaphore_mem>>) src(%arg5 : memref<64xf32, #tpu.memory_space<hbm>>) dst(%arg11 : memref<64xf32, #tpu.memory_space<vmem>>)
      tpu.yield
    }) : () -> ()
    %iota3A = tpu.iota {dimensions = array<i32: 0>} : vector<16xi32>
    %broadcast_in_dim3A = arith.constant 1 : i32
    %broadcast_in_dim3A_5 = vector.broadcast %broadcast_in_dim3A : i32 to vector<16xi32>
    %broadcast_in_dim3A_6 = arith.constant 0 : i32
    %broadcast_in_dim3A_7 = vector.broadcast %broadcast_in_dim3A_6 : i32 to vector<16xi32>
    %get3A = arith.constant 0 : index
    %get3A_8 = tpu.vector_load %arg10[%get3A] {strides = array<i32>} : memref<64xf32, #tpu.memory_space<vmem>>, vector<16xf32>,
    %get3A_9 = arith.constant 16 : index
    %get3A_10 = tpu.vector_load %arg10[%get3A_9] {strides = array<i32>} : memref<64xf32, #tpu.memory_space<vmem>>, vector<16xf32>,
    %get3A_11 = arith.constant 32 : index
    %get3A_12 = tpu.vector_load %arg10[%get3A_11] {strides = array<i32>} : memref<64xf32, #tpu.memory_space<vmem>>, vector<16xf32>,
    %get3A_13 = arith.constant 48 : index
    %get3A_14 = tpu.vector_load %arg10[%get3A_13] {strides = array<i32>} : memref<64xf32, #tpu.memory_space<vmem>>, vector<16xf32>,
    %get3A_15 = arith.constant 0 : index
    %get3A_16 = tpu.vector_load %arg11[%get3A_15] {strides = array<i32>} : memref<64xf32, #tpu.memory_space<vmem>>, vector<16xf32>,
    %get3A_17 = arith.constant 16 : index
    %get3A_18 = tpu.vector_load %arg11[%get3A_17] {strides = array<i32>} : memref<64xf32, #tpu.memory_space<vmem>>, vector<16xf32>,
    %get3A_19 = arith.constant 32 : index
    %get3A_20 = tpu.vector_load %arg11[%get3A_19] {strides = array<i32>} : memref<64xf32, #tpu.memory_space<vmem>>, vector<16xf32>,
    %get3A_21 = arith.constant 48 : index
    %get3A_22 = tpu.vector_load %arg11[%get3A_21] {strides = array<i32>} : memref<64xf32, #tpu.memory_space<vmem>>, vector<16xf32>,
    %add3A_23 = arith.constant 0 : i32
    %add3A_24 = vector.broadcast %add3A_23 : i32 to vector<16xi32>
    %add3A_25 = arith.addi %iota3A, %add3A_24 : vector<16xi32>
    %add3A_26 = arith.constant 16 : i32
    %add3A_27 = vector.broadcast %add3A_26 : i32 to vector<16xi32>
    %add3A_28 = arith.addi %iota3A, %add3A_27 : vector<16xi32>
    %add3A_29 = arith.constant 32 : i32
    %add3A_30 = vector.broadcast %add3A_29 : i32 to vector<16xi32>
    %add3A_31 = arith.addi %iota3A, %add3A_30 : vector<16xi32>
    %add3A_32 = arith.constant 48 : i32
    %add3A_33 = vector.broadcast %add3A_32 : i32 to vector<16xi32>
    %add3A_34 = arith.addi %iota3A, %add3A_33 : vector<16xi32>
    %convert_element_type3A = arith.sitofp %add3A_25 : vector<16xi32> to vector<16xf32>
    %convert_element_type3A_35 = arith.sitofp %add3A_28 : vector<16xi32> to vector<16xf32>
    %convert_element_type3A_36 = arith.sitofp %add3A_31 : vector<16xi32> to vector<16xf32>
    %convert_element_type3A_37 = arith.sitofp %add3A_34 : vector<16xi32> to vector<16xf32>
    %scan3A = arith.constant 0 : i32
    %scan3A_38 = arith.constant 0 : i32
    %scan3A_39 = arith.constant 256 : i32
    %scan3A_40 = arith.addi %scan3A_38, %scan3A_39 : i32
    %scan3A_41 = arith.constant 1 : i32
    scf.for %scan3A_45 = %scan3A_38 to %scan3A_40 step %scan3A_41  : i32 {
      %mul3A_46 = arith.constant 2 : i32
      %mul3A_47 = arith.muli %mul3A_46, %scan3A_45 : i32
      %mul3A_48 = arith.constant 64 : i32
      %mul3A_49 = arith.muli %mul3A_47, %mul3A_48 : i32
      %add3A_50 = arith.constant 0 : i32
      %add3A_51 = arith.addi %mul3A_49, %add3A_50 : i32
      %get3A_52 = arith.index_cast %add3A_51 : i32 to index
      %get3A_53 = tpu.vector_load %arg7[%get3A_52] {strides = array<i32>} : memref<32768xf32, #tpu.memory_space<vmem>>, vector<16xf32>,
      %add3A_54 = arith.constant 16 : i32
      %add3A_55 = arith.addi %mul3A_49, %add3A_54 : i32
      %get3A_56 = arith.index_cast %add3A_55 : i32 to index
      %get3A_57 = tpu.vector_load %arg7[%get3A_56] {strides = array<i32>} : memref<32768xf32, #tpu.memory_space<vmem>>, vector<16xf32>,
      %add3A_58 = arith.constant 32 : i32
      %add3A_59 = arith.addi %mul3A_49, %add3A_58 : i32
      %get3A_60 = arith.index_cast %add3A_59 : i32 to index
      %get3A_61 = tpu.vector_load %arg7[%get3A_60] {strides = array<i32>} : memref<32768xf32, #tpu.memory_space<vmem>>, vector<16xf32>,
      %add3A_62 = arith.constant 48 : i32
      %add3A_63 = arith.addi %mul3A_49, %add3A_62 : i32
      %get3A_64 = arith.index_cast %add3A_63 : i32 to index
      %get3A_65 = tpu.vector_load %arg7[%get3A_64] {strides = array<i32>} : memref<32768xf32, #tpu.memory_space<vmem>>, vector<16xf32>,
      %max3A = arith.maximumf %get3A_53, %get3A_57 : vector<16xf32>
      %max3A_66 = arith.maximumf %get3A_61, %get3A_65 : vector<16xf32>
      %max3A_67 = arith.maximumf %max3A, %max3A_66 : vector<16xf32>
      %reduce_max3A = arith.constant true
      %reduce_max3A_68 = vector.broadcast %reduce_max3A : i1 to vector<16xi1>
      %reduce_max3A_69 = tpu.scan <max>, %max3A_67 masked %reduce_max3A_68 : vector<16xf32>, vector<16xi1> -> vector<16xf32>
      %reduce_max3A_70 = vector.extract %reduce_max3A_69[15] : f32 from vector<16xf32>
      %sub3A = vector.broadcast %reduce_max3A_70 : f32 to vector<16xf32>
      %sub3A_71 = arith.subf %get3A_53, %sub3A : vector<16xf32>
      %exp3A = math.exp %sub3A_71 : vector<16xf32>
      %sub3A_72 = vector.broadcast %reduce_max3A_70 : f32 to vector<16xf32>
      %sub3A_73 = arith.subf %get3A_57, %sub3A_72 : vector<16xf32>
      %exp3A_74 = math.exp %sub3A_73 : vector<16xf32>
      %sub3A_75 = vector.broadcast %reduce_max3A_70 : f32 to vector<16xf32>
      %sub3A_76 = arith.subf %get3A_61, %sub3A_75 : vector<16xf32>
      %exp3A_77 = math.exp %sub3A_76 : vector<16xf32>
      %sub3A_78 = vector.broadcast %reduce_max3A_70 : f32 to vector<16xf32>
      %sub3A_79 = arith.subf %get3A_65, %sub3A_78 : vector<16xf32>
      %exp3A_80 = math.exp %sub3A_79 : vector<16xf32>
      %broadcast_in_dim3A_81 = arith.constant true
      %broadcast_in_dim3A_82 = vector.broadcast %broadcast_in_dim3A_81 : i1 to vector<16xi1>
      %masked_cumsum3A = tpu.scan <sum>, %exp3A masked %broadcast_in_dim3A_82 : vector<16xf32>, vector<16xi1> -> vector<16xf32>
      %broadcast_in_dim3A_83 = arith.constant true
      %broadcast_in_dim3A_84 = vector.broadcast %broadcast_in_dim3A_83 : i1 to vector<16xi1>
      %masked_cumsum3A_85 = tpu.scan <sum>, %exp3A_74 masked %broadcast_in_dim3A_84 : vector<16xf32>, vector<16xi1> -> vector<16xf32>
      %broadcast_in_dim3A_86 = arith.constant true
      %broadcast_in_dim3A_87 = vector.broadcast %broadcast_in_dim3A_86 : i1 to vector<16xi1>
      %masked_cumsum3A_88 = tpu.scan <sum>, %exp3A_77 masked %broadcast_in_dim3A_87 : vector<16xf32>, vector<16xi1> -> vector<16xf32>
      %broadcast_in_dim3A_89 = arith.constant true
      %broadcast_in_dim3A_90 = vector.broadcast %broadcast_in_dim3A_89 : i1 to vector<16xi1>
      %masked_cumsum3A_91 = tpu.scan <sum>, %exp3A_80 masked %broadcast_in_dim3A_90 : vector<16xf32>, vector<16xi1> -> vector<16xf32>
      %slice3A = vector.extract_strided_slice %masked_cumsum3A {offsets = [15], sizes = [1], strides = [1]} : vector<16xf32> to vector<1xf32>
      %squeeze3A = vector.extract %slice3A[0] : f32 from vector<1xf32>
      %slice3A_92 = vector.extract_strided_slice %masked_cumsum3A_85 {offsets = [15], sizes = [1], strides = [1]} : vector<16xf32> to vector<1xf32>
      %squeeze3A_93 = vector.extract %slice3A_92[0] : f32 from vector<1xf32>
      %add3A_94 = arith.addf %squeeze3A, %squeeze3A_93 : f32
      %slice3A_95 = vector.extract_strided_slice %masked_cumsum3A_88 {offsets = [15], sizes = [1], strides = [1]} : vector<16xf32> to vector<1xf32>
      %squeeze3A_96 = vector.extract %slice3A_95[0] : f32 from vector<1xf32>
      %add3A_97 = arith.addf %add3A_94, %squeeze3A_96 : f32
      %slice3A_98 = vector.extract_strided_slice %masked_cumsum3A_91 {offsets = [15], sizes = [1], strides = [1]} : vector<16xf32> to vector<1xf32>
      %squeeze3A_99 = vector.extract %slice3A_98[0] : f32 from vector<1xf32>
      %add3A_100 = arith.addf %add3A_97, %squeeze3A_99 : f32
      %slice3A_101 = vector.extract_strided_slice %masked_cumsum3A {offsets = [0], sizes = [1], strides = [1]} : vector<16xf32> to vector<1xf32>
      %squeeze3A_102 = vector.extract %slice3A_101[0] : f32 from vector<1xf32>
      %slice3A_103 = vector.extract_strided_slice %masked_cumsum3A_91 {offsets = [14], sizes = [1], strides = [1]} : vector<16xf32> to vector<1xf32>
      %squeeze3A_104 = vector.extract %slice3A_103[0] : f32 from vector<1xf32>
      %add3A_105 = arith.addf %squeeze3A_104, %add3A_97 : f32
      %mul3A_106 = arith.constant 9.99999974E-6 : f32
      %mul3A_107 = arith.mulf %mul3A_106, %add3A_100 : f32
      %sub3A_108 = arith.subf %add3A_105, %squeeze3A_102 : f32
      %mul3A_109 = arith.constant 6.200000e+01 : f32
      %mul3A_110 = arith.mulf %mul3A_109, %mul3A_107 : f32
      %add3A_111 = arith.addf %sub3A_108, %mul3A_110 : f32
      %broadcast_in_dim3A_112 = arith.constant 0.000000e+00 : f32
      %broadcast_in_dim3A_113 = vector.broadcast %broadcast_in_dim3A_112 : f32 to vector<16xf32>
      %add3A_114 = vector.broadcast %add3A_111 : f32 to vector<16xf32>
      %add3A_115 = arith.addf %broadcast_in_dim3A_113, %add3A_114 : vector<16xf32>
      %swap3A = arith.constant 0 : index
      %swap3A_116 = tpu.vector_load %arg13[%swap3A] {strides = array<i32>} : memref<80xi32, #tpu.memory_space<vmem>>, vector<16xi32>,
      tpu.vector_store %arg13[%swap3A], %broadcast_in_dim3A_7 {strides = array<i32>} : memref<80xi32, #tpu.memory_space<vmem>>, vector<16xi32>,
      %swap3A_117 = arith.constant 0 : index
      %swap3A_118 = tpu.vector_load %arg14[%swap3A_117] {strides = array<i32>} : memref<80xi32, #tpu.memory_space<vmem>>, vector<16xi32>,
      tpu.vector_store %arg14[%swap3A_117], %broadcast_in_dim3A_7 {strides = array<i32>} : memref<80xi32, #tpu.memory_space<vmem>>, vector<16xi32>,
      %swap3A_119 = arith.constant 16 : index
      %swap3A_120 = tpu.vector_load %arg13[%swap3A_119] {strides = array<i32>} : memref<80xi32, #tpu.memory_space<vmem>>, vector<16xi32>,
      tpu.vector_store %arg13[%swap3A_119], %broadcast_in_dim3A_7 {strides = array<i32>} : memref<80xi32, #tpu.memory_space<vmem>>, vector<16xi32>,
      %swap3A_121 = arith.constant 16 : index
      %swap3A_122 = tpu.vector_load %arg14[%swap3A_121] {strides = array<i32>} : memref<80xi32, #tpu.memory_space<vmem>>, vector<16xi32>,
      tpu.vector_store %arg14[%swap3A_121], %broadcast_in_dim3A_7 {strides = array<i32>} : memref<80xi32, #tpu.memory_space<vmem>>, vector<16xi32>,
      %swap3A_123 = arith.constant 32 : index
      %swap3A_124 = tpu.vector_load %arg13[%swap3A_123] {strides = array<i32>} : memref<80xi32, #tpu.memory_space<vmem>>, vector<16xi32>,
      tpu.vector_store %arg13[%swap3A_123], %broadcast_in_dim3A_7 {strides = array<i32>} : memref<80xi32, #tpu.memory_space<vmem>>, vector<16xi32>,
      %swap3A_125 = arith.constant 32 : index
      %swap3A_126 = tpu.vector_load %arg14[%swap3A_125] {strides = array<i32>} : memref<80xi32, #tpu.memory_space<vmem>>, vector<16xi32>,
      tpu.vector_store %arg14[%swap3A_125], %broadcast_in_dim3A_7 {strides = array<i32>} : memref<80xi32, #tpu.memory_space<vmem>>, vector<16xi32>,
      %swap3A_127 = arith.constant 48 : index
      %swap3A_128 = tpu.vector_load %arg13[%swap3A_127] {strides = array<i32>} : memref<80xi32, #tpu.memory_space<vmem>>, vector<16xi32>,
      tpu.vector_store %arg13[%swap3A_127], %broadcast_in_dim3A_7 {strides = array<i32>} : memref<80xi32, #tpu.memory_space<vmem>>, vector<16xi32>,
      %swap3A_129 = arith.constant 48 : index
      %swap3A_130 = tpu.vector_load %arg14[%swap3A_129] {strides = array<i32>} : memref<80xi32, #tpu.memory_space<vmem>>, vector<16xi32>,
      tpu.vector_store %arg14[%swap3A_129], %broadcast_in_dim3A_7 {strides = array<i32>} : memref<80xi32, #tpu.memory_space<vmem>>, vector<16xi32>,
      %swap3A_131 = arith.constant 64 : index
      %swap3A_132 = tpu.vector_load %arg13[%swap3A_131] {strides = array<i32>} : memref<80xi32, #tpu.memory_space<vmem>>, vector<16xi32>,
      tpu.vector_store %arg13[%swap3A_131], %broadcast_in_dim3A_7 {strides = array<i32>} : memref<80xi32, #tpu.memory_space<vmem>>, vector<16xi32>,
      %swap3A_133 = arith.constant 64 : index
      %swap3A_134 = tpu.vector_load %arg14[%swap3A_133] {strides = array<i32>} : memref<80xi32, #tpu.memory_space<vmem>>, vector<16xi32>,
      tpu.vector_store %arg14[%swap3A_133], %broadcast_in_dim3A_7 {strides = array<i32>} : memref<80xi32, #tpu.memory_space<vmem>>, vector<16xi32>,
      %add3A_135 = arith.constant 0.000000e+00 : f32
      %add3A_136 = vector.broadcast %add3A_135 : f32 to vector<16xf32>
      %add3A_137 = arith.addf %masked_cumsum3A, %add3A_136 : vector<16xf32>
      %sub3A_138 = vector.broadcast %squeeze3A_102 : f32 to vector<16xf32>
      %sub3A_139 = arith.subf %add3A_137, %sub3A_138 : vector<16xf32>
      %mul3A_140 = vector.broadcast %mul3A_107 : f32 to vector<16xf32>
      %mul3A_141 = arith.mulf %convert_element_type3A, %mul3A_140 : vector<16xf32>
      %add3A_142 = arith.addf %sub3A_139, %mul3A_141 : vector<16xf32>
      %div3A = arith.divf %add3A_142, %add3A_115 : vector<16xf32>
      %swap3A_143 = arith.constant 0 : index
      %swap3A_144 = tpu.vector_load %arg12[%swap3A_143] {strides = array<i32>} : memref<64xf32, #tpu.memory_space<vmem>>, vector<16xf32>,
      tpu.vector_store %arg12[%swap3A_143], %div3A {strides = array<i32>} : memref<64xf32, #tpu.memory_space<vmem>>, vector<16xf32>,
      %mul3A_145 = arith.constant 6.300000e+01 : f32
      %mul3A_146 = vector.broadcast %mul3A_145 : f32 to vector<16xf32>
      %mul3A_147 = arith.mulf %div3A, %mul3A_146 : vector<16xf32>
      %convert_element_type3A_148 = arith.fptosi %mul3A_147 : vector<16xf32> to vector<16xi32>
      %convert_element_type3A_149 = arith.sitofp %convert_element_type3A_148 : vector<16xi32> to vector<16xf32>
      %lt3A = arith.cmpf olt, %convert_element_type3A_149, %mul3A_147 : vector<16xf32>
      %jit3A = arith.constant 1 : i32
      %jit3A_150 = arith.constant 0 : i32
      %broadcast_in_dim3A_151 = vector.broadcast %jit3A : i32 to vector<16xi32>
      %broadcast_in_dim3A_152 = vector.broadcast %jit3A_150 : i32 to vector<16xi32>
      %select_n3A = arith.select %lt3A, %broadcast_in_dim3A_151, %broadcast_in_dim3A_152 : vector<16xi1>, vector<16xi32>
      %add3A_153 = arith.addi %convert_element_type3A_148, %select_n3A : vector<16xi32>
      tpu.vector_store_idx %arg13[%add3A_153], %broadcast_in_dim3A_5 {add = true} : memref<80xi32, #tpu.memory_space<vmem>>[vector<16xi32>], vector<16xi32>,
      %add3A_154 = vector.broadcast %squeeze3A : f32 to vector<16xf32>
      %add3A_155 = arith.addf %masked_cumsum3A_85, %add3A_154 : vector<16xf32>
      %sub3A_156 = vector.broadcast %squeeze3A_102 : f32 to vector<16xf32>
      %sub3A_157 = arith.subf %add3A_155, %sub3A_156 : vector<16xf32>
      %mul3A_158 = vector.broadcast %mul3A_107 : f32 to vector<16xf32>
      %mul3A_159 = arith.mulf %convert_element_type3A_35, %mul3A_158 : vector<16xf32>
      %add3A_160 = arith.addf %sub3A_157, %mul3A_159 : vector<16xf32>
      %div3A_161 = arith.divf %add3A_160, %add3A_115 : vector<16xf32>
      %swap3A_162 = arith.constant 16 : index
      %swap3A_163 = tpu.vector_load %arg12[%swap3A_162] {strides = array<i32>} : memref<64xf32, #tpu.memory_space<vmem>>, vector<16xf32>,
      tpu.vector_store %arg12[%swap3A_162], %div3A_161 {strides = array<i32>} : memref<64xf32, #tpu.memory_space<vmem>>, vector<16xf32>,
      %mul3A_164 = arith.constant 6.300000e+01 : f32
      %mul3A_165 = vector.broadcast %mul3A_164 : f32 to vector<16xf32>
      %mul3A_166 = arith.mulf %div3A_161, %mul3A_165 : vector<16xf32>
      %convert_element_type3A_167 = arith.fptosi %mul3A_166 : vector<16xf32> to vector<16xi32>
      %convert_element_type3A_168 = arith.sitofp %convert_element_type3A_167 : vector<16xi32> to vector<16xf32>
      %lt3A_169 = arith.cmpf olt, %convert_element_type3A_168, %mul3A_166 : vector<16xf32>
      %jit3A_170 = arith.constant 1 : i32
      %jit3A_171 = arith.constant 0 : i32
      %broadcast_in_dim3A_172 = vector.broadcast %jit3A_170 : i32 to vector<16xi32>
      %broadcast_in_dim3A_173 = vector.broadcast %jit3A_171 : i32 to vector<16xi32>
      %select_n3A_174 = arith.select %lt3A_169, %broadcast_in_dim3A_172, %broadcast_in_dim3A_173 : vector<16xi1>, vector<16xi32>
      %add3A_175 = arith.addi %convert_element_type3A_167, %select_n3A_174 : vector<16xi32>
      tpu.vector_store_idx %arg13[%add3A_175], %broadcast_in_dim3A_5 {add = true} : memref<80xi32, #tpu.memory_space<vmem>>[vector<16xi32>], vector<16xi32>,
      %add3A_176 = vector.broadcast %add3A_94 : f32 to vector<16xf32>
      %add3A_177 = arith.addf %masked_cumsum3A_88, %add3A_176 : vector<16xf32>
      %sub3A_178 = vector.broadcast %squeeze3A_102 : f32 to vector<16xf32>
      %sub3A_179 = arith.subf %add3A_177, %sub3A_178 : vector<16xf32>
      %mul3A_180 = vector.broadcast %mul3A_107 : f32 to vector<16xf32>
      %mul3A_181 = arith.mulf %convert_element_type3A_36, %mul3A_180 : vector<16xf32>
      %add3A_182 = arith.addf %sub3A_179, %mul3A_181 : vector<16xf32>
      %div3A_183 = arith.divf %add3A_182, %add3A_115 : vector<16xf32>
      %swap3A_184 = arith.constant 32 : index
      %swap3A_185 = tpu.vector_load %arg12[%swap3A_184] {strides = array<i32>} : memref<64xf32, #tpu.memory_space<vmem>>, vector<16xf32>,
      tpu.vector_store %arg12[%swap3A_184], %div3A_183 {strides = array<i32>} : memref<64xf32, #tpu.memory_space<vmem>>, vector<16xf32>,
      %mul3A_186 = arith.constant 6.300000e+01 : f32
      %mul3A_187 = vector.broadcast %mul3A_186 : f32 to vector<16xf32>
      %mul3A_188 = arith.mulf %div3A_183, %mul3A_187 : vector<16xf32>
      %convert_element_type3A_189 = arith.fptosi %mul3A_188 : vector<16xf32> to vector<16xi32>
      %convert_element_type3A_190 = arith.sitofp %convert_element_type3A_189 : vector<16xi32> to vector<16xf32>
      %lt3A_191 = arith.cmpf olt, %convert_element_type3A_190, %mul3A_188 : vector<16xf32>
      %jit3A_192 = arith.constant 1 : i32
      %jit3A_193 = arith.constant 0 : i32
      %broadcast_in_dim3A_194 = vector.broadcast %jit3A_192 : i32 to vector<16xi32>
      %broadcast_in_dim3A_195 = vector.broadcast %jit3A_193 : i32 to vector<16xi32>
      %select_n3A_196 = arith.select %lt3A_191, %broadcast_in_dim3A_194, %broadcast_in_dim3A_195 : vector<16xi1>, vector<16xi32>
      %add3A_197 = arith.addi %convert_element_type3A_189, %select_n3A_196 : vector<16xi32>
      tpu.vector_store_idx %arg13[%add3A_197], %broadcast_in_dim3A_5 {add = true} : memref<80xi32, #tpu.memory_space<vmem>>[vector<16xi32>], vector<16xi32>,
      %add3A_198 = vector.broadcast %add3A_97 : f32 to vector<16xf32>
      %add3A_199 = arith.addf %masked_cumsum3A_91, %add3A_198 : vector<16xf32>
      %sub3A_200 = vector.broadcast %squeeze3A_102 : f32 to vector<16xf32>
      %sub3A_201 = arith.subf %add3A_199, %sub3A_200 : vector<16xf32>
      %mul3A_202 = vector.broadcast %mul3A_107 : f32 to vector<16xf32>
      %mul3A_203 = arith.mulf %convert_element_type3A_37, %mul3A_202 : vector<16xf32>
      %add3A_204 = arith.addf %sub3A_201, %mul3A_203 : vector<16xf32>
      %div3A_205 = arith.divf %add3A_204, %add3A_115 : vector<16xf32>
      %swap3A_206 = arith.constant 48 : index
      %swap3A_207 = tpu.vector_load %arg12[%swap3A_206] {strides = array<i32>} : memref<64xf32, #tpu.memory_space<vmem>>, vector<16xf32>,
      tpu.vector_store %arg12[%swap3A_206], %div3A_205 {strides = array<i32>} : memref<64xf32, #tpu.memory_space<vmem>>, vector<16xf32>,
      %mul3A_208 = arith.constant 6.300000e+01 : f32
      %mul3A_209 = vector.broadcast %mul3A_208 : f32 to vector<16xf32>
      %mul3A_210 = arith.mulf %div3A_205, %mul3A_209 : vector<16xf32>
      %convert_element_type3A_211 = arith.fptosi %mul3A_210 : vector<16xf32> to vector<16xi32>
      %convert_element_type3A_212 = arith.sitofp %convert_element_type3A_211 : vector<16xi32> to vector<16xf32>
      %lt3A_213 = arith.cmpf olt, %convert_element_type3A_212, %mul3A_210 : vector<16xf32>
      %jit3A_214 = arith.constant 1 : i32
      %jit3A_215 = arith.constant 0 : i32
      %broadcast_in_dim3A_216 = vector.broadcast %jit3A_214 : i32 to vector<16xi32>
      %broadcast_in_dim3A_217 = vector.broadcast %jit3A_215 : i32 to vector<16xi32>
      %select_n3A_218 = arith.select %lt3A_213, %broadcast_in_dim3A_216, %broadcast_in_dim3A_217 : vector<16xi1>, vector<16xi32>
      %add3A_219 = arith.addi %convert_element_type3A_211, %select_n3A_218 : vector<16xi32>
      %lt3A_220 = arith.constant 15 : i32
      %lt3A_221 = vector.broadcast %lt3A_220 : i32 to vector<16xi32>
      %lt3A_222 = arith.cmpi slt, %iota3A, %lt3A_221 : vector<16xi32>
      tpu.vector_store_idx %arg13[%add3A_219], %broadcast_in_dim3A_5 masked %lt3A_222 {add = true} : memref<80xi32, #tpu.memory_space<vmem>>[vector<16xi32>], vector<16xi32>, vector<16xi1>
      %get3A_223 = arith.constant 0 : index
      %get3A_224 = tpu.vector_load %arg13[%get3A_223] {strides = array<i32>} : memref<80xi32, #tpu.memory_space<vmem>>, vector<16xi32>,
      %broadcast_in_dim3A_225 = arith.constant true
      %broadcast_in_dim3A_226 = vector.broadcast %broadcast_in_dim3A_225 : i1 to vector<16xi1>
      %masked_cumsum3A_227 = tpu.scan <sum>, %get3A_224 masked %broadcast_in_dim3A_226 : vector<16xi32>, vector<16xi1> -> vector<16xi32>
      %get3A_228 = arith.constant 16 : index
      %get3A_229 = tpu.vector_load %arg13[%get3A_228] {strides = array<i32>} : memref<80xi32, #tpu.memory_space<vmem>>, vector<16xi32>,
      %broadcast_in_dim3A_230 = arith.constant true
      %broadcast_in_dim3A_231 = vector.broadcast %broadcast_in_dim3A_230 : i1 to vector<16xi1>
      %masked_cumsum3A_232 = tpu.scan <sum>, %get3A_229 masked %broadcast_in_dim3A_231 : vector<16xi32>, vector<16xi1> -> vector<16xi32>
      %get3A_233 = arith.constant 32 : index
      %get3A_234 = tpu.vector_load %arg13[%get3A_233] {strides = array<i32>} : memref<80xi32, #tpu.memory_space<vmem>>, vector<16xi32>,
      %broadcast_in_dim3A_235 = arith.constant true
      %broadcast_in_dim3A_236 = vector.broadcast %broadcast_in_dim3A_235 : i1 to vector<16xi1>
      %masked_cumsum3A_237 = tpu.scan <sum>, %get3A_234 masked %broadcast_in_dim3A_236 : vector<16xi32>, vector<16xi1> -> vector<16xi32>
      %get3A_238 = arith.constant 48 : index
      %get3A_239 = tpu.vector_load %arg13[%get3A_238] {strides = array<i32>} : memref<80xi32, #tpu.memory_space<vmem>>, vector<16xi32>,
      %broadcast_in_dim3A_240 = arith.constant true
      %broadcast_in_dim3A_241 = vector.broadcast %broadcast_in_dim3A_240 : i1 to vector<16xi1>
      %masked_cumsum3A_242 = tpu.scan <sum>, %get3A_239 masked %broadcast_in_dim3A_241 : vector<16xi32>, vector<16xi1> -> vector<16xi32>
      %slice3A_243 = vector.extract_strided_slice %masked_cumsum3A_227 {offsets = [15], sizes = [1], strides = [1]} : vector<16xi32> to vector<1xi32>
      %squeeze3A_244 = vector.extract %slice3A_243[0] : i32 from vector<1xi32>
      %slice3A_245 = vector.extract_strided_slice %masked_cumsum3A_232 {offsets = [15], sizes = [1], strides = [1]} : vector<16xi32> to vector<1xi32>
      %squeeze3A_246 = vector.extract %slice3A_245[0] : i32 from vector<1xi32>
      %add3A_247 = arith.addi %squeeze3A_244, %squeeze3A_246 : i32
      %slice3A_248 = vector.extract_strided_slice %masked_cumsum3A_237 {offsets = [15], sizes = [1], strides = [1]} : vector<16xi32> to vector<1xi32>
      %squeeze3A_249 = vector.extract %slice3A_248[0] : i32 from vector<1xi32>
      %add3A_250 = arith.addi %add3A_247, %squeeze3A_249 : i32
      %mul3A_251 = arith.constant 128 : i32
      %mul3A_252 = arith.muli %mul3A_47, %mul3A_251 : i32
      %broadcast_in_dim3A_253 = vector.broadcast %mul3A_252 : i32 to vector<16xi32>
      %add3A_254 = arith.constant 0 : i32
      %add3A_255 = vector.broadcast %add3A_254 : i32 to vector<16xi32>
      %add3A_256 = arith.addi %masked_cumsum3A_227, %add3A_255 : vector<16xi32>
      %sub3A_257 = arith.constant 1 : i32
      %sub3A_258 = vector.broadcast %sub3A_257 : i32 to vector<16xi32>
      %sub3A_259 = arith.subi %add3A_256, %sub3A_258 : vector<16xi32>
      %min3A = arith.constant 62 : i32
      %min3A_260 = vector.broadcast %min3A : i32 to vector<16xi32>
      %min3A_261 = arith.minsi %add3A_256, %min3A_260 : vector<16xi32>
      %gather3A = tpu.vector_load_idx %arg12[%sub3A_259] : memref<64xf32, #tpu.memory_space<vmem>>[vector<16xi32>], vector<16xf32>,
      %gather3A_262 = tpu.vector_load_idx %arg12[%min3A_261] : memref<64xf32, #tpu.memory_space<vmem>>[vector<16xi32>], vector<16xf32>,
      %gather3A_263 = tpu.vector_load_idx %arg9[%sub3A_259] : memref<64xf32, #tpu.memory_space<vmem>>[vector<16xi32>], vector<16xf32>,
      %gather3A_264 = tpu.vector_load_idx %arg9[%min3A_261] : memref<64xf32, #tpu.memory_space<vmem>>[vector<16xi32>], vector<16xf32>,
      %sub3A_265 = arith.subf %gather3A_262, %gather3A : vector<16xf32>
      %lt3A_266 = arith.constant 9.99999974E-6 : f32
      %lt3A_267 = vector.broadcast %lt3A_266 : f32 to vector<16xf32>
      %lt3A_268 = arith.cmpf olt, %sub3A_265, %lt3A_267 : vector<16xf32>
      %jit3A_269 = arith.constant 1.000000e+00 : f32
      %broadcast_in_dim3A_270 = vector.broadcast %jit3A_269 : f32 to vector<16xf32>
      %select_n3A_271 = arith.select %lt3A_268, %broadcast_in_dim3A_270, %sub3A_265 : vector<16xi1>, vector<16xf32>
      %sub3A_272 = arith.subf %get3A_8, %gather3A : vector<16xf32>
      %div3A_273 = arith.divf %sub3A_272, %select_n3A_271 : vector<16xf32>
      %sub3A_274 = arith.subf %gather3A_264, %gather3A_263 : vector<16xf32>
      %mul3A_275 = arith.mulf %div3A_273, %sub3A_274 : vector<16xf32>
      %add3A_276 = arith.addf %gather3A_263, %mul3A_275 : vector<16xf32>
      %sub3A_277 = arith.constant 2.000000e+00 : f32
      %sub3A_278 = vector.broadcast %sub3A_277 : f32 to vector<16xf32>
      %sub3A_279 = arith.subf %add3A_276, %sub3A_278 : vector<16xf32>
      %mul3A_280 = arith.constant 1.575000e+01 : f32
      %mul3A_281 = vector.broadcast %mul3A_280 : f32 to vector<16xf32>
      %mul3A_282 = arith.mulf %sub3A_279, %mul3A_281 : vector<16xf32>
      %convert_element_type3A_283 = arith.fptosi %mul3A_282 : vector<16xf32> to vector<16xi32>
      %add3A_284 = arith.constant 1 : i32
      %add3A_285 = vector.broadcast %add3A_284 : i32 to vector<16xi32>
      %add3A_286 = arith.addi %convert_element_type3A_283, %add3A_285 : vector<16xi32>
      %max3A_287 = arith.constant 0 : i32
      %max3A_288 = vector.broadcast %max3A_287 : i32 to vector<16xi32>
      %max3A_289 = arith.maxsi %add3A_286, %max3A_288 : vector<16xi32>
      %min3A_290 = arith.constant 64 : i32
      %min3A_291 = vector.broadcast %min3A_290 : i32 to vector<16xi32>
      %min3A_292 = arith.minsi %max3A_289, %min3A_291 : vector<16xi32>
      %add3A_293 = arith.addi %broadcast_in_dim3A_253, %add3A_25 : vector<16xi32>
      %add3A_294 = arith.addi %add3A_293, %min3A_292 : vector<16xi32>
      tpu.vector_store_idx %arg8[%add3A_294], %add3A_276 : memref<65536xf32, #tpu.memory_space<vmem>>[vector<16xi32>], vector<16xf32>,
      tpu.vector_store_idx %arg14[%min3A_292], %broadcast_in_dim3A_5 {add = true} : memref<80xi32, #tpu.memory_space<vmem>>[vector<16xi32>], vector<16xi32>,
      %add3A_295 = vector.broadcast %squeeze3A_244 : i32 to vector<16xi32>
      %add3A_296 = arith.addi %masked_cumsum3A_232, %add3A_295 : vector<16xi32>
      %sub3A_297 = arith.constant 1 : i32
      %sub3A_298 = vector.broadcast %sub3A_297 : i32 to vector<16xi32>
      %sub3A_299 = arith.subi %add3A_296, %sub3A_298 : vector<16xi32>
      %min3A_300 = arith.constant 62 : i32
      %min3A_301 = vector.broadcast %min3A_300 : i32 to vector<16xi32>
      %min3A_302 = arith.minsi %add3A_296, %min3A_301 : vector<16xi32>
      %gather3A_303 = tpu.vector_load_idx %arg12[%sub3A_299] : memref<64xf32, #tpu.memory_space<vmem>>[vector<16xi32>], vector<16xf32>,
      %gather3A_304 = tpu.vector_load_idx %arg12[%min3A_302] : memref<64xf32, #tpu.memory_space<vmem>>[vector<16xi32>], vector<16xf32>,
      %gather3A_305 = tpu.vector_load_idx %arg9[%sub3A_299] : memref<64xf32, #tpu.memory_space<vmem>>[vector<16xi32>], vector<16xf32>,
      %gather3A_306 = tpu.vector_load_idx %arg9[%min3A_302] : memref<64xf32, #tpu.memory_space<vmem>>[vector<16xi32>], vector<16xf32>,
      %sub3A_307 = arith.subf %gather3A_304, %gather3A_303 : vector<16xf32>
      %lt3A_308 = arith.constant 9.99999974E-6 : f32
      %lt3A_309 = vector.broadcast %lt3A_308 : f32 to vector<16xf32>
      %lt3A_310 = arith.cmpf olt, %sub3A_307, %lt3A_309 : vector<16xf32>
      %jit3A_311 = arith.constant 1.000000e+00 : f32
      %broadcast_in_dim3A_312 = vector.broadcast %jit3A_311 : f32 to vector<16xf32>
      %select_n3A_313 = arith.select %lt3A_310, %broadcast_in_dim3A_312, %sub3A_307 : vector<16xi1>, vector<16xf32>
      %sub3A_314 = arith.subf %get3A_10, %gather3A_303 : vector<16xf32>
      %div3A_315 = arith.divf %sub3A_314, %select_n3A_313 : vector<16xf32>
      %sub3A_316 = arith.subf %gather3A_306, %gather3A_305 : vector<16xf32>
      %mul3A_317 = arith.mulf %div3A_315, %sub3A_316 : vector<16xf32>
      %add3A_318 = arith.addf %gather3A_305, %mul3A_317 : vector<16xf32>
      %sub3A_319 = arith.constant 2.000000e+00 : f32
      %sub3A_320 = vector.broadcast %sub3A_319 : f32 to vector<16xf32>
      %sub3A_321 = arith.subf %add3A_318, %sub3A_320 : vector<16xf32>
      %mul3A_322 = arith.constant 1.575000e+01 : f32
      %mul3A_323 = vector.broadcast %mul3A_322 : f32 to vector<16xf32>
      %mul3A_324 = arith.mulf %sub3A_321, %mul3A_323 : vector<16xf32>
      %convert_element_type3A_325 = arith.fptosi %mul3A_324 : vector<16xf32> to vector<16xi32>
      %add3A_326 = arith.constant 1 : i32
      %add3A_327 = vector.broadcast %add3A_326 : i32 to vector<16xi32>
      %add3A_328 = arith.addi %convert_element_type3A_325, %add3A_327 : vector<16xi32>
      %max3A_329 = arith.constant 0 : i32
      %max3A_330 = vector.broadcast %max3A_329 : i32 to vector<16xi32>
      %max3A_331 = arith.maxsi %add3A_328, %max3A_330 : vector<16xi32>
      %min3A_332 = arith.constant 64 : i32
      %min3A_333 = vector.broadcast %min3A_332 : i32 to vector<16xi32>
      %min3A_334 = arith.minsi %max3A_331, %min3A_333 : vector<16xi32>
      %add3A_335 = arith.addi %broadcast_in_dim3A_253, %add3A_28 : vector<16xi32>
      %add3A_336 = arith.addi %add3A_335, %min3A_334 : vector<16xi32>
      tpu.vector_store_idx %arg8[%add3A_336], %add3A_318 : memref<65536xf32, #tpu.memory_space<vmem>>[vector<16xi32>], vector<16xf32>,
      tpu.vector_store_idx %arg14[%min3A_334], %broadcast_in_dim3A_5 {add = true} : memref<80xi32, #tpu.memory_space<vmem>>[vector<16xi32>], vector<16xi32>,
      %add3A_337 = vector.broadcast %add3A_247 : i32 to vector<16xi32>
      %add3A_338 = arith.addi %masked_cumsum3A_237, %add3A_337 : vector<16xi32>
      %sub3A_339 = arith.constant 1 : i32
      %sub3A_340 = vector.broadcast %sub3A_339 : i32 to vector<16xi32>
      %sub3A_341 = arith.subi %add3A_338, %sub3A_340 : vector<16xi32>
      %min3A_342 = arith.constant 62 : i32
      %min3A_343 = vector.broadcast %min3A_342 : i32 to vector<16xi32>
      %min3A_344 = arith.minsi %add3A_338, %min3A_343 : vector<16xi32>
      %gather3A_345 = tpu.vector_load_idx %arg12[%sub3A_341] : memref<64xf32, #tpu.memory_space<vmem>>[vector<16xi32>], vector<16xf32>,
      %gather3A_346 = tpu.vector_load_idx %arg12[%min3A_344] : memref<64xf32, #tpu.memory_space<vmem>>[vector<16xi32>], vector<16xf32>,
      %gather3A_347 = tpu.vector_load_idx %arg9[%sub3A_341] : memref<64xf32, #tpu.memory_space<vmem>>[vector<16xi32>], vector<16xf32>,
      %gather3A_348 = tpu.vector_load_idx %arg9[%min3A_344] : memref<64xf32, #tpu.memory_space<vmem>>[vector<16xi32>], vector<16xf32>,
      %sub3A_349 = arith.subf %gather3A_346, %gather3A_345 : vector<16xf32>
      %lt3A_350 = arith.constant 9.99999974E-6 : f32
      %lt3A_351 = vector.broadcast %lt3A_350 : f32 to vector<16xf32>
      %lt3A_352 = arith.cmpf olt, %sub3A_349, %lt3A_351 : vector<16xf32>
      %jit3A_353 = arith.constant 1.000000e+00 : f32
      %broadcast_in_dim3A_354 = vector.broadcast %jit3A_353 : f32 to vector<16xf32>
      %select_n3A_355 = arith.select %lt3A_352, %broadcast_in_dim3A_354, %sub3A_349 : vector<16xi1>, vector<16xf32>
      %sub3A_356 = arith.subf %get3A_12, %gather3A_345 : vector<16xf32>
      %div3A_357 = arith.divf %sub3A_356, %select_n3A_355 : vector<16xf32>
      %sub3A_358 = arith.subf %gather3A_348, %gather3A_347 : vector<16xf32>
      %mul3A_359 = arith.mulf %div3A_357, %sub3A_358 : vector<16xf32>
      %add3A_360 = arith.addf %gather3A_347, %mul3A_359 : vector<16xf32>
      %sub3A_361 = arith.constant 2.000000e+00 : f32
      %sub3A_362 = vector.broadcast %sub3A_361 : f32 to vector<16xf32>
      %sub3A_363 = arith.subf %add3A_360, %sub3A_362 : vector<16xf32>
      %mul3A_364 = arith.constant 1.575000e+01 : f32
      %mul3A_365 = vector.broadcast %mul3A_364 : f32 to vector<16xf32>
      %mul3A_366 = arith.mulf %sub3A_363, %mul3A_365 : vector<16xf32>
      %convert_element_type3A_367 = arith.fptosi %mul3A_366 : vector<16xf32> to vector<16xi32>
      %add3A_368 = arith.constant 1 : i32
      %add3A_369 = vector.broadcast %add3A_368 : i32 to vector<16xi32>
      %add3A_370 = arith.addi %convert_element_type3A_367, %add3A_369 : vector<16xi32>
      %max3A_371 = arith.constant 0 : i32
      %max3A_372 = vector.broadcast %max3A_371 : i32 to vector<16xi32>
      %max3A_373 = arith.maxsi %add3A_370, %max3A_372 : vector<16xi32>
      %min3A_374 = arith.constant 64 : i32
      %min3A_375 = vector.broadcast %min3A_374 : i32 to vector<16xi32>
      %min3A_376 = arith.minsi %max3A_373, %min3A_375 : vector<16xi32>
      %add3A_377 = arith.addi %broadcast_in_dim3A_253, %add3A_31 : vector<16xi32>
      %add3A_378 = arith.addi %add3A_377, %min3A_376 : vector<16xi32>
      tpu.vector_store_idx %arg8[%add3A_378], %add3A_360 : memref<65536xf32, #tpu.memory_space<vmem>>[vector<16xi32>], vector<16xf32>,
      tpu.vector_store_idx %arg14[%min3A_376], %broadcast_in_dim3A_5 {add = true} : memref<80xi32, #tpu.memory_space<vmem>>[vector<16xi32>], vector<16xi32>,
      %add3A_379 = vector.broadcast %add3A_250 : i32 to vector<16xi32>
      %add3A_380 = arith.addi %masked_cumsum3A_242, %add3A_379 : vector<16xi32>
      %sub3A_381 = arith.constant 1 : i32
      %sub3A_382 = vector.broadcast %sub3A_381 : i32 to vector<16xi32>
      %sub3A_383 = arith.subi %add3A_380, %sub3A_382 : vector<16xi32>
      %min3A_384 = arith.constant 62 : i32
      %min3A_385 = vector.broadcast %min3A_384 : i32 to vector<16xi32>
      %min3A_386 = arith.minsi %add3A_380, %min3A_385 : vector<16xi32>
      %gather3A_387 = tpu.vector_load_idx %arg12[%sub3A_383] : memref<64xf32, #tpu.memory_space<vmem>>[vector<16xi32>], vector<16xf32>,
      %gather3A_388 = tpu.vector_load_idx %arg12[%min3A_386] : memref<64xf32, #tpu.memory_space<vmem>>[vector<16xi32>], vector<16xf32>,
      %gather3A_389 = tpu.vector_load_idx %arg9[%sub3A_383] : memref<64xf32, #tpu.memory_space<vmem>>[vector<16xi32>], vector<16xf32>,
      %gather3A_390 = tpu.vector_load_idx %arg9[%min3A_386] : memref<64xf32, #tpu.memory_space<vmem>>[vector<16xi32>], vector<16xf32>,
      %sub3A_391 = arith.subf %gather3A_388, %gather3A_387 : vector<16xf32>
      %lt3A_392 = arith.constant 9.99999974E-6 : f32
      %lt3A_393 = vector.broadcast %lt3A_392 : f32 to vector<16xf32>
      %lt3A_394 = arith.cmpf olt, %sub3A_391, %lt3A_393 : vector<16xf32>
      %jit3A_395 = arith.constant 1.000000e+00 : f32
      %broadcast_in_dim3A_396 = vector.broadcast %jit3A_395 : f32 to vector<16xf32>
      %select_n3A_397 = arith.select %lt3A_394, %broadcast_in_dim3A_396, %sub3A_391 : vector<16xi1>, vector<16xf32>
      %sub3A_398 = arith.subf %get3A_14, %gather3A_387 : vector<16xf32>
      %div3A_399 = arith.divf %sub3A_398, %select_n3A_397 : vector<16xf32>
      %sub3A_400 = arith.subf %gather3A_390, %gather3A_389 : vector<16xf32>
      %mul3A_401 = arith.mulf %div3A_399, %sub3A_400 : vector<16xf32>
      %add3A_402 = arith.addf %gather3A_389, %mul3A_401 : vector<16xf32>
      %sub3A_403 = arith.constant 2.000000e+00 : f32
      %sub3A_404 = vector.broadcast %sub3A_403 : f32 to vector<16xf32>
      %sub3A_405 = arith.subf %add3A_402, %sub3A_404 : vector<16xf32>
      %mul3A_406 = arith.constant 1.575000e+01 : f32
      %mul3A_407 = vector.broadcast %mul3A_406 : f32 to vector<16xf32>
      %mul3A_408 = arith.mulf %sub3A_405, %mul3A_407 : vector<16xf32>
      %convert_element_type3A_409 = arith.fptosi %mul3A_408 : vector<16xf32> to vector<16xi32>
      %add3A_410 = arith.constant 1 : i32
      %add3A_411 = vector.broadcast %add3A_410 : i32 to vector<16xi32>
      %add3A_412 = arith.addi %convert_element_type3A_409, %add3A_411 : vector<16xi32>
      %max3A_413 = arith.constant 0 : i32
      %max3A_414 = vector.broadcast %max3A_413 : i32 to vector<16xi32>
      %max3A_415 = arith.maxsi %add3A_412, %max3A_414 : vector<16xi32>
      %min3A_416 = arith.constant 64 : i32
      %min3A_417 = vector.broadcast %min3A_416 : i32 to vector<16xi32>
      %min3A_418 = arith.minsi %max3A_415, %min3A_417 : vector<16xi32>
      %add3A_419 = arith.addi %broadcast_in_dim3A_253, %add3A_34 : vector<16xi32>
      %add3A_420 = arith.addi %add3A_419, %min3A_418 : vector<16xi32>
      tpu.vector_store_idx %arg8[%add3A_420], %add3A_402 : memref<65536xf32, #tpu.memory_space<vmem>>[vector<16xi32>], vector<16xf32>,
      tpu.vector_store_idx %arg14[%min3A_418], %broadcast_in_dim3A_5 {add = true} : memref<80xi32, #tpu.memory_space<vmem>>[vector<16xi32>], vector<16xi32>,
      %get3A_421 = arith.constant 0 : index
      %get3A_422 = tpu.vector_load %arg14[%get3A_421] {strides = array<i32>} : memref<80xi32, #tpu.memory_space<vmem>>, vector<16xi32>,
      %broadcast_in_dim3A_423 = arith.constant true
      %broadcast_in_dim3A_424 = vector.broadcast %broadcast_in_dim3A_423 : i1 to vector<16xi1>
      %masked_cumsum3A_425 = tpu.scan <sum>, %get3A_422 masked %broadcast_in_dim3A_424 : vector<16xi32>, vector<16xi1> -> vector<16xi32>
      %get3A_426 = arith.constant 16 : index
      %get3A_427 = tpu.vector_load %arg14[%get3A_426] {strides = array<i32>} : memref<80xi32, #tpu.memory_space<vmem>>, vector<16xi32>,
      %broadcast_in_dim3A_428 = arith.constant true
      %broadcast_in_dim3A_429 = vector.broadcast %broadcast_in_dim3A_428 : i1 to vector<16xi1>
      %masked_cumsum3A_430 = tpu.scan <sum>, %get3A_427 masked %broadcast_in_dim3A_429 : vector<16xi32>, vector<16xi1> -> vector<16xi32>
      %get3A_431 = arith.constant 32 : index
      %get3A_432 = tpu.vector_load %arg14[%get3A_431] {strides = array<i32>} : memref<80xi32, #tpu.memory_space<vmem>>, vector<16xi32>,
      %broadcast_in_dim3A_433 = arith.constant true
      %broadcast_in_dim3A_434 = vector.broadcast %broadcast_in_dim3A_433 : i1 to vector<16xi1>
      %masked_cumsum3A_435 = tpu.scan <sum>, %get3A_432 masked %broadcast_in_dim3A_434 : vector<16xi32>, vector<16xi1> -> vector<16xi32>
      %get3A_436 = arith.constant 48 : index
      %get3A_437 = tpu.vector_load %arg14[%get3A_436] {strides = array<i32>} : memref<80xi32, #tpu.memory_space<vmem>>, vector<16xi32>,
      %broadcast_in_dim3A_438 = arith.constant true
      %broadcast_in_dim3A_439 = vector.broadcast %broadcast_in_dim3A_438 : i1 to vector<16xi1>
      %masked_cumsum3A_440 = tpu.scan <sum>, %get3A_437 masked %broadcast_in_dim3A_439 : vector<16xi32>, vector<16xi1> -> vector<16xi32>
      %slice3A_441 = vector.extract_strided_slice %masked_cumsum3A_425 {offsets = [15], sizes = [1], strides = [1]} : vector<16xi32> to vector<1xi32>
      %squeeze3A_442 = vector.extract %slice3A_441[0] : i32 from vector<1xi32>
      %slice3A_443 = vector.extract_strided_slice %masked_cumsum3A_430 {offsets = [15], sizes = [1], strides = [1]} : vector<16xi32> to vector<1xi32>
      %squeeze3A_444 = vector.extract %slice3A_443[0] : i32 from vector<1xi32>
      %add3A_445 = arith.addi %squeeze3A_442, %squeeze3A_444 : i32
      %slice3A_446 = vector.extract_strided_slice %masked_cumsum3A_435 {offsets = [15], sizes = [1], strides = [1]} : vector<16xi32> to vector<1xi32>
      %squeeze3A_447 = vector.extract %slice3A_446[0] : i32 from vector<1xi32>
      %add3A_448 = arith.addi %add3A_445, %squeeze3A_447 : i32
      %add3A_449 = arith.addi %broadcast_in_dim3A_253, %add3A_25 : vector<16xi32>
      %add3A_450 = arith.addi %add3A_449, %masked_cumsum3A_425 : vector<16xi32>
      %add3A_451 = arith.constant 0 : i32
      %add3A_452 = vector.broadcast %add3A_451 : i32 to vector<16xi32>
      %add3A_453 = arith.addi %add3A_450, %add3A_452 : vector<16xi32>
      tpu.vector_store_idx %arg8[%add3A_453], %get3A_16 : memref<65536xf32, #tpu.memory_space<vmem>>[vector<16xi32>], vector<16xf32>,
      %add3A_454 = arith.addi %broadcast_in_dim3A_253, %add3A_28 : vector<16xi32>
      %add3A_455 = arith.addi %add3A_454, %masked_cumsum3A_430 : vector<16xi32>
      %add3A_456 = vector.broadcast %squeeze3A_442 : i32 to vector<16xi32>
      %add3A_457 = arith.addi %add3A_455, %add3A_456 : vector<16xi32>
      tpu.vector_store_idx %arg8[%add3A_457], %get3A_18 : memref<65536xf32, #tpu.memory_space<vmem>>[vector<16xi32>], vector<16xf32>,
      %add3A_458 = arith.addi %broadcast_in_dim3A_253, %add3A_31 : vector<16xi32>
      %add3A_459 = arith.addi %add3A_458, %masked_cumsum3A_435 : vector<16xi32>
      %add3A_460 = vector.broadcast %add3A_445 : i32 to vector<16xi32>
      %add3A_461 = arith.addi %add3A_459, %add3A_460 : vector<16xi32>
      tpu.vector_store_idx %arg8[%add3A_461], %get3A_20 : memref<65536xf32, #tpu.memory_space<vmem>>[vector<16xi32>], vector<16xf32>,
      %add3A_462 = arith.addi %broadcast_in_dim3A_253, %add3A_34 : vector<16xi32>
      %add3A_463 = arith.addi %add3A_462, %masked_cumsum3A_440 : vector<16xi32>
      %add3A_464 = vector.broadcast %add3A_448 : i32 to vector<16xi32>
      %add3A_465 = arith.addi %add3A_463, %add3A_464 : vector<16xi32>
      tpu.vector_store_idx %arg8[%add3A_465], %get3A_22 : memref<65536xf32, #tpu.memory_space<vmem>>[vector<16xi32>], vector<16xf32>,
      %mul3A_466 = arith.constant 2 : i32
      %mul3A_467 = arith.muli %mul3A_466, %scan3A_45 : i32
      %add3A_468 = arith.constant 1 : i32
      %add3A_469 = arith.addi %mul3A_467, %add3A_468 : i32
      %mul3A_470 = arith.constant 64 : i32
      %mul3A_471 = arith.muli %add3A_469, %mul3A_470 : i32
      %add3A_472 = arith.constant 0 : i32
      %add3A_473 = arith.addi %mul3A_471, %add3A_472 : i32
      %get3A_474 = arith.index_cast %add3A_473 : i32 to index
      %get3A_475 = tpu.vector_load %arg7[%get3A_474] {strides = array<i32>} : memref<32768xf32, #tpu.memory_space<vmem>>, vector<16xf32>,
      %add3A_476 = arith.constant 16 : i32
      %add3A_477 = arith.addi %mul3A_471, %add3A_476 : i32
      %get3A_478 = arith.index_cast %add3A_477 : i32 to index
      %get3A_479 = tpu.vector_load %arg7[%get3A_478] {strides = array<i32>} : memref<32768xf32, #tpu.memory_space<vmem>>, vector<16xf32>,
      %add3A_480 = arith.constant 32 : i32
      %add3A_481 = arith.addi %mul3A_471, %add3A_480 : i32
      %get3A_482 = arith.index_cast %add3A_481 : i32 to index
      %get3A_483 = tpu.vector_load %arg7[%get3A_482] {strides = array<i32>} : memref<32768xf32, #tpu.memory_space<vmem>>, vector<16xf32>,
      %add3A_484 = arith.constant 48 : i32
      %add3A_485 = arith.addi %mul3A_471, %add3A_484 : i32
      %get3A_486 = arith.index_cast %add3A_485 : i32 to index
      %get3A_487 = tpu.vector_load %arg7[%get3A_486] {strides = array<i32>} : memref<32768xf32, #tpu.memory_space<vmem>>, vector<16xf32>,
      %max3A_488 = arith.maximumf %get3A_475, %get3A_479 : vector<16xf32>
      %max3A_489 = arith.maximumf %get3A_483, %get3A_487 : vector<16xf32>
      %max3A_490 = arith.maximumf %max3A_488, %max3A_489 : vector<16xf32>
      %reduce_max3A_491 = arith.constant true
      %reduce_max3A_492 = vector.broadcast %reduce_max3A_491 : i1 to vector<16xi1>
      %reduce_max3A_493 = tpu.scan <max>, %max3A_490 masked %reduce_max3A_492 : vector<16xf32>, vector<16xi1> -> vector<16xf32>
      %reduce_max3A_494 = vector.extract %reduce_max3A_493[15] : f32 from vector<16xf32>
      %sub3A_495 = vector.broadcast %reduce_max3A_494 : f32 to vector<16xf32>
      %sub3A_496 = arith.subf %get3A_475, %sub3A_495 : vector<16xf32>
      %exp3A_497 = math.exp %sub3A_496 : vector<16xf32>
      %sub3A_498 = vector.broadcast %reduce_max3A_494 : f32 to vector<16xf32>
      %sub3A_499 = arith.subf %get3A_479, %sub3A_498 : vector<16xf32>
      %exp3A_500 = math.exp %sub3A_499 : vector<16xf32>
      %sub3A_501 = vector.broadcast %reduce_max3A_494 : f32 to vector<16xf32>
      %sub3A_502 = arith.subf %get3A_483, %sub3A_501 : vector<16xf32>
      %exp3A_503 = math.exp %sub3A_502 : vector<16xf32>
      %sub3A_504 = vector.broadcast %reduce_max3A_494 : f32 to vector<16xf32>
      %sub3A_505 = arith.subf %get3A_487, %sub3A_504 : vector<16xf32>
      %exp3A_506 = math.exp %sub3A_505 : vector<16xf32>
      %broadcast_in_dim3A_507 = arith.constant true
      %broadcast_in_dim3A_508 = vector.broadcast %broadcast_in_dim3A_507 : i1 to vector<16xi1>
      %masked_cumsum3A_509 = tpu.scan <sum>, %exp3A_497 masked %broadcast_in_dim3A_508 : vector<16xf32>, vector<16xi1> -> vector<16xf32>
      %broadcast_in_dim3A_510 = arith.constant true
      %broadcast_in_dim3A_511 = vector.broadcast %broadcast_in_dim3A_510 : i1 to vector<16xi1>
      %masked_cumsum3A_512 = tpu.scan <sum>, %exp3A_500 masked %broadcast_in_dim3A_511 : vector<16xf32>, vector<16xi1> -> vector<16xf32>
      %broadcast_in_dim3A_513 = arith.constant true
      %broadcast_in_dim3A_514 = vector.broadcast %broadcast_in_dim3A_513 : i1 to vector<16xi1>
      %masked_cumsum3A_515 = tpu.scan <sum>, %exp3A_503 masked %broadcast_in_dim3A_514 : vector<16xf32>, vector<16xi1> -> vector<16xf32>
      %broadcast_in_dim3A_516 = arith.constant true
      %broadcast_in_dim3A_517 = vector.broadcast %broadcast_in_dim3A_516 : i1 to vector<16xi1>
      %masked_cumsum3A_518 = tpu.scan <sum>, %exp3A_506 masked %broadcast_in_dim3A_517 : vector<16xf32>, vector<16xi1> -> vector<16xf32>
      %slice3A_519 = vector.extract_strided_slice %masked_cumsum3A_509 {offsets = [15], sizes = [1], strides = [1]} : vector<16xf32> to vector<1xf32>
      %squeeze3A_520 = vector.extract %slice3A_519[0] : f32 from vector<1xf32>
      %slice3A_521 = vector.extract_strided_slice %masked_cumsum3A_512 {offsets = [15], sizes = [1], strides = [1]} : vector<16xf32> to vector<1xf32>
      %squeeze3A_522 = vector.extract %slice3A_521[0] : f32 from vector<1xf32>
      %add3A_523 = arith.addf %squeeze3A_520, %squeeze3A_522 : f32
      %slice3A_524 = vector.extract_strided_slice %masked_cumsum3A_515 {offsets = [15], sizes = [1], strides = [1]} : vector<16xf32> to vector<1xf32>
      %squeeze3A_525 = vector.extract %slice3A_524[0] : f32 from vector<1xf32>
      %add3A_526 = arith.addf %add3A_523, %squeeze3A_525 : f32
      %slice3A_527 = vector.extract_strided_slice %masked_cumsum3A_518 {offsets = [15], sizes = [1], strides = [1]} : vector<16xf32> to vector<1xf32>
      %squeeze3A_528 = vector.extract %slice3A_527[0] : f32 from vector<1xf32>
      %add3A_529 = arith.addf %add3A_526, %squeeze3A_528 : f32
      %slice3A_530 = vector.extract_strided_slice %masked_cumsum3A_509 {offsets = [0], sizes = [1], strides = [1]} : vector<16xf32> to vector<1xf32>
      %squeeze3A_531 = vector.extract %slice3A_530[0] : f32 from vector<1xf32>
      %slice3A_532 = vector.extract_strided_slice %masked_cumsum3A_518 {offsets = [14], sizes = [1], strides = [1]} : vector<16xf32> to vector<1xf32>
      %squeeze3A_533 = vector.extract %slice3A_532[0] : f32 from vector<1xf32>
      %add3A_534 = arith.addf %squeeze3A_533, %add3A_526 : f32
      %mul3A_535 = arith.constant 9.99999974E-6 : f32
      %mul3A_536 = arith.mulf %mul3A_535, %add3A_529 : f32
      %sub3A_537 = arith.subf %add3A_534, %squeeze3A_531 : f32
      %mul3A_538 = arith.constant 6.200000e+01 : f32
      %mul3A_539 = arith.mulf %mul3A_538, %mul3A_536 : f32
      %add3A_540 = arith.addf %sub3A_537, %mul3A_539 : f32
      %broadcast_in_dim3A_541 = arith.constant 0.000000e+00 : f32
      %broadcast_in_dim3A_542 = vector.broadcast %broadcast_in_dim3A_541 : f32 to vector<16xf32>
      %add3A_543 = vector.broadcast %add3A_540 : f32 to vector<16xf32>
      %add3A_544 = arith.addf %broadcast_in_dim3A_542, %add3A_543 : vector<16xf32>
      %swap3A_545 = arith.constant 0 : index
      %swap3A_546 = tpu.vector_load %arg16[%swap3A_545] {strides = array<i32>} : memref<80xi32, #tpu.memory_space<vmem>>, vector<16xi32>,
      tpu.vector_store %arg16[%swap3A_545], %broadcast_in_dim3A_7 {strides = array<i32>} : memref<80xi32, #tpu.memory_space<vmem>>, vector<16xi32>,
      %swap3A_547 = arith.constant 0 : index
      %swap3A_548 = tpu.vector_load %arg17[%swap3A_547] {strides = array<i32>} : memref<80xi32, #tpu.memory_space<vmem>>, vector<16xi32>,
      tpu.vector_store %arg17[%swap3A_547], %broadcast_in_dim3A_7 {strides = array<i32>} : memref<80xi32, #tpu.memory_space<vmem>>, vector<16xi32>,
      %swap3A_549 = arith.constant 16 : index
      %swap3A_550 = tpu.vector_load %arg16[%swap3A_549] {strides = array<i32>} : memref<80xi32, #tpu.memory_space<vmem>>, vector<16xi32>,
      tpu.vector_store %arg16[%swap3A_549], %broadcast_in_dim3A_7 {strides = array<i32>} : memref<80xi32, #tpu.memory_space<vmem>>, vector<16xi32>,
      %swap3A_551 = arith.constant 16 : index
      %swap3A_552 = tpu.vector_load %arg17[%swap3A_551] {strides = array<i32>} : memref<80xi32, #tpu.memory_space<vmem>>, vector<16xi32>,
      tpu.vector_store %arg17[%swap3A_551], %broadcast_in_dim3A_7 {strides = array<i32>} : memref<80xi32, #tpu.memory_space<vmem>>, vector<16xi32>,
      %swap3A_553 = arith.constant 32 : index
      %swap3A_554 = tpu.vector_load %arg16[%swap3A_553] {strides = array<i32>} : memref<80xi32, #tpu.memory_space<vmem>>, vector<16xi32>,
      tpu.vector_store %arg16[%swap3A_553], %broadcast_in_dim3A_7 {strides = array<i32>} : memref<80xi32, #tpu.memory_space<vmem>>, vector<16xi32>,
      %swap3A_555 = arith.constant 32 : index
      %swap3A_556 = tpu.vector_load %arg17[%swap3A_555] {strides = array<i32>} : memref<80xi32, #tpu.memory_space<vmem>>, vector<16xi32>,
      tpu.vector_store %arg17[%swap3A_555], %broadcast_in_dim3A_7 {strides = array<i32>} : memref<80xi32, #tpu.memory_space<vmem>>, vector<16xi32>,
      %swap3A_557 = arith.constant 48 : index
      %swap3A_558 = tpu.vector_load %arg16[%swap3A_557] {strides = array<i32>} : memref<80xi32, #tpu.memory_space<vmem>>, vector<16xi32>,
      tpu.vector_store %arg16[%swap3A_557], %broadcast_in_dim3A_7 {strides = array<i32>} : memref<80xi32, #tpu.memory_space<vmem>>, vector<16xi32>,
      %swap3A_559 = arith.constant 48 : index
      %swap3A_560 = tpu.vector_load %arg17[%swap3A_559] {strides = array<i32>} : memref<80xi32, #tpu.memory_space<vmem>>, vector<16xi32>,
      tpu.vector_store %arg17[%swap3A_559], %broadcast_in_dim3A_7 {strides = array<i32>} : memref<80xi32, #tpu.memory_space<vmem>>, vector<16xi32>,
      %swap3A_561 = arith.constant 64 : index
      %swap3A_562 = tpu.vector_load %arg16[%swap3A_561] {strides = array<i32>} : memref<80xi32, #tpu.memory_space<vmem>>, vector<16xi32>,
      tpu.vector_store %arg16[%swap3A_561], %broadcast_in_dim3A_7 {strides = array<i32>} : memref<80xi32, #tpu.memory_space<vmem>>, vector<16xi32>,
      %swap3A_563 = arith.constant 64 : index
      %swap3A_564 = tpu.vector_load %arg17[%swap3A_563] {strides = array<i32>} : memref<80xi32, #tpu.memory_space<vmem>>, vector<16xi32>,
      tpu.vector_store %arg17[%swap3A_563], %broadcast_in_dim3A_7 {strides = array<i32>} : memref<80xi32, #tpu.memory_space<vmem>>, vector<16xi32>,
      %add3A_565 = arith.constant 0.000000e+00 : f32
      %add3A_566 = vector.broadcast %add3A_565 : f32 to vector<16xf32>
      %add3A_567 = arith.addf %masked_cumsum3A_509, %add3A_566 : vector<16xf32>
      %sub3A_568 = vector.broadcast %squeeze3A_531 : f32 to vector<16xf32>
      %sub3A_569 = arith.subf %add3A_567, %sub3A_568 : vector<16xf32>
      %mul3A_570 = vector.broadcast %mul3A_536 : f32 to vector<16xf32>
      %mul3A_571 = arith.mulf %convert_element_type3A, %mul3A_570 : vector<16xf32>
      %add3A_572 = arith.addf %sub3A_569, %mul3A_571 : vector<16xf32>
      %div3A_573 = arith.divf %add3A_572, %add3A_544 : vector<16xf32>
      %swap3A_574 = arith.constant 0 : index
      %swap3A_575 = tpu.vector_load %arg15[%swap3A_574] {strides = array<i32>} : memref<64xf32, #tpu.memory_space<vmem>>, vector<16xf32>,
      tpu.vector_store %arg15[%swap3A_574], %div3A_573 {strides = array<i32>} : memref<64xf32, #tpu.memory_space<vmem>>, vector<16xf32>,
      %mul3A_576 = arith.constant 6.300000e+01 : f32
      %mul3A_577 = vector.broadcast %mul3A_576 : f32 to vector<16xf32>
      %mul3A_578 = arith.mulf %div3A_573, %mul3A_577 : vector<16xf32>
      %convert_element_type3A_579 = arith.fptosi %mul3A_578 : vector<16xf32> to vector<16xi32>
      %convert_element_type3A_580 = arith.sitofp %convert_element_type3A_579 : vector<16xi32> to vector<16xf32>
      %lt3A_581 = arith.cmpf olt, %convert_element_type3A_580, %mul3A_578 : vector<16xf32>
      %jit3A_582 = arith.constant 1 : i32
      %jit3A_583 = arith.constant 0 : i32
      %broadcast_in_dim3A_584 = vector.broadcast %jit3A_582 : i32 to vector<16xi32>
      %broadcast_in_dim3A_585 = vector.broadcast %jit3A_583 : i32 to vector<16xi32>
      %select_n3A_586 = arith.select %lt3A_581, %broadcast_in_dim3A_584, %broadcast_in_dim3A_585 : vector<16xi1>, vector<16xi32>
      %add3A_587 = arith.addi %convert_element_type3A_579, %select_n3A_586 : vector<16xi32>
      tpu.vector_store_idx %arg16[%add3A_587], %broadcast_in_dim3A_5 {add = true} : memref<80xi32, #tpu.memory_space<vmem>>[vector<16xi32>], vector<16xi32>,
      %add3A_588 = vector.broadcast %squeeze3A_520 : f32 to vector<16xf32>
      %add3A_589 = arith.addf %masked_cumsum3A_512, %add3A_588 : vector<16xf32>
      %sub3A_590 = vector.broadcast %squeeze3A_531 : f32 to vector<16xf32>
      %sub3A_591 = arith.subf %add3A_589, %sub3A_590 : vector<16xf32>
      %mul3A_592 = vector.broadcast %mul3A_536 : f32 to vector<16xf32>
      %mul3A_593 = arith.mulf %convert_element_type3A_35, %mul3A_592 : vector<16xf32>
      %add3A_594 = arith.addf %sub3A_591, %mul3A_593 : vector<16xf32>
      %div3A_595 = arith.divf %add3A_594, %add3A_544 : vector<16xf32>
      %swap3A_596 = arith.constant 16 : index
      %swap3A_597 = tpu.vector_load %arg15[%swap3A_596] {strides = array<i32>} : memref<64xf32, #tpu.memory_space<vmem>>, vector<16xf32>,
      tpu.vector_store %arg15[%swap3A_596], %div3A_595 {strides = array<i32>} : memref<64xf32, #tpu.memory_space<vmem>>, vector<16xf32>,
      %mul3A_598 = arith.constant 6.300000e+01 : f32
      %mul3A_599 = vector.broadcast %mul3A_598 : f32 to vector<16xf32>
      %mul3A_600 = arith.mulf %div3A_595, %mul3A_599 : vector<16xf32>
      %convert_element_type3A_601 = arith.fptosi %mul3A_600 : vector<16xf32> to vector<16xi32>
      %convert_element_type3A_602 = arith.sitofp %convert_element_type3A_601 : vector<16xi32> to vector<16xf32>
      %lt3A_603 = arith.cmpf olt, %convert_element_type3A_602, %mul3A_600 : vector<16xf32>
      %jit3A_604 = arith.constant 1 : i32
      %jit3A_605 = arith.constant 0 : i32
      %broadcast_in_dim3A_606 = vector.broadcast %jit3A_604 : i32 to vector<16xi32>
      %broadcast_in_dim3A_607 = vector.broadcast %jit3A_605 : i32 to vector<16xi32>
      %select_n3A_608 = arith.select %lt3A_603, %broadcast_in_dim3A_606, %broadcast_in_dim3A_607 : vector<16xi1>, vector<16xi32>
      %add3A_609 = arith.addi %convert_element_type3A_601, %select_n3A_608 : vector<16xi32>
      tpu.vector_store_idx %arg16[%add3A_609], %broadcast_in_dim3A_5 {add = true} : memref<80xi32, #tpu.memory_space<vmem>>[vector<16xi32>], vector<16xi32>,
      %add3A_610 = vector.broadcast %add3A_523 : f32 to vector<16xf32>
      %add3A_611 = arith.addf %masked_cumsum3A_515, %add3A_610 : vector<16xf32>
      %sub3A_612 = vector.broadcast %squeeze3A_531 : f32 to vector<16xf32>
      %sub3A_613 = arith.subf %add3A_611, %sub3A_612 : vector<16xf32>
      %mul3A_614 = vector.broadcast %mul3A_536 : f32 to vector<16xf32>
      %mul3A_615 = arith.mulf %convert_element_type3A_36, %mul3A_614 : vector<16xf32>
      %add3A_616 = arith.addf %sub3A_613, %mul3A_615 : vector<16xf32>
      %div3A_617 = arith.divf %add3A_616, %add3A_544 : vector<16xf32>
      %swap3A_618 = arith.constant 32 : index
      %swap3A_619 = tpu.vector_load %arg15[%swap3A_618] {strides = array<i32>} : memref<64xf32, #tpu.memory_space<vmem>>, vector<16xf32>,
      tpu.vector_store %arg15[%swap3A_618], %div3A_617 {strides = array<i32>} : memref<64xf32, #tpu.memory_space<vmem>>, vector<16xf32>,
      %mul3A_620 = arith.constant 6.300000e+01 : f32
      %mul3A_621 = vector.broadcast %mul3A_620 : f32 to vector<16xf32>
      %mul3A_622 = arith.mulf %div3A_617, %mul3A_621 : vector<16xf32>
      %convert_element_type3A_623 = arith.fptosi %mul3A_622 : vector<16xf32> to vector<16xi32>
      %convert_element_type3A_624 = arith.sitofp %convert_element_type3A_623 : vector<16xi32> to vector<16xf32>
      %lt3A_625 = arith.cmpf olt, %convert_element_type3A_624, %mul3A_622 : vector<16xf32>
      %jit3A_626 = arith.constant 1 : i32
      %jit3A_627 = arith.constant 0 : i32
      %broadcast_in_dim3A_628 = vector.broadcast %jit3A_626 : i32 to vector<16xi32>
      %broadcast_in_dim3A_629 = vector.broadcast %jit3A_627 : i32 to vector<16xi32>
      %select_n3A_630 = arith.select %lt3A_625, %broadcast_in_dim3A_628, %broadcast_in_dim3A_629 : vector<16xi1>, vector<16xi32>
      %add3A_631 = arith.addi %convert_element_type3A_623, %select_n3A_630 : vector<16xi32>
      tpu.vector_store_idx %arg16[%add3A_631], %broadcast_in_dim3A_5 {add = true} : memref<80xi32, #tpu.memory_space<vmem>>[vector<16xi32>], vector<16xi32>,
      %add3A_632 = vector.broadcast %add3A_526 : f32 to vector<16xf32>
      %add3A_633 = arith.addf %masked_cumsum3A_518, %add3A_632 : vector<16xf32>
      %sub3A_634 = vector.broadcast %squeeze3A_531 : f32 to vector<16xf32>
      %sub3A_635 = arith.subf %add3A_633, %sub3A_634 : vector<16xf32>
      %mul3A_636 = vector.broadcast %mul3A_536 : f32 to vector<16xf32>
      %mul3A_637 = arith.mulf %convert_element_type3A_37, %mul3A_636 : vector<16xf32>
      %add3A_638 = arith.addf %sub3A_635, %mul3A_637 : vector<16xf32>
      %div3A_639 = arith.divf %add3A_638, %add3A_544 : vector<16xf32>
      %swap3A_640 = arith.constant 48 : index
      %swap3A_641 = tpu.vector_load %arg15[%swap3A_640] {strides = array<i32>} : memref<64xf32, #tpu.memory_space<vmem>>, vector<16xf32>,
      tpu.vector_store %arg15[%swap3A_640], %div3A_639 {strides = array<i32>} : memref<64xf32, #tpu.memory_space<vmem>>, vector<16xf32>,
      %mul3A_642 = arith.constant 6.300000e+01 : f32
      %mul3A_643 = vector.broadcast %mul3A_642 : f32 to vector<16xf32>
      %mul3A_644 = arith.mulf %div3A_639, %mul3A_643 : vector<16xf32>
      %convert_element_type3A_645 = arith.fptosi %mul3A_644 : vector<16xf32> to vector<16xi32>
      %convert_element_type3A_646 = arith.sitofp %convert_element_type3A_645 : vector<16xi32> to vector<16xf32>
      %lt3A_647 = arith.cmpf olt, %convert_element_type3A_646, %mul3A_644 : vector<16xf32>
      %jit3A_648 = arith.constant 1 : i32
      %jit3A_649 = arith.constant 0 : i32
      %broadcast_in_dim3A_650 = vector.broadcast %jit3A_648 : i32 to vector<16xi32>
      %broadcast_in_dim3A_651 = vector.broadcast %jit3A_649 : i32 to vector<16xi32>
      %select_n3A_652 = arith.select %lt3A_647, %broadcast_in_dim3A_650, %broadcast_in_dim3A_651 : vector<16xi1>, vector<16xi32>
      %add3A_653 = arith.addi %convert_element_type3A_645, %select_n3A_652 : vector<16xi32>
      %lt3A_654 = arith.constant 15 : i32
      %lt3A_655 = vector.broadcast %lt3A_654 : i32 to vector<16xi32>
      %lt3A_656 = arith.cmpi slt, %iota3A, %lt3A_655 : vector<16xi32>
      tpu.vector_store_idx %arg16[%add3A_653], %broadcast_in_dim3A_5 masked %lt3A_656 {add = true} : memref<80xi32, #tpu.memory_space<vmem>>[vector<16xi32>], vector<16xi32>, vector<16xi1>
      %get3A_657 = arith.constant 0 : index
      %get3A_658 = tpu.vector_load %arg16[%get3A_657] {strides = array<i32>} : memref<80xi32, #tpu.memory_space<vmem>>, vector<16xi32>,
      %broadcast_in_dim3A_659 = arith.constant true
      %broadcast_in_dim3A_660 = vector.broadcast %broadcast_in_dim3A_659 : i1 to vector<16xi1>
      %masked_cumsum3A_661 = tpu.scan <sum>, %get3A_658 masked %broadcast_in_dim3A_660 : vector<16xi32>, vector<16xi1> -> vector<16xi32>
      %get3A_662 = arith.constant 16 : index
      %get3A_663 = tpu.vector_load %arg16[%get3A_662] {strides = array<i32>} : memref<80xi32, #tpu.memory_space<vmem>>, vector<16xi32>,
      %broadcast_in_dim3A_664 = arith.constant true
      %broadcast_in_dim3A_665 = vector.broadcast %broadcast_in_dim3A_664 : i1 to vector<16xi1>
      %masked_cumsum3A_666 = tpu.scan <sum>, %get3A_663 masked %broadcast_in_dim3A_665 : vector<16xi32>, vector<16xi1> -> vector<16xi32>
      %get3A_667 = arith.constant 32 : index
      %get3A_668 = tpu.vector_load %arg16[%get3A_667] {strides = array<i32>} : memref<80xi32, #tpu.memory_space<vmem>>, vector<16xi32>,
      %broadcast_in_dim3A_669 = arith.constant true
      %broadcast_in_dim3A_670 = vector.broadcast %broadcast_in_dim3A_669 : i1 to vector<16xi1>
      %masked_cumsum3A_671 = tpu.scan <sum>, %get3A_668 masked %broadcast_in_dim3A_670 : vector<16xi32>, vector<16xi1> -> vector<16xi32>
      %get3A_672 = arith.constant 48 : index
      %get3A_673 = tpu.vector_load %arg16[%get3A_672] {strides = array<i32>} : memref<80xi32, #tpu.memory_space<vmem>>, vector<16xi32>,
      %broadcast_in_dim3A_674 = arith.constant true
      %broadcast_in_dim3A_675 = vector.broadcast %broadcast_in_dim3A_674 : i1 to vector<16xi1>
      %masked_cumsum3A_676 = tpu.scan <sum>, %get3A_673 masked %broadcast_in_dim3A_675 : vector<16xi32>, vector<16xi1> -> vector<16xi32>
      %slice3A_677 = vector.extract_strided_slice %masked_cumsum3A_661 {offsets = [15], sizes = [1], strides = [1]} : vector<16xi32> to vector<1xi32>
      %squeeze3A_678 = vector.extract %slice3A_677[0] : i32 from vector<1xi32>
      %slice3A_679 = vector.extract_strided_slice %masked_cumsum3A_666 {offsets = [15], sizes = [1], strides = [1]} : vector<16xi32> to vector<1xi32>
      %squeeze3A_680 = vector.extract %slice3A_679[0] : i32 from vector<1xi32>
      %add3A_681 = arith.addi %squeeze3A_678, %squeeze3A_680 : i32
      %slice3A_682 = vector.extract_strided_slice %masked_cumsum3A_671 {offsets = [15], sizes = [1], strides = [1]} : vector<16xi32> to vector<1xi32>
      %squeeze3A_683 = vector.extract %slice3A_682[0] : i32 from vector<1xi32>
      %add3A_684 = arith.addi %add3A_681, %squeeze3A_683 : i32
      %mul3A_685 = arith.constant 128 : i32
      %mul3A_686 = arith.muli %add3A_469, %mul3A_685 : i32
      %broadcast_in_dim3A_687 = vector.broadcast %mul3A_686 : i32 to vector<16xi32>
      %add3A_688 = arith.constant 0 : i32
      %add3A_689 = vector.broadcast %add3A_688 : i32 to vector<16xi32>
      %add3A_690 = arith.addi %masked_cumsum3A_661, %add3A_689 : vector<16xi32>
      %sub3A_691 = arith.constant 1 : i32
      %sub3A_692 = vector.broadcast %sub3A_691 : i32 to vector<16xi32>
      %sub3A_693 = arith.subi %add3A_690, %sub3A_692 : vector<16xi32>
      %min3A_694 = arith.constant 62 : i32
      %min3A_695 = vector.broadcast %min3A_694 : i32 to vector<16xi32>
      %min3A_696 = arith.minsi %add3A_690, %min3A_695 : vector<16xi32>
      %gather3A_697 = tpu.vector_load_idx %arg15[%sub3A_693] : memref<64xf32, #tpu.memory_space<vmem>>[vector<16xi32>], vector<16xf32>,
      %gather3A_698 = tpu.vector_load_idx %arg15[%min3A_696] : memref<64xf32, #tpu.memory_space<vmem>>[vector<16xi32>], vector<16xf32>,
      %gather3A_699 = tpu.vector_load_idx %arg9[%sub3A_693] : memref<64xf32, #tpu.memory_space<vmem>>[vector<16xi32>], vector<16xf32>,
      %gather3A_700 = tpu.vector_load_idx %arg9[%min3A_696] : memref<64xf32, #tpu.memory_space<vmem>>[vector<16xi32>], vector<16xf32>,
      %sub3A_701 = arith.subf %gather3A_698, %gather3A_697 : vector<16xf32>
      %lt3A_702 = arith.constant 9.99999974E-6 : f32
      %lt3A_703 = vector.broadcast %lt3A_702 : f32 to vector<16xf32>
      %lt3A_704 = arith.cmpf olt, %sub3A_701, %lt3A_703 : vector<16xf32>
      %jit3A_705 = arith.constant 1.000000e+00 : f32
      %broadcast_in_dim3A_706 = vector.broadcast %jit3A_705 : f32 to vector<16xf32>
      %select_n3A_707 = arith.select %lt3A_704, %broadcast_in_dim3A_706, %sub3A_701 : vector<16xi1>, vector<16xf32>
      %sub3A_708 = arith.subf %get3A_8, %gather3A_697 : vector<16xf32>
      %div3A_709 = arith.divf %sub3A_708, %select_n3A_707 : vector<16xf32>
      %sub3A_710 = arith.subf %gather3A_700, %gather3A_699 : vector<16xf32>
      %mul3A_711 = arith.mulf %div3A_709, %sub3A_710 : vector<16xf32>
      %add3A_712 = arith.addf %gather3A_699, %mul3A_711 : vector<16xf32>
      %sub3A_713 = arith.constant 2.000000e+00 : f32
      %sub3A_714 = vector.broadcast %sub3A_713 : f32 to vector<16xf32>
      %sub3A_715 = arith.subf %add3A_712, %sub3A_714 : vector<16xf32>
      %mul3A_716 = arith.constant 1.575000e+01 : f32
      %mul3A_717 = vector.broadcast %mul3A_716 : f32 to vector<16xf32>
      %mul3A_718 = arith.mulf %sub3A_715, %mul3A_717 : vector<16xf32>
      %convert_element_type3A_719 = arith.fptosi %mul3A_718 : vector<16xf32> to vector<16xi32>
      %add3A_720 = arith.constant 1 : i32
      %add3A_721 = vector.broadcast %add3A_720 : i32 to vector<16xi32>
      %add3A_722 = arith.addi %convert_element_type3A_719, %add3A_721 : vector<16xi32>
      %max3A_723 = arith.constant 0 : i32
      %max3A_724 = vector.broadcast %max3A_723 : i32 to vector<16xi32>
      %max3A_725 = arith.maxsi %add3A_722, %max3A_724 : vector<16xi32>
      %min3A_726 = arith.constant 64 : i32
      %min3A_727 = vector.broadcast %min3A_726 : i32 to vector<16xi32>
      %min3A_728 = arith.minsi %max3A_725, %min3A_727 : vector<16xi32>
      %add3A_729 = arith.addi %broadcast_in_dim3A_687, %add3A_25 : vector<16xi32>
      %add3A_730 = arith.addi %add3A_729, %min3A_728 : vector<16xi32>
      tpu.vector_store_idx %arg8[%add3A_730], %add3A_712 : memref<65536xf32, #tpu.memory_space<vmem>>[vector<16xi32>], vector<16xf32>,
      tpu.vector_store_idx %arg17[%min3A_728], %broadcast_in_dim3A_5 {add = true} : memref<80xi32, #tpu.memory_space<vmem>>[vector<16xi32>], vector<16xi32>,
      %add3A_731 = vector.broadcast %squeeze3A_678 : i32 to vector<16xi32>
      %add3A_732 = arith.addi %masked_cumsum3A_666, %add3A_731 : vector<16xi32>
      %sub3A_733 = arith.constant 1 : i32
      %sub3A_734 = vector.broadcast %sub3A_733 : i32 to vector<16xi32>
      %sub3A_735 = arith.subi %add3A_732, %sub3A_734 : vector<16xi32>
      %min3A_736 = arith.constant 62 : i32
      %min3A_737 = vector.broadcast %min3A_736 : i32 to vector<16xi32>
      %min3A_738 = arith.minsi %add3A_732, %min3A_737 : vector<16xi32>
      %gather3A_739 = tpu.vector_load_idx %arg15[%sub3A_735] : memref<64xf32, #tpu.memory_space<vmem>>[vector<16xi32>], vector<16xf32>,
      %gather3A_740 = tpu.vector_load_idx %arg15[%min3A_738] : memref<64xf32, #tpu.memory_space<vmem>>[vector<16xi32>], vector<16xf32>,
      %gather3A_741 = tpu.vector_load_idx %arg9[%sub3A_735] : memref<64xf32, #tpu.memory_space<vmem>>[vector<16xi32>], vector<16xf32>,
      %gather3A_742 = tpu.vector_load_idx %arg9[%min3A_738] : memref<64xf32, #tpu.memory_space<vmem>>[vector<16xi32>], vector<16xf32>,
      %sub3A_743 = arith.subf %gather3A_740, %gather3A_739 : vector<16xf32>
      %lt3A_744 = arith.constant 9.99999974E-6 : f32
      %lt3A_745 = vector.broadcast %lt3A_744 : f32 to vector<16xf32>
      %lt3A_746 = arith.cmpf olt, %sub3A_743, %lt3A_745 : vector<16xf32>
      %jit3A_747 = arith.constant 1.000000e+00 : f32
      %broadcast_in_dim3A_748 = vector.broadcast %jit3A_747 : f32 to vector<16xf32>
      %select_n3A_749 = arith.select %lt3A_746, %broadcast_in_dim3A_748, %sub3A_743 : vector<16xi1>, vector<16xf32>
      %sub3A_750 = arith.subf %get3A_10, %gather3A_739 : vector<16xf32>
      %div3A_751 = arith.divf %sub3A_750, %select_n3A_749 : vector<16xf32>
      %sub3A_752 = arith.subf %gather3A_742, %gather3A_741 : vector<16xf32>
      %mul3A_753 = arith.mulf %div3A_751, %sub3A_752 : vector<16xf32>
      %add3A_754 = arith.addf %gather3A_741, %mul3A_753 : vector<16xf32>
      %sub3A_755 = arith.constant 2.000000e+00 : f32
      %sub3A_756 = vector.broadcast %sub3A_755 : f32 to vector<16xf32>
      %sub3A_757 = arith.subf %add3A_754, %sub3A_756 : vector<16xf32>
      %mul3A_758 = arith.constant 1.575000e+01 : f32
      %mul3A_759 = vector.broadcast %mul3A_758 : f32 to vector<16xf32>
      %mul3A_760 = arith.mulf %sub3A_757, %mul3A_759 : vector<16xf32>
      %convert_element_type3A_761 = arith.fptosi %mul3A_760 : vector<16xf32> to vector<16xi32>
      %add3A_762 = arith.constant 1 : i32
      %add3A_763 = vector.broadcast %add3A_762 : i32 to vector<16xi32>
      %add3A_764 = arith.addi %convert_element_type3A_761, %add3A_763 : vector<16xi32>
      %max3A_765 = arith.constant 0 : i32
      %max3A_766 = vector.broadcast %max3A_765 : i32 to vector<16xi32>
      %max3A_767 = arith.maxsi %add3A_764, %max3A_766 : vector<16xi32>
      %min3A_768 = arith.constant 64 : i32
      %min3A_769 = vector.broadcast %min3A_768 : i32 to vector<16xi32>
      %min3A_770 = arith.minsi %max3A_767, %min3A_769 : vector<16xi32>
      %add3A_771 = arith.addi %broadcast_in_dim3A_687, %add3A_28 : vector<16xi32>
      %add3A_772 = arith.addi %add3A_771, %min3A_770 : vector<16xi32>
      tpu.vector_store_idx %arg8[%add3A_772], %add3A_754 : memref<65536xf32, #tpu.memory_space<vmem>>[vector<16xi32>], vector<16xf32>,
      tpu.vector_store_idx %arg17[%min3A_770], %broadcast_in_dim3A_5 {add = true} : memref<80xi32, #tpu.memory_space<vmem>>[vector<16xi32>], vector<16xi32>,
      %add3A_773 = vector.broadcast %add3A_681 : i32 to vector<16xi32>
      %add3A_774 = arith.addi %masked_cumsum3A_671, %add3A_773 : vector<16xi32>
      %sub3A_775 = arith.constant 1 : i32
      %sub3A_776 = vector.broadcast %sub3A_775 : i32 to vector<16xi32>
      %sub3A_777 = arith.subi %add3A_774, %sub3A_776 : vector<16xi32>
      %min3A_778 = arith.constant 62 : i32
      %min3A_779 = vector.broadcast %min3A_778 : i32 to vector<16xi32>
      %min3A_780 = arith.minsi %add3A_774, %min3A_779 : vector<16xi32>
      %gather3A_781 = tpu.vector_load_idx %arg15[%sub3A_777] : memref<64xf32, #tpu.memory_space<vmem>>[vector<16xi32>], vector<16xf32>,
      %gather3A_782 = tpu.vector_load_idx %arg15[%min3A_780] : memref<64xf32, #tpu.memory_space<vmem>>[vector<16xi32>], vector<16xf32>,
      %gather3A_783 = tpu.vector_load_idx %arg9[%sub3A_777] : memref<64xf32, #tpu.memory_space<vmem>>[vector<16xi32>], vector<16xf32>,
      %gather3A_784 = tpu.vector_load_idx %arg9[%min3A_780] : memref<64xf32, #tpu.memory_space<vmem>>[vector<16xi32>], vector<16xf32>,
      %sub3A_785 = arith.subf %gather3A_782, %gather3A_781 : vector<16xf32>
      %lt3A_786 = arith.constant 9.99999974E-6 : f32
      %lt3A_787 = vector.broadcast %lt3A_786 : f32 to vector<16xf32>
      %lt3A_788 = arith.cmpf olt, %sub3A_785, %lt3A_787 : vector<16xf32>
      %jit3A_789 = arith.constant 1.000000e+00 : f32
      %broadcast_in_dim3A_790 = vector.broadcast %jit3A_789 : f32 to vector<16xf32>
      %select_n3A_791 = arith.select %lt3A_788, %broadcast_in_dim3A_790, %sub3A_785 : vector<16xi1>, vector<16xf32>
      %sub3A_792 = arith.subf %get3A_12, %gather3A_781 : vector<16xf32>
      %div3A_793 = arith.divf %sub3A_792, %select_n3A_791 : vector<16xf32>
      %sub3A_794 = arith.subf %gather3A_784, %gather3A_783 : vector<16xf32>
      %mul3A_795 = arith.mulf %div3A_793, %sub3A_794 : vector<16xf32>
      %add3A_796 = arith.addf %gather3A_783, %mul3A_795 : vector<16xf32>
      %sub3A_797 = arith.constant 2.000000e+00 : f32
      %sub3A_798 = vector.broadcast %sub3A_797 : f32 to vector<16xf32>
      %sub3A_799 = arith.subf %add3A_796, %sub3A_798 : vector<16xf32>
      %mul3A_800 = arith.constant 1.575000e+01 : f32
      %mul3A_801 = vector.broadcast %mul3A_800 : f32 to vector<16xf32>
      %mul3A_802 = arith.mulf %sub3A_799, %mul3A_801 : vector<16xf32>
      %convert_element_type3A_803 = arith.fptosi %mul3A_802 : vector<16xf32> to vector<16xi32>
      %add3A_804 = arith.constant 1 : i32
      %add3A_805 = vector.broadcast %add3A_804 : i32 to vector<16xi32>
      %add3A_806 = arith.addi %convert_element_type3A_803, %add3A_805 : vector<16xi32>
      %max3A_807 = arith.constant 0 : i32
      %max3A_808 = vector.broadcast %max3A_807 : i32 to vector<16xi32>
      %max3A_809 = arith.maxsi %add3A_806, %max3A_808 : vector<16xi32>
      %min3A_810 = arith.constant 64 : i32
      %min3A_811 = vector.broadcast %min3A_810 : i32 to vector<16xi32>
      %min3A_812 = arith.minsi %max3A_809, %min3A_811 : vector<16xi32>
      %add3A_813 = arith.addi %broadcast_in_dim3A_687, %add3A_31 : vector<16xi32>
      %add3A_814 = arith.addi %add3A_813, %min3A_812 : vector<16xi32>
      tpu.vector_store_idx %arg8[%add3A_814], %add3A_796 : memref<65536xf32, #tpu.memory_space<vmem>>[vector<16xi32>], vector<16xf32>,
      tpu.vector_store_idx %arg17[%min3A_812], %broadcast_in_dim3A_5 {add = true} : memref<80xi32, #tpu.memory_space<vmem>>[vector<16xi32>], vector<16xi32>,
      %add3A_815 = vector.broadcast %add3A_684 : i32 to vector<16xi32>
      %add3A_816 = arith.addi %masked_cumsum3A_676, %add3A_815 : vector<16xi32>
      %sub3A_817 = arith.constant 1 : i32
      %sub3A_818 = vector.broadcast %sub3A_817 : i32 to vector<16xi32>
      %sub3A_819 = arith.subi %add3A_816, %sub3A_818 : vector<16xi32>
      %min3A_820 = arith.constant 62 : i32
      %min3A_821 = vector.broadcast %min3A_820 : i32 to vector<16xi32>
      %min3A_822 = arith.minsi %add3A_816, %min3A_821 : vector<16xi32>
      %gather3A_823 = tpu.vector_load_idx %arg15[%sub3A_819] : memref<64xf32, #tpu.memory_space<vmem>>[vector<16xi32>], vector<16xf32>,
      %gather3A_824 = tpu.vector_load_idx %arg15[%min3A_822] : memref<64xf32, #tpu.memory_space<vmem>>[vector<16xi32>], vector<16xf32>,
      %gather3A_825 = tpu.vector_load_idx %arg9[%sub3A_819] : memref<64xf32, #tpu.memory_space<vmem>>[vector<16xi32>], vector<16xf32>,
      %gather3A_826 = tpu.vector_load_idx %arg9[%min3A_822] : memref<64xf32, #tpu.memory_space<vmem>>[vector<16xi32>], vector<16xf32>,
      %sub3A_827 = arith.subf %gather3A_824, %gather3A_823 : vector<16xf32>
      %lt3A_828 = arith.constant 9.99999974E-6 : f32
      %lt3A_829 = vector.broadcast %lt3A_828 : f32 to vector<16xf32>
      %lt3A_830 = arith.cmpf olt, %sub3A_827, %lt3A_829 : vector<16xf32>
      %jit3A_831 = arith.constant 1.000000e+00 : f32
      %broadcast_in_dim3A_832 = vector.broadcast %jit3A_831 : f32 to vector<16xf32>
      %select_n3A_833 = arith.select %lt3A_830, %broadcast_in_dim3A_832, %sub3A_827 : vector<16xi1>, vector<16xf32>
      %sub3A_834 = arith.subf %get3A_14, %gather3A_823 : vector<16xf32>
      %div3A_835 = arith.divf %sub3A_834, %select_n3A_833 : vector<16xf32>
      %sub3A_836 = arith.subf %gather3A_826, %gather3A_825 : vector<16xf32>
      %mul3A_837 = arith.mulf %div3A_835, %sub3A_836 : vector<16xf32>
      %add3A_838 = arith.addf %gather3A_825, %mul3A_837 : vector<16xf32>
      %sub3A_839 = arith.constant 2.000000e+00 : f32
      %sub3A_840 = vector.broadcast %sub3A_839 : f32 to vector<16xf32>
      %sub3A_841 = arith.subf %add3A_838, %sub3A_840 : vector<16xf32>
      %mul3A_842 = arith.constant 1.575000e+01 : f32
      %mul3A_843 = vector.broadcast %mul3A_842 : f32 to vector<16xf32>
      %mul3A_844 = arith.mulf %sub3A_841, %mul3A_843 : vector<16xf32>
      %convert_element_type3A_845 = arith.fptosi %mul3A_844 : vector<16xf32> to vector<16xi32>
      %add3A_846 = arith.constant 1 : i32
      %add3A_847 = vector.broadcast %add3A_846 : i32 to vector<16xi32>
      %add3A_848 = arith.addi %convert_element_type3A_845, %add3A_847 : vector<16xi32>
      %max3A_849 = arith.constant 0 : i32
      %max3A_850 = vector.broadcast %max3A_849 : i32 to vector<16xi32>
      %max3A_851 = arith.maxsi %add3A_848, %max3A_850 : vector<16xi32>
      %min3A_852 = arith.constant 64 : i32
      %min3A_853 = vector.broadcast %min3A_852 : i32 to vector<16xi32>
      %min3A_854 = arith.minsi %max3A_851, %min3A_853 : vector<16xi32>
      %add3A_855 = arith.addi %broadcast_in_dim3A_687, %add3A_34 : vector<16xi32>
      %add3A_856 = arith.addi %add3A_855, %min3A_854 : vector<16xi32>
      tpu.vector_store_idx %arg8[%add3A_856], %add3A_838 : memref<65536xf32, #tpu.memory_space<vmem>>[vector<16xi32>], vector<16xf32>,
      tpu.vector_store_idx %arg17[%min3A_854], %broadcast_in_dim3A_5 {add = true} : memref<80xi32, #tpu.memory_space<vmem>>[vector<16xi32>], vector<16xi32>,
      %get3A_857 = arith.constant 0 : index
      %get3A_858 = tpu.vector_load %arg17[%get3A_857] {strides = array<i32>} : memref<80xi32, #tpu.memory_space<vmem>>, vector<16xi32>,
      %broadcast_in_dim3A_859 = arith.constant true
      %broadcast_in_dim3A_860 = vector.broadcast %broadcast_in_dim3A_859 : i1 to vector<16xi1>
      %masked_cumsum3A_861 = tpu.scan <sum>, %get3A_858 masked %broadcast_in_dim3A_860 : vector<16xi32>, vector<16xi1> -> vector<16xi32>
      %get3A_862 = arith.constant 16 : index
      %get3A_863 = tpu.vector_load %arg17[%get3A_862] {strides = array<i32>} : memref<80xi32, #tpu.memory_space<vmem>>, vector<16xi32>,
      %broadcast_in_dim3A_864 = arith.constant true
      %broadcast_in_dim3A_865 = vector.broadcast %broadcast_in_dim3A_864 : i1 to vector<16xi1>
      %masked_cumsum3A_866 = tpu.scan <sum>, %get3A_863 masked %broadcast_in_dim3A_865 : vector<16xi32>, vector<16xi1> -> vector<16xi32>
      %get3A_867 = arith.constant 32 : index
      %get3A_868 = tpu.vector_load %arg17[%get3A_867] {strides = array<i32>} : memref<80xi32, #tpu.memory_space<vmem>>, vector<16xi32>,
      %broadcast_in_dim3A_869 = arith.constant true
      %broadcast_in_dim3A_870 = vector.broadcast %broadcast_in_dim3A_869 : i1 to vector<16xi1>
      %masked_cumsum3A_871 = tpu.scan <sum>, %get3A_868 masked %broadcast_in_dim3A_870 : vector<16xi32>, vector<16xi1> -> vector<16xi32>
      %get3A_872 = arith.constant 48 : index
      %get3A_873 = tpu.vector_load %arg17[%get3A_872] {strides = array<i32>} : memref<80xi32, #tpu.memory_space<vmem>>, vector<16xi32>,
      %broadcast_in_dim3A_874 = arith.constant true
      %broadcast_in_dim3A_875 = vector.broadcast %broadcast_in_dim3A_874 : i1 to vector<16xi1>
      %masked_cumsum3A_876 = tpu.scan <sum>, %get3A_873 masked %broadcast_in_dim3A_875 : vector<16xi32>, vector<16xi1> -> vector<16xi32>
      %slice3A_877 = vector.extract_strided_slice %masked_cumsum3A_861 {offsets = [15], sizes = [1], strides = [1]} : vector<16xi32> to vector<1xi32>
      %squeeze3A_878 = vector.extract %slice3A_877[0] : i32 from vector<1xi32>
      %slice3A_879 = vector.extract_strided_slice %masked_cumsum3A_866 {offsets = [15], sizes = [1], strides = [1]} : vector<16xi32> to vector<1xi32>
      %squeeze3A_880 = vector.extract %slice3A_879[0] : i32 from vector<1xi32>
      %add3A_881 = arith.addi %squeeze3A_878, %squeeze3A_880 : i32
      %slice3A_882 = vector.extract_strided_slice %masked_cumsum3A_871 {offsets = [15], sizes = [1], strides = [1]} : vector<16xi32> to vector<1xi32>
      %squeeze3A_883 = vector.extract %slice3A_882[0] : i32 from vector<1xi32>
      %add3A_884 = arith.addi %add3A_881, %squeeze3A_883 : i32
      %add3A_885 = arith.addi %broadcast_in_dim3A_687, %add3A_25 : vector<16xi32>
      %add3A_886 = arith.addi %add3A_885, %masked_cumsum3A_861 : vector<16xi32>
      %add3A_887 = arith.constant 0 : i32
      %add3A_888 = vector.broadcast %add3A_887 : i32 to vector<16xi32>
      %add3A_889 = arith.addi %add3A_886, %add3A_888 : vector<16xi32>
      tpu.vector_store_idx %arg8[%add3A_889], %get3A_16 : memref<65536xf32, #tpu.memory_space<vmem>>[vector<16xi32>], vector<16xf32>,
      %add3A_890 = arith.addi %broadcast_in_dim3A_687, %add3A_28 : vector<16xi32>
      %add3A_891 = arith.addi %add3A_890, %masked_cumsum3A_866 : vector<16xi32>
      %add3A_892 = vector.broadcast %squeeze3A_878 : i32 to vector<16xi32>
      %add3A_893 = arith.addi %add3A_891, %add3A_892 : vector<16xi32>
      tpu.vector_store_idx %arg8[%add3A_893], %get3A_18 : memref<65536xf32, #tpu.memory_space<vmem>>[vector<16xi32>], vector<16xf32>,
      %add3A_894 = arith.addi %broadcast_in_dim3A_687, %add3A_31 : vector<16xi32>
      %add3A_895 = arith.addi %add3A_894, %masked_cumsum3A_871 : vector<16xi32>
      %add3A_896 = vector.broadcast %add3A_881 : i32 to vector<16xi32>
      %add3A_897 = arith.addi %add3A_895, %add3A_896 : vector<16xi32>
      tpu.vector_store_idx %arg8[%add3A_897], %get3A_20 : memref<65536xf32, #tpu.memory_space<vmem>>[vector<16xi32>], vector<16xf32>,
      %add3A_898 = arith.addi %broadcast_in_dim3A_687, %add3A_34 : vector<16xi32>
      %add3A_899 = arith.addi %add3A_898, %masked_cumsum3A_876 : vector<16xi32>
      %add3A_900 = vector.broadcast %add3A_884 : i32 to vector<16xi32>
      %add3A_901 = arith.addi %add3A_899, %add3A_900 : vector<16xi32>
      tpu.vector_store_idx %arg8[%add3A_901], %get3A_22 : memref<65536xf32, #tpu.memory_space<vmem>>[vector<16xi32>], vector<16xf32>,
    }
    %scan3A_42 = arith.constant 256 : i32
    %mul3A_43 = arith.constant 128 : i32
    %mul3A_44 = arith.muli %mul3A_2, %mul3A_43 : i32
    "tpu.region"() ({
      %run_scoped3A = tpu.sem_alloc : memref<!tpu.dma_semaphore, #tpu.memory_space<semaphore_mem>>
      %dma_start3A = tpu.memref_slice %arg6[%mul3A_44] : memref<2097152xf32, #tpu.memory_space<hbm>> -> memref<65536xf32, #tpu.memory_space<hbm>>
      %dma_start3A_45 = tpu.memref_slice %arg6[%mul3A_44] : memref<2097152xf32, #tpu.memory_space<hbm>> -> memref<65536xf32, #tpu.memory_space<hbm>>
      tpu.enqueue_dma source(%arg8 : memref<65536xf32, #tpu.memory_space<vmem>>) target(%dma_start3A_45 : memref<65536xf32, #tpu.memory_space<hbm>>) target_semaphore(%run_scoped3A : memref<!tpu.dma_semaphore, #tpu.memory_space<semaphore_mem>>)
      %dma_wait3A = tpu.memref_slice %arg6[%mul3A_44] : memref<2097152xf32, #tpu.memory_space<hbm>> -> memref<65536xf32, #tpu.memory_space<hbm>>
      %dma_wait3A_46 = tpu.memref_slice %arg6[%mul3A_44] : memref<2097152xf32, #tpu.memory_space<hbm>> -> memref<65536xf32, #tpu.memory_space<hbm>>
      tpu.wait_dma2 semaphore(%run_scoped3A : memref<!tpu.dma_semaphore, #tpu.memory_space<semaphore_mem>>) src(%arg8 : memref<65536xf32, #tpu.memory_space<vmem>>) dst(%dma_wait3A_46 : memref<65536xf32, #tpu.memory_space<hbm>>)
      tpu.yield
    }) : () -> ()
    return
  }
}

module attributes {stable_mosaic.version = 14 : i64} {
  func.func @_tc1_body(%arg0: i32, %arg1: memref<3x1024xf32, #tpu.memory_space<vmem>>, %arg2: memref<3x1024xf32, #tpu.memory_space<vmem>>, %arg3: memref<128x6xf32, #tpu.memory_space<vmem>>, %arg4: memref<128x1xf32, #tpu.memory_space<vmem>>, %arg5: memref<64x128xf32, #tpu.memory_space<vmem>>, %arg6: memref<64x1xf32, #tpu.memory_space<vmem>>, %arg7: memref<64x1xf32, #tpu.memory_space<vmem>>, %arg8: memref<1024x64xf32, #tpu.memory_space<vmem>>) attributes {dimension_semantics = [#tpu.dimension_semantics<arbitrary>], iteration_bounds = array<i64: 16>, scalar_prefetch = 0 : i64, scratch_operands = 0 : i64, tpu.core_type = #tpu.core_type<tc>, window_params = [{transform_indices = @transform_0, window_bounds = array<i64: 3, 1024>}, {transform_indices = @transform_1, window_bounds = array<i64: 3, 1024>}, {pipeline_mode = #tpu.pipeline_mode<synchronous>, transform_indices = @transform_2, window_bounds = array<i64: 128, 6>}, {pipeline_mode = #tpu.pipeline_mode<synchronous>, transform_indices = @transform_3, window_bounds = array<i64: 128, 1>}, {pipeline_mode = #tpu.pipeline_mode<synchronous>, transform_indices = @transform_4, window_bounds = array<i64: 64, 128>}, {pipeline_mode = #tpu.pipeline_mode<synchronous>, transform_indices = @transform_5, window_bounds = array<i64: 64, 1>}, {pipeline_mode = #tpu.pipeline_mode<synchronous>, transform_indices = @transform_6, window_bounds = array<i64: 64, 1>}, {transform_indices = @transform_7, window_bounds = array<i64: 1024, 64>}]} {
    %get3A = arith.constant 0 : index
    %get3A_0 = arith.constant 0 : index
    %get3A_1 = vector.load %arg1[%get3A, %get3A_0] : memref<3x1024xf32, #tpu.memory_space<vmem>>, vector<3x1024xf32>
    %get3A_2 = arith.constant 0 : index
    %get3A_3 = arith.constant 0 : index
    %get3A_4 = vector.load %arg2[%get3A_2, %get3A_3] : memref<3x1024xf32, #tpu.memory_space<vmem>>, vector<3x1024xf32>
    %get3A_5 = arith.constant 0 : index
    %get3A_6 = arith.constant 0 : index
    %get3A_7 = vector.load %arg3[%get3A_5, %get3A_6] : memref<128x6xf32, #tpu.memory_space<vmem>>, vector<128x6xf32>
    %get3A_8 = arith.constant 0 : index
    %get3A_9 = arith.constant 0 : index
    %get3A_10 = vector.load %arg4[%get3A_8, %get3A_9] : memref<128x1xf32, #tpu.memory_space<vmem>>, vector<128x1xf32>
    %get3A_11 = arith.constant 0 : index
    %get3A_12 = arith.constant 0 : index
    %get3A_13 = vector.load %arg5[%get3A_11, %get3A_12] : memref<64x128xf32, #tpu.memory_space<vmem>>, vector<64x128xf32>
    %get3A_14 = arith.constant 0 : index
    %get3A_15 = arith.constant 0 : index
    %get3A_16 = vector.load %arg6[%get3A_14, %get3A_15] : memref<64x1xf32, #tpu.memory_space<vmem>>, vector<64x1xf32>
    %get3A_17 = arith.constant 0 : index
    %get3A_18 = arith.constant 0 : index
    %get3A_19 = vector.load %arg7[%get3A_17, %get3A_18] : memref<64x1xf32, #tpu.memory_space<vmem>>, vector<64x1xf32>
    %broadcast_in_dim3A = vector.shape_cast %get3A_10 : vector<128x1xf32> to vector<128x1xf32>
    %broadcast_in_dim3A_20 = vector.broadcast %broadcast_in_dim3A : vector<128x1xf32> to vector<128x1024xf32>
    %broadcast_in_dim3A_21 = arith.constant 0.000000e+00 : f32
    %broadcast_in_dim3A_22 = vector.broadcast %broadcast_in_dim3A_21 : f32 to vector<128x1024xf32>
    %slice3A = vector.extract_strided_slice %get3A_7 {offsets = [0, 0], sizes = [128, 1], strides = [1, 1]} : vector<128x6xf32> to vector<128x1xf32>
    %slice3A_23 = vector.extract_strided_slice %get3A_1 {offsets = [0, 0], sizes = [1, 1024], strides = [1, 1]} : vector<3x1024xf32> to vector<1x1024xf32>
    %mul3A = vector.broadcast %slice3A : vector<128x1xf32> to vector<128x1024xf32>
    %mul3A_24 = vector.broadcast %slice3A_23 : vector<1x1024xf32> to vector<128x1024xf32>
    %mul3A_25 = arith.mulf %mul3A, %mul3A_24 : vector<128x1024xf32>
    %add3A = arith.addf %broadcast_in_dim3A_20, %mul3A_25 : vector<128x1024xf32>
    %slice3A_26 = vector.extract_strided_slice %get3A_7 {offsets = [0, 3], sizes = [128, 1], strides = [1, 1]} : vector<128x6xf32> to vector<128x1xf32>
    %slice3A_27 = vector.extract_strided_slice %get3A_4 {offsets = [0, 0], sizes = [1, 1024], strides = [1, 1]} : vector<3x1024xf32> to vector<1x1024xf32>
    %mul3A_28 = vector.broadcast %slice3A_26 : vector<128x1xf32> to vector<128x1024xf32>
    %mul3A_29 = vector.broadcast %slice3A_27 : vector<1x1024xf32> to vector<128x1024xf32>
    %mul3A_30 = arith.mulf %mul3A_28, %mul3A_29 : vector<128x1024xf32>
    %add3A_31 = arith.addf %add3A, %mul3A_30 : vector<128x1024xf32>
    %slice3A_32 = vector.extract_strided_slice %get3A_7 {offsets = [0, 0], sizes = [128, 1], strides = [1, 1]} : vector<128x6xf32> to vector<128x1xf32>
    %slice3A_33 = vector.extract_strided_slice %get3A_4 {offsets = [0, 0], sizes = [1, 1024], strides = [1, 1]} : vector<3x1024xf32> to vector<1x1024xf32>
    %mul3A_34 = vector.broadcast %slice3A_32 : vector<128x1xf32> to vector<128x1024xf32>
    %mul3A_35 = vector.broadcast %slice3A_33 : vector<1x1024xf32> to vector<128x1024xf32>
    %mul3A_36 = arith.mulf %mul3A_34, %mul3A_35 : vector<128x1024xf32>
    %add3A_37 = arith.addf %broadcast_in_dim3A_22, %mul3A_36 : vector<128x1024xf32>
    %slice3A_38 = vector.extract_strided_slice %get3A_7 {offsets = [0, 1], sizes = [128, 1], strides = [1, 1]} : vector<128x6xf32> to vector<128x1xf32>
    %slice3A_39 = vector.extract_strided_slice %get3A_1 {offsets = [1, 0], sizes = [1, 1024], strides = [1, 1]} : vector<3x1024xf32> to vector<1x1024xf32>
    %mul3A_40 = vector.broadcast %slice3A_38 : vector<128x1xf32> to vector<128x1024xf32>
    %mul3A_41 = vector.broadcast %slice3A_39 : vector<1x1024xf32> to vector<128x1024xf32>
    %mul3A_42 = arith.mulf %mul3A_40, %mul3A_41 : vector<128x1024xf32>
    %add3A_43 = arith.addf %add3A_31, %mul3A_42 : vector<128x1024xf32>
    %slice3A_44 = vector.extract_strided_slice %get3A_7 {offsets = [0, 4], sizes = [128, 1], strides = [1, 1]} : vector<128x6xf32> to vector<128x1xf32>
    %slice3A_45 = vector.extract_strided_slice %get3A_4 {offsets = [1, 0], sizes = [1, 1024], strides = [1, 1]} : vector<3x1024xf32> to vector<1x1024xf32>
    %mul3A_46 = vector.broadcast %slice3A_44 : vector<128x1xf32> to vector<128x1024xf32>
    %mul3A_47 = vector.broadcast %slice3A_45 : vector<1x1024xf32> to vector<128x1024xf32>
    %mul3A_48 = arith.mulf %mul3A_46, %mul3A_47 : vector<128x1024xf32>
    %add3A_49 = arith.addf %add3A_43, %mul3A_48 : vector<128x1024xf32>
    %slice3A_50 = vector.extract_strided_slice %get3A_7 {offsets = [0, 1], sizes = [128, 1], strides = [1, 1]} : vector<128x6xf32> to vector<128x1xf32>
    %slice3A_51 = vector.extract_strided_slice %get3A_4 {offsets = [1, 0], sizes = [1, 1024], strides = [1, 1]} : vector<3x1024xf32> to vector<1x1024xf32>
    %mul3A_52 = vector.broadcast %slice3A_50 : vector<128x1xf32> to vector<128x1024xf32>
    %mul3A_53 = vector.broadcast %slice3A_51 : vector<1x1024xf32> to vector<128x1024xf32>
    %mul3A_54 = arith.mulf %mul3A_52, %mul3A_53 : vector<128x1024xf32>
    %add3A_55 = arith.addf %add3A_37, %mul3A_54 : vector<128x1024xf32>
    %slice3A_56 = vector.extract_strided_slice %get3A_7 {offsets = [0, 2], sizes = [128, 1], strides = [1, 1]} : vector<128x6xf32> to vector<128x1xf32>
    %slice3A_57 = vector.extract_strided_slice %get3A_1 {offsets = [2, 0], sizes = [1, 1024], strides = [1, 1]} : vector<3x1024xf32> to vector<1x1024xf32>
    %mul3A_58 = vector.broadcast %slice3A_56 : vector<128x1xf32> to vector<128x1024xf32>
    %mul3A_59 = vector.broadcast %slice3A_57 : vector<1x1024xf32> to vector<128x1024xf32>
    %mul3A_60 = arith.mulf %mul3A_58, %mul3A_59 : vector<128x1024xf32>
    %add3A_61 = arith.addf %add3A_49, %mul3A_60 : vector<128x1024xf32>
    %slice3A_62 = vector.extract_strided_slice %get3A_7 {offsets = [0, 5], sizes = [128, 1], strides = [1, 1]} : vector<128x6xf32> to vector<128x1xf32>
    %slice3A_63 = vector.extract_strided_slice %get3A_4 {offsets = [2, 0], sizes = [1, 1024], strides = [1, 1]} : vector<3x1024xf32> to vector<1x1024xf32>
    %mul3A_64 = vector.broadcast %slice3A_62 : vector<128x1xf32> to vector<128x1024xf32>
    %mul3A_65 = vector.broadcast %slice3A_63 : vector<1x1024xf32> to vector<128x1024xf32>
    %mul3A_66 = arith.mulf %mul3A_64, %mul3A_65 : vector<128x1024xf32>
    %add3A_67 = arith.addf %add3A_61, %mul3A_66 : vector<128x1024xf32>
    %slice3A_68 = vector.extract_strided_slice %get3A_7 {offsets = [0, 2], sizes = [128, 1], strides = [1, 1]} : vector<128x6xf32> to vector<128x1xf32>
    %slice3A_69 = vector.extract_strided_slice %get3A_4 {offsets = [2, 0], sizes = [1, 1024], strides = [1, 1]} : vector<3x1024xf32> to vector<1x1024xf32>
    %mul3A_70 = vector.broadcast %slice3A_68 : vector<128x1xf32> to vector<128x1024xf32>
    %mul3A_71 = vector.broadcast %slice3A_69 : vector<1x1024xf32> to vector<128x1024xf32>
    %mul3A_72 = arith.mulf %mul3A_70, %mul3A_71 : vector<128x1024xf32>
    %add3A_73 = arith.addf %add3A_55, %mul3A_72 : vector<128x1024xf32>
    %mul3A_74 = arith.constant 2.000000e+00 : f32
    %mul3A_75 = vector.broadcast %mul3A_74 : f32 to vector<128x1024xf32>
    %mul3A_76 = arith.mulf %mul3A_75, %add3A_73 : vector<128x1024xf32>
    %add3A_77 = arith.addf %add3A_67, %mul3A_76 : vector<128x1024xf32>
    %max3A = arith.constant 0.000000e+00 : f32
    %max3A_78 = vector.broadcast %max3A : f32 to vector<128x1024xf32>
    %max3A_79 = arith.maximumf %add3A_77, %max3A_78 : vector<128x1024xf32>
    %dot_general3A = arith.constant dense<0.000000e+00> : vector<64x1024xf32>
    %dot_general3A_80 = tpu.matmul %get3A_13, %max3A_79, %dot_general3A {dimension_numbers = #tpu.dot_dimension_numbers<[1], [0], [0], [1], [0, 0, 1, 1], [], []>, transpose_lhs_hint = false} : vector<64x128xf32>, vector<128x1024xf32>, vector<64x1024xf32> -> vector<64x1024xf32>
    %add3A_81 = vector.broadcast %get3A_16 : vector<64x1xf32> to vector<64x1024xf32>
    %add3A_82 = arith.addf %dot_general3A_80, %add3A_81 : vector<64x1024xf32>
    %max3A_83 = arith.constant 0.000000e+00 : f32
    %max3A_84 = vector.broadcast %max3A_83 : f32 to vector<64x1024xf32>
    %max3A_85 = arith.maximumf %add3A_82, %max3A_84 : vector<64x1024xf32>
    %mul3A_86 = vector.broadcast %get3A_19 : vector<64x1xf32> to vector<64x1024xf32>
    %mul3A_87 = arith.mulf %max3A_85, %mul3A_86 : vector<64x1024xf32>
    %reduce_sum3A = arith.constant dense<0.000000e+00> : vector<1024xf32>
    %reduce_sum3A_88 = vector.multi_reduction <add>, %mul3A_87, %reduce_sum3A [0] : vector<64x1024xf32> to vector<1024xf32>
    %broadcast_in_dim3A_89 = vector.shape_cast %reduce_sum3A_88 : vector<1024xf32> to vector<1x1024xf32>
    %mul3A_90 = arith.constant 2.06349206 : f32
    %mul3A_91 = vector.broadcast %mul3A_90 : f32 to vector<128x1024xf32>
    %mul3A_92 = arith.mulf %mul3A_91, %add3A_73 : vector<128x1024xf32>
    %add3A_93 = arith.addf %add3A_67, %mul3A_92 : vector<128x1024xf32>
    %max3A_94 = arith.constant 0.000000e+00 : f32
    %max3A_95 = vector.broadcast %max3A_94 : f32 to vector<128x1024xf32>
    %max3A_96 = arith.maximumf %add3A_93, %max3A_95 : vector<128x1024xf32>
    %dot_general3A_97 = arith.constant dense<0.000000e+00> : vector<64x1024xf32>
    %dot_general3A_98 = tpu.matmul %get3A_13, %max3A_96, %dot_general3A_97 {dimension_numbers = #tpu.dot_dimension_numbers<[1], [0], [0], [1], [0, 0, 1, 1], [], []>, transpose_lhs_hint = false} : vector<64x128xf32>, vector<128x1024xf32>, vector<64x1024xf32> -> vector<64x1024xf32>
    %add3A_99 = vector.broadcast %get3A_16 : vector<64x1xf32> to vector<64x1024xf32>
    %add3A_100 = arith.addf %dot_general3A_98, %add3A_99 : vector<64x1024xf32>
    %max3A_101 = arith.constant 0.000000e+00 : f32
    %max3A_102 = vector.broadcast %max3A_101 : f32 to vector<64x1024xf32>
    %max3A_103 = arith.maximumf %add3A_100, %max3A_102 : vector<64x1024xf32>
    %mul3A_104 = vector.broadcast %get3A_19 : vector<64x1xf32> to vector<64x1024xf32>
    %mul3A_105 = arith.mulf %max3A_103, %mul3A_104 : vector<64x1024xf32>
    %reduce_sum3A_106 = arith.constant dense<0.000000e+00> : vector<1024xf32>
    %reduce_sum3A_107 = vector.multi_reduction <add>, %mul3A_105, %reduce_sum3A_106 [0] : vector<64x1024xf32> to vector<1024xf32>
    %broadcast_in_dim3A_108 = vector.shape_cast %reduce_sum3A_107 : vector<1024xf32> to vector<1x1024xf32>
    %mul3A_109 = arith.constant 2.12698412 : f32
    %mul3A_110 = vector.broadcast %mul3A_109 : f32 to vector<128x1024xf32>
    %mul3A_111 = arith.mulf %mul3A_110, %add3A_73 : vector<128x1024xf32>
    %add3A_112 = arith.addf %add3A_67, %mul3A_111 : vector<128x1024xf32>
    %max3A_113 = arith.constant 0.000000e+00 : f32
    %max3A_114 = vector.broadcast %max3A_113 : f32 to vector<128x1024xf32>
    %max3A_115 = arith.maximumf %add3A_112, %max3A_114 : vector<128x1024xf32>
    %dot_general3A_116 = arith.constant dense<0.000000e+00> : vector<64x1024xf32>
    %dot_general3A_117 = tpu.matmul %get3A_13, %max3A_115, %dot_general3A_116 {dimension_numbers = #tpu.dot_dimension_numbers<[1], [0], [0], [1], [0, 0, 1, 1], [], []>, transpose_lhs_hint = false} : vector<64x128xf32>, vector<128x1024xf32>, vector<64x1024xf32> -> vector<64x1024xf32>
    %add3A_118 = vector.broadcast %get3A_16 : vector<64x1xf32> to vector<64x1024xf32>
    %add3A_119 = arith.addf %dot_general3A_117, %add3A_118 : vector<64x1024xf32>
    %max3A_120 = arith.constant 0.000000e+00 : f32
    %max3A_121 = vector.broadcast %max3A_120 : f32 to vector<64x1024xf32>
    %max3A_122 = arith.maximumf %add3A_119, %max3A_121 : vector<64x1024xf32>
    %mul3A_123 = vector.broadcast %get3A_19 : vector<64x1xf32> to vector<64x1024xf32>
    %mul3A_124 = arith.mulf %max3A_122, %mul3A_123 : vector<64x1024xf32>
    %reduce_sum3A_125 = arith.constant dense<0.000000e+00> : vector<1024xf32>
    %reduce_sum3A_126 = vector.multi_reduction <add>, %mul3A_124, %reduce_sum3A_125 [0] : vector<64x1024xf32> to vector<1024xf32>
    %broadcast_in_dim3A_127 = vector.shape_cast %reduce_sum3A_126 : vector<1024xf32> to vector<1x1024xf32>
    %mul3A_128 = arith.constant 2.19047618 : f32
    %mul3A_129 = vector.broadcast %mul3A_128 : f32 to vector<128x1024xf32>
    %mul3A_130 = arith.mulf %mul3A_129, %add3A_73 : vector<128x1024xf32>
    %add3A_131 = arith.addf %add3A_67, %mul3A_130 : vector<128x1024xf32>
    %max3A_132 = arith.constant 0.000000e+00 : f32
    %max3A_133 = vector.broadcast %max3A_132 : f32 to vector<128x1024xf32>
    %max3A_134 = arith.maximumf %add3A_131, %max3A_133 : vector<128x1024xf32>
    %dot_general3A_135 = arith.constant dense<0.000000e+00> : vector<64x1024xf32>
    %dot_general3A_136 = tpu.matmul %get3A_13, %max3A_134, %dot_general3A_135 {dimension_numbers = #tpu.dot_dimension_numbers<[1], [0], [0], [1], [0, 0, 1, 1], [], []>, transpose_lhs_hint = false} : vector<64x128xf32>, vector<128x1024xf32>, vector<64x1024xf32> -> vector<64x1024xf32>
    %add3A_137 = vector.broadcast %get3A_16 : vector<64x1xf32> to vector<64x1024xf32>
    %add3A_138 = arith.addf %dot_general3A_136, %add3A_137 : vector<64x1024xf32>
    %max3A_139 = arith.constant 0.000000e+00 : f32
    %max3A_140 = vector.broadcast %max3A_139 : f32 to vector<64x1024xf32>
    %max3A_141 = arith.maximumf %add3A_138, %max3A_140 : vector<64x1024xf32>
    %mul3A_142 = vector.broadcast %get3A_19 : vector<64x1xf32> to vector<64x1024xf32>
    %mul3A_143 = arith.mulf %max3A_141, %mul3A_142 : vector<64x1024xf32>
    %reduce_sum3A_144 = arith.constant dense<0.000000e+00> : vector<1024xf32>
    %reduce_sum3A_145 = vector.multi_reduction <add>, %mul3A_143, %reduce_sum3A_144 [0] : vector<64x1024xf32> to vector<1024xf32>
    %broadcast_in_dim3A_146 = vector.shape_cast %reduce_sum3A_145 : vector<1024xf32> to vector<1x1024xf32>
    %mul3A_147 = arith.constant 2.25396824 : f32
    %mul3A_148 = vector.broadcast %mul3A_147 : f32 to vector<128x1024xf32>
    %mul3A_149 = arith.mulf %mul3A_148, %add3A_73 : vector<128x1024xf32>
    %add3A_150 = arith.addf %add3A_67, %mul3A_149 : vector<128x1024xf32>
    %max3A_151 = arith.constant 0.000000e+00 : f32
    %max3A_152 = vector.broadcast %max3A_151 : f32 to vector<128x1024xf32>
    %max3A_153 = arith.maximumf %add3A_150, %max3A_152 : vector<128x1024xf32>
    %dot_general3A_154 = arith.constant dense<0.000000e+00> : vector<64x1024xf32>
    %dot_general3A_155 = tpu.matmul %get3A_13, %max3A_153, %dot_general3A_154 {dimension_numbers = #tpu.dot_dimension_numbers<[1], [0], [0], [1], [0, 0, 1, 1], [], []>, transpose_lhs_hint = false} : vector<64x128xf32>, vector<128x1024xf32>, vector<64x1024xf32> -> vector<64x1024xf32>
    %add3A_156 = vector.broadcast %get3A_16 : vector<64x1xf32> to vector<64x1024xf32>
    %add3A_157 = arith.addf %dot_general3A_155, %add3A_156 : vector<64x1024xf32>
    %max3A_158 = arith.constant 0.000000e+00 : f32
    %max3A_159 = vector.broadcast %max3A_158 : f32 to vector<64x1024xf32>
    %max3A_160 = arith.maximumf %add3A_157, %max3A_159 : vector<64x1024xf32>
    %mul3A_161 = vector.broadcast %get3A_19 : vector<64x1xf32> to vector<64x1024xf32>
    %mul3A_162 = arith.mulf %max3A_160, %mul3A_161 : vector<64x1024xf32>
    %reduce_sum3A_163 = arith.constant dense<0.000000e+00> : vector<1024xf32>
    %reduce_sum3A_164 = vector.multi_reduction <add>, %mul3A_162, %reduce_sum3A_163 [0] : vector<64x1024xf32> to vector<1024xf32>
    %broadcast_in_dim3A_165 = vector.shape_cast %reduce_sum3A_164 : vector<1024xf32> to vector<1x1024xf32>
    %mul3A_166 = arith.constant 2.3174603 : f32
    %mul3A_167 = vector.broadcast %mul3A_166 : f32 to vector<128x1024xf32>
    %mul3A_168 = arith.mulf %mul3A_167, %add3A_73 : vector<128x1024xf32>
    %add3A_169 = arith.addf %add3A_67, %mul3A_168 : vector<128x1024xf32>
    %max3A_170 = arith.constant 0.000000e+00 : f32
    %max3A_171 = vector.broadcast %max3A_170 : f32 to vector<128x1024xf32>
    %max3A_172 = arith.maximumf %add3A_169, %max3A_171 : vector<128x1024xf32>
    %dot_general3A_173 = arith.constant dense<0.000000e+00> : vector<64x1024xf32>
    %dot_general3A_174 = tpu.matmul %get3A_13, %max3A_172, %dot_general3A_173 {dimension_numbers = #tpu.dot_dimension_numbers<[1], [0], [0], [1], [0, 0, 1, 1], [], []>, transpose_lhs_hint = false} : vector<64x128xf32>, vector<128x1024xf32>, vector<64x1024xf32> -> vector<64x1024xf32>
    %add3A_175 = vector.broadcast %get3A_16 : vector<64x1xf32> to vector<64x1024xf32>
    %add3A_176 = arith.addf %dot_general3A_174, %add3A_175 : vector<64x1024xf32>
    %max3A_177 = arith.constant 0.000000e+00 : f32
    %max3A_178 = vector.broadcast %max3A_177 : f32 to vector<64x1024xf32>
    %max3A_179 = arith.maximumf %add3A_176, %max3A_178 : vector<64x1024xf32>
    %mul3A_180 = vector.broadcast %get3A_19 : vector<64x1xf32> to vector<64x1024xf32>
    %mul3A_181 = arith.mulf %max3A_179, %mul3A_180 : vector<64x1024xf32>
    %reduce_sum3A_182 = arith.constant dense<0.000000e+00> : vector<1024xf32>
    %reduce_sum3A_183 = vector.multi_reduction <add>, %mul3A_181, %reduce_sum3A_182 [0] : vector<64x1024xf32> to vector<1024xf32>
    %broadcast_in_dim3A_184 = vector.shape_cast %reduce_sum3A_183 : vector<1024xf32> to vector<1x1024xf32>
    %mul3A_185 = arith.constant 2.38095236 : f32
    %mul3A_186 = vector.broadcast %mul3A_185 : f32 to vector<128x1024xf32>
    %mul3A_187 = arith.mulf %mul3A_186, %add3A_73 : vector<128x1024xf32>
    %add3A_188 = arith.addf %add3A_67, %mul3A_187 : vector<128x1024xf32>
    %max3A_189 = arith.constant 0.000000e+00 : f32
    %max3A_190 = vector.broadcast %max3A_189 : f32 to vector<128x1024xf32>
    %max3A_191 = arith.maximumf %add3A_188, %max3A_190 : vector<128x1024xf32>
    %dot_general3A_192 = arith.constant dense<0.000000e+00> : vector<64x1024xf32>
    %dot_general3A_193 = tpu.matmul %get3A_13, %max3A_191, %dot_general3A_192 {dimension_numbers = #tpu.dot_dimension_numbers<[1], [0], [0], [1], [0, 0, 1, 1], [], []>, transpose_lhs_hint = false} : vector<64x128xf32>, vector<128x1024xf32>, vector<64x1024xf32> -> vector<64x1024xf32>
    %add3A_194 = vector.broadcast %get3A_16 : vector<64x1xf32> to vector<64x1024xf32>
    %add3A_195 = arith.addf %dot_general3A_193, %add3A_194 : vector<64x1024xf32>
    %max3A_196 = arith.constant 0.000000e+00 : f32
    %max3A_197 = vector.broadcast %max3A_196 : f32 to vector<64x1024xf32>
    %max3A_198 = arith.maximumf %add3A_195, %max3A_197 : vector<64x1024xf32>
    %mul3A_199 = vector.broadcast %get3A_19 : vector<64x1xf32> to vector<64x1024xf32>
    %mul3A_200 = arith.mulf %max3A_198, %mul3A_199 : vector<64x1024xf32>
    %reduce_sum3A_201 = arith.constant dense<0.000000e+00> : vector<1024xf32>
    %reduce_sum3A_202 = vector.multi_reduction <add>, %mul3A_200, %reduce_sum3A_201 [0] : vector<64x1024xf32> to vector<1024xf32>
    %broadcast_in_dim3A_203 = vector.shape_cast %reduce_sum3A_202 : vector<1024xf32> to vector<1x1024xf32>
    %mul3A_204 = arith.constant 2.44444442 : f32
    %mul3A_205 = vector.broadcast %mul3A_204 : f32 to vector<128x1024xf32>
    %mul3A_206 = arith.mulf %mul3A_205, %add3A_73 : vector<128x1024xf32>
    %add3A_207 = arith.addf %add3A_67, %mul3A_206 : vector<128x1024xf32>
    %max3A_208 = arith.constant 0.000000e+00 : f32
    %max3A_209 = vector.broadcast %max3A_208 : f32 to vector<128x1024xf32>
    %max3A_210 = arith.maximumf %add3A_207, %max3A_209 : vector<128x1024xf32>
    %dot_general3A_211 = arith.constant dense<0.000000e+00> : vector<64x1024xf32>
    %dot_general3A_212 = tpu.matmul %get3A_13, %max3A_210, %dot_general3A_211 {dimension_numbers = #tpu.dot_dimension_numbers<[1], [0], [0], [1], [0, 0, 1, 1], [], []>, transpose_lhs_hint = false} : vector<64x128xf32>, vector<128x1024xf32>, vector<64x1024xf32> -> vector<64x1024xf32>
    %add3A_213 = vector.broadcast %get3A_16 : vector<64x1xf32> to vector<64x1024xf32>
    %add3A_214 = arith.addf %dot_general3A_212, %add3A_213 : vector<64x1024xf32>
    %max3A_215 = arith.constant 0.000000e+00 : f32
    %max3A_216 = vector.broadcast %max3A_215 : f32 to vector<64x1024xf32>
    %max3A_217 = arith.maximumf %add3A_214, %max3A_216 : vector<64x1024xf32>
    %mul3A_218 = vector.broadcast %get3A_19 : vector<64x1xf32> to vector<64x1024xf32>
    %mul3A_219 = arith.mulf %max3A_217, %mul3A_218 : vector<64x1024xf32>
    %reduce_sum3A_220 = arith.constant dense<0.000000e+00> : vector<1024xf32>
    %reduce_sum3A_221 = vector.multi_reduction <add>, %mul3A_219, %reduce_sum3A_220 [0] : vector<64x1024xf32> to vector<1024xf32>
    %broadcast_in_dim3A_222 = vector.shape_cast %reduce_sum3A_221 : vector<1024xf32> to vector<1x1024xf32>
    %mul3A_223 = arith.constant 2.50793648 : f32
    %mul3A_224 = vector.broadcast %mul3A_223 : f32 to vector<128x1024xf32>
    %mul3A_225 = arith.mulf %mul3A_224, %add3A_73 : vector<128x1024xf32>
    %add3A_226 = arith.addf %add3A_67, %mul3A_225 : vector<128x1024xf32>
    %max3A_227 = arith.constant 0.000000e+00 : f32
    %max3A_228 = vector.broadcast %max3A_227 : f32 to vector<128x1024xf32>
    %max3A_229 = arith.maximumf %add3A_226, %max3A_228 : vector<128x1024xf32>
    %dot_general3A_230 = arith.constant dense<0.000000e+00> : vector<64x1024xf32>
    %dot_general3A_231 = tpu.matmul %get3A_13, %max3A_229, %dot_general3A_230 {dimension_numbers = #tpu.dot_dimension_numbers<[1], [0], [0], [1], [0, 0, 1, 1], [], []>, transpose_lhs_hint = false} : vector<64x128xf32>, vector<128x1024xf32>, vector<64x1024xf32> -> vector<64x1024xf32>
    %add3A_232 = vector.broadcast %get3A_16 : vector<64x1xf32> to vector<64x1024xf32>
    %add3A_233 = arith.addf %dot_general3A_231, %add3A_232 : vector<64x1024xf32>
    %max3A_234 = arith.constant 0.000000e+00 : f32
    %max3A_235 = vector.broadcast %max3A_234 : f32 to vector<64x1024xf32>
    %max3A_236 = arith.maximumf %add3A_233, %max3A_235 : vector<64x1024xf32>
    %mul3A_237 = vector.broadcast %get3A_19 : vector<64x1xf32> to vector<64x1024xf32>
    %mul3A_238 = arith.mulf %max3A_236, %mul3A_237 : vector<64x1024xf32>
    %reduce_sum3A_239 = arith.constant dense<0.000000e+00> : vector<1024xf32>
    %reduce_sum3A_240 = vector.multi_reduction <add>, %mul3A_238, %reduce_sum3A_239 [0] : vector<64x1024xf32> to vector<1024xf32>
    %broadcast_in_dim3A_241 = vector.shape_cast %reduce_sum3A_240 : vector<1024xf32> to vector<1x1024xf32>
    %mul3A_242 = arith.constant 2.57142878 : f32
    %mul3A_243 = vector.broadcast %mul3A_242 : f32 to vector<128x1024xf32>
    %mul3A_244 = arith.mulf %mul3A_243, %add3A_73 : vector<128x1024xf32>
    %add3A_245 = arith.addf %add3A_67, %mul3A_244 : vector<128x1024xf32>
    %max3A_246 = arith.constant 0.000000e+00 : f32
    %max3A_247 = vector.broadcast %max3A_246 : f32 to vector<128x1024xf32>
    %max3A_248 = arith.maximumf %add3A_245, %max3A_247 : vector<128x1024xf32>
    %dot_general3A_249 = arith.constant dense<0.000000e+00> : vector<64x1024xf32>
    %dot_general3A_250 = tpu.matmul %get3A_13, %max3A_248, %dot_general3A_249 {dimension_numbers = #tpu.dot_dimension_numbers<[1], [0], [0], [1], [0, 0, 1, 1], [], []>, transpose_lhs_hint = false} : vector<64x128xf32>, vector<128x1024xf32>, vector<64x1024xf32> -> vector<64x1024xf32>
    %add3A_251 = vector.broadcast %get3A_16 : vector<64x1xf32> to vector<64x1024xf32>
    %add3A_252 = arith.addf %dot_general3A_250, %add3A_251 : vector<64x1024xf32>
    %max3A_253 = arith.constant 0.000000e+00 : f32
    %max3A_254 = vector.broadcast %max3A_253 : f32 to vector<64x1024xf32>
    %max3A_255 = arith.maximumf %add3A_252, %max3A_254 : vector<64x1024xf32>
    %mul3A_256 = vector.broadcast %get3A_19 : vector<64x1xf32> to vector<64x1024xf32>
    %mul3A_257 = arith.mulf %max3A_255, %mul3A_256 : vector<64x1024xf32>
    %reduce_sum3A_258 = arith.constant dense<0.000000e+00> : vector<1024xf32>
    %reduce_sum3A_259 = vector.multi_reduction <add>, %mul3A_257, %reduce_sum3A_258 [0] : vector<64x1024xf32> to vector<1024xf32>
    %broadcast_in_dim3A_260 = vector.shape_cast %reduce_sum3A_259 : vector<1024xf32> to vector<1x1024xf32>
    %mul3A_261 = arith.constant 2.6349206 : f32
    %mul3A_262 = vector.broadcast %mul3A_261 : f32 to vector<128x1024xf32>
    %mul3A_263 = arith.mulf %mul3A_262, %add3A_73 : vector<128x1024xf32>
    %add3A_264 = arith.addf %add3A_67, %mul3A_263 : vector<128x1024xf32>
    %max3A_265 = arith.constant 0.000000e+00 : f32
    %max3A_266 = vector.broadcast %max3A_265 : f32 to vector<128x1024xf32>
    %max3A_267 = arith.maximumf %add3A_264, %max3A_266 : vector<128x1024xf32>
    %dot_general3A_268 = arith.constant dense<0.000000e+00> : vector<64x1024xf32>
    %dot_general3A_269 = tpu.matmul %get3A_13, %max3A_267, %dot_general3A_268 {dimension_numbers = #tpu.dot_dimension_numbers<[1], [0], [0], [1], [0, 0, 1, 1], [], []>, transpose_lhs_hint = false} : vector<64x128xf32>, vector<128x1024xf32>, vector<64x1024xf32> -> vector<64x1024xf32>
    %add3A_270 = vector.broadcast %get3A_16 : vector<64x1xf32> to vector<64x1024xf32>
    %add3A_271 = arith.addf %dot_general3A_269, %add3A_270 : vector<64x1024xf32>
    %max3A_272 = arith.constant 0.000000e+00 : f32
    %max3A_273 = vector.broadcast %max3A_272 : f32 to vector<64x1024xf32>
    %max3A_274 = arith.maximumf %add3A_271, %max3A_273 : vector<64x1024xf32>
    %mul3A_275 = vector.broadcast %get3A_19 : vector<64x1xf32> to vector<64x1024xf32>
    %mul3A_276 = arith.mulf %max3A_274, %mul3A_275 : vector<64x1024xf32>
    %reduce_sum3A_277 = arith.constant dense<0.000000e+00> : vector<1024xf32>
    %reduce_sum3A_278 = vector.multi_reduction <add>, %mul3A_276, %reduce_sum3A_277 [0] : vector<64x1024xf32> to vector<1024xf32>
    %broadcast_in_dim3A_279 = vector.shape_cast %reduce_sum3A_278 : vector<1024xf32> to vector<1x1024xf32>
    %mul3A_280 = arith.constant 2.6984129 : f32
    %mul3A_281 = vector.broadcast %mul3A_280 : f32 to vector<128x1024xf32>
    %mul3A_282 = arith.mulf %mul3A_281, %add3A_73 : vector<128x1024xf32>
    %add3A_283 = arith.addf %add3A_67, %mul3A_282 : vector<128x1024xf32>
    %max3A_284 = arith.constant 0.000000e+00 : f32
    %max3A_285 = vector.broadcast %max3A_284 : f32 to vector<128x1024xf32>
    %max3A_286 = arith.maximumf %add3A_283, %max3A_285 : vector<128x1024xf32>
    %dot_general3A_287 = arith.constant dense<0.000000e+00> : vector<64x1024xf32>
    %dot_general3A_288 = tpu.matmul %get3A_13, %max3A_286, %dot_general3A_287 {dimension_numbers = #tpu.dot_dimension_numbers<[1], [0], [0], [1], [0, 0, 1, 1], [], []>, transpose_lhs_hint = false} : vector<64x128xf32>, vector<128x1024xf32>, vector<64x1024xf32> -> vector<64x1024xf32>
    %add3A_289 = vector.broadcast %get3A_16 : vector<64x1xf32> to vector<64x1024xf32>
    %add3A_290 = arith.addf %dot_general3A_288, %add3A_289 : vector<64x1024xf32>
    %max3A_291 = arith.constant 0.000000e+00 : f32
    %max3A_292 = vector.broadcast %max3A_291 : f32 to vector<64x1024xf32>
    %max3A_293 = arith.maximumf %add3A_290, %max3A_292 : vector<64x1024xf32>
    %mul3A_294 = vector.broadcast %get3A_19 : vector<64x1xf32> to vector<64x1024xf32>
    %mul3A_295 = arith.mulf %max3A_293, %mul3A_294 : vector<64x1024xf32>
    %reduce_sum3A_296 = arith.constant dense<0.000000e+00> : vector<1024xf32>
    %reduce_sum3A_297 = vector.multi_reduction <add>, %mul3A_295, %reduce_sum3A_296 [0] : vector<64x1024xf32> to vector<1024xf32>
    %broadcast_in_dim3A_298 = vector.shape_cast %reduce_sum3A_297 : vector<1024xf32> to vector<1x1024xf32>
    %mul3A_299 = arith.constant 2.76190472 : f32
    %mul3A_300 = vector.broadcast %mul3A_299 : f32 to vector<128x1024xf32>
    %mul3A_301 = arith.mulf %mul3A_300, %add3A_73 : vector<128x1024xf32>
    %add3A_302 = arith.addf %add3A_67, %mul3A_301 : vector<128x1024xf32>
    %max3A_303 = arith.constant 0.000000e+00 : f32
    %max3A_304 = vector.broadcast %max3A_303 : f32 to vector<128x1024xf32>
    %max3A_305 = arith.maximumf %add3A_302, %max3A_304 : vector<128x1024xf32>
    %dot_general3A_306 = arith.constant dense<0.000000e+00> : vector<64x1024xf32>
    %dot_general3A_307 = tpu.matmul %get3A_13, %max3A_305, %dot_general3A_306 {dimension_numbers = #tpu.dot_dimension_numbers<[1], [0], [0], [1], [0, 0, 1, 1], [], []>, transpose_lhs_hint = false} : vector<64x128xf32>, vector<128x1024xf32>, vector<64x1024xf32> -> vector<64x1024xf32>
    %add3A_308 = vector.broadcast %get3A_16 : vector<64x1xf32> to vector<64x1024xf32>
    %add3A_309 = arith.addf %dot_general3A_307, %add3A_308 : vector<64x1024xf32>
    %max3A_310 = arith.constant 0.000000e+00 : f32
    %max3A_311 = vector.broadcast %max3A_310 : f32 to vector<64x1024xf32>
    %max3A_312 = arith.maximumf %add3A_309, %max3A_311 : vector<64x1024xf32>
    %mul3A_313 = vector.broadcast %get3A_19 : vector<64x1xf32> to vector<64x1024xf32>
    %mul3A_314 = arith.mulf %max3A_312, %mul3A_313 : vector<64x1024xf32>
    %reduce_sum3A_315 = arith.constant dense<0.000000e+00> : vector<1024xf32>
    %reduce_sum3A_316 = vector.multi_reduction <add>, %mul3A_314, %reduce_sum3A_315 [0] : vector<64x1024xf32> to vector<1024xf32>
    %broadcast_in_dim3A_317 = vector.shape_cast %reduce_sum3A_316 : vector<1024xf32> to vector<1x1024xf32>
    %mul3A_318 = arith.constant 2.82539701 : f32
    %mul3A_319 = vector.broadcast %mul3A_318 : f32 to vector<128x1024xf32>
    %mul3A_320 = arith.mulf %mul3A_319, %add3A_73 : vector<128x1024xf32>
    %add3A_321 = arith.addf %add3A_67, %mul3A_320 : vector<128x1024xf32>
    %max3A_322 = arith.constant 0.000000e+00 : f32
    %max3A_323 = vector.broadcast %max3A_322 : f32 to vector<128x1024xf32>
    %max3A_324 = arith.maximumf %add3A_321, %max3A_323 : vector<128x1024xf32>
    %dot_general3A_325 = arith.constant dense<0.000000e+00> : vector<64x1024xf32>
    %dot_general3A_326 = tpu.matmul %get3A_13, %max3A_324, %dot_general3A_325 {dimension_numbers = #tpu.dot_dimension_numbers<[1], [0], [0], [1], [0, 0, 1, 1], [], []>, transpose_lhs_hint = false} : vector<64x128xf32>, vector<128x1024xf32>, vector<64x1024xf32> -> vector<64x1024xf32>
    %add3A_327 = vector.broadcast %get3A_16 : vector<64x1xf32> to vector<64x1024xf32>
    %add3A_328 = arith.addf %dot_general3A_326, %add3A_327 : vector<64x1024xf32>
    %max3A_329 = arith.constant 0.000000e+00 : f32
    %max3A_330 = vector.broadcast %max3A_329 : f32 to vector<64x1024xf32>
    %max3A_331 = arith.maximumf %add3A_328, %max3A_330 : vector<64x1024xf32>
    %mul3A_332 = vector.broadcast %get3A_19 : vector<64x1xf32> to vector<64x1024xf32>
    %mul3A_333 = arith.mulf %max3A_331, %mul3A_332 : vector<64x1024xf32>
    %reduce_sum3A_334 = arith.constant dense<0.000000e+00> : vector<1024xf32>
    %reduce_sum3A_335 = vector.multi_reduction <add>, %mul3A_333, %reduce_sum3A_334 [0] : vector<64x1024xf32> to vector<1024xf32>
    %broadcast_in_dim3A_336 = vector.shape_cast %reduce_sum3A_335 : vector<1024xf32> to vector<1x1024xf32>
    %mul3A_337 = arith.constant 2.88888884 : f32
    %mul3A_338 = vector.broadcast %mul3A_337 : f32 to vector<128x1024xf32>
    %mul3A_339 = arith.mulf %mul3A_338, %add3A_73 : vector<128x1024xf32>
    %add3A_340 = arith.addf %add3A_67, %mul3A_339 : vector<128x1024xf32>
    %max3A_341 = arith.constant 0.000000e+00 : f32
    %max3A_342 = vector.broadcast %max3A_341 : f32 to vector<128x1024xf32>
    %max3A_343 = arith.maximumf %add3A_340, %max3A_342 : vector<128x1024xf32>
    %dot_general3A_344 = arith.constant dense<0.000000e+00> : vector<64x1024xf32>
    %dot_general3A_345 = tpu.matmul %get3A_13, %max3A_343, %dot_general3A_344 {dimension_numbers = #tpu.dot_dimension_numbers<[1], [0], [0], [1], [0, 0, 1, 1], [], []>, transpose_lhs_hint = false} : vector<64x128xf32>, vector<128x1024xf32>, vector<64x1024xf32> -> vector<64x1024xf32>
    %add3A_346 = vector.broadcast %get3A_16 : vector<64x1xf32> to vector<64x1024xf32>
    %add3A_347 = arith.addf %dot_general3A_345, %add3A_346 : vector<64x1024xf32>
    %max3A_348 = arith.constant 0.000000e+00 : f32
    %max3A_349 = vector.broadcast %max3A_348 : f32 to vector<64x1024xf32>
    %max3A_350 = arith.maximumf %add3A_347, %max3A_349 : vector<64x1024xf32>
    %mul3A_351 = vector.broadcast %get3A_19 : vector<64x1xf32> to vector<64x1024xf32>
    %mul3A_352 = arith.mulf %max3A_350, %mul3A_351 : vector<64x1024xf32>
    %reduce_sum3A_353 = arith.constant dense<0.000000e+00> : vector<1024xf32>
    %reduce_sum3A_354 = vector.multi_reduction <add>, %mul3A_352, %reduce_sum3A_353 [0] : vector<64x1024xf32> to vector<1024xf32>
    %broadcast_in_dim3A_355 = vector.shape_cast %reduce_sum3A_354 : vector<1024xf32> to vector<1x1024xf32>
    %mul3A_356 = arith.constant 2.95238113 : f32
    %mul3A_357 = vector.broadcast %mul3A_356 : f32 to vector<128x1024xf32>
    %mul3A_358 = arith.mulf %mul3A_357, %add3A_73 : vector<128x1024xf32>
    %add3A_359 = arith.addf %add3A_67, %mul3A_358 : vector<128x1024xf32>
    %max3A_360 = arith.constant 0.000000e+00 : f32
    %max3A_361 = vector.broadcast %max3A_360 : f32 to vector<128x1024xf32>
    %max3A_362 = arith.maximumf %add3A_359, %max3A_361 : vector<128x1024xf32>
    %dot_general3A_363 = arith.constant dense<0.000000e+00> : vector<64x1024xf32>
    %dot_general3A_364 = tpu.matmul %get3A_13, %max3A_362, %dot_general3A_363 {dimension_numbers = #tpu.dot_dimension_numbers<[1], [0], [0], [1], [0, 0, 1, 1], [], []>, transpose_lhs_hint = false} : vector<64x128xf32>, vector<128x1024xf32>, vector<64x1024xf32> -> vector<64x1024xf32>
    %add3A_365 = vector.broadcast %get3A_16 : vector<64x1xf32> to vector<64x1024xf32>
    %add3A_366 = arith.addf %dot_general3A_364, %add3A_365 : vector<64x1024xf32>
    %max3A_367 = arith.constant 0.000000e+00 : f32
    %max3A_368 = vector.broadcast %max3A_367 : f32 to vector<64x1024xf32>
    %max3A_369 = arith.maximumf %add3A_366, %max3A_368 : vector<64x1024xf32>
    %mul3A_370 = vector.broadcast %get3A_19 : vector<64x1xf32> to vector<64x1024xf32>
    %mul3A_371 = arith.mulf %max3A_369, %mul3A_370 : vector<64x1024xf32>
    %reduce_sum3A_372 = arith.constant dense<0.000000e+00> : vector<1024xf32>
    %reduce_sum3A_373 = vector.multi_reduction <add>, %mul3A_371, %reduce_sum3A_372 [0] : vector<64x1024xf32> to vector<1024xf32>
    %broadcast_in_dim3A_374 = vector.shape_cast %reduce_sum3A_373 : vector<1024xf32> to vector<1x1024xf32>
    %mul3A_375 = arith.constant 3.01587319 : f32
    %mul3A_376 = vector.broadcast %mul3A_375 : f32 to vector<128x1024xf32>
    %mul3A_377 = arith.mulf %mul3A_376, %add3A_73 : vector<128x1024xf32>
    %add3A_378 = arith.addf %add3A_67, %mul3A_377 : vector<128x1024xf32>
    %max3A_379 = arith.constant 0.000000e+00 : f32
    %max3A_380 = vector.broadcast %max3A_379 : f32 to vector<128x1024xf32>
    %max3A_381 = arith.maximumf %add3A_378, %max3A_380 : vector<128x1024xf32>
    %dot_general3A_382 = arith.constant dense<0.000000e+00> : vector<64x1024xf32>
    %dot_general3A_383 = tpu.matmul %get3A_13, %max3A_381, %dot_general3A_382 {dimension_numbers = #tpu.dot_dimension_numbers<[1], [0], [0], [1], [0, 0, 1, 1], [], []>, transpose_lhs_hint = false} : vector<64x128xf32>, vector<128x1024xf32>, vector<64x1024xf32> -> vector<64x1024xf32>
    %add3A_384 = vector.broadcast %get3A_16 : vector<64x1xf32> to vector<64x1024xf32>
    %add3A_385 = arith.addf %dot_general3A_383, %add3A_384 : vector<64x1024xf32>
    %max3A_386 = arith.constant 0.000000e+00 : f32
    %max3A_387 = vector.broadcast %max3A_386 : f32 to vector<64x1024xf32>
    %max3A_388 = arith.maximumf %add3A_385, %max3A_387 : vector<64x1024xf32>
    %mul3A_389 = vector.broadcast %get3A_19 : vector<64x1xf32> to vector<64x1024xf32>
    %mul3A_390 = arith.mulf %max3A_388, %mul3A_389 : vector<64x1024xf32>
    %reduce_sum3A_391 = arith.constant dense<0.000000e+00> : vector<1024xf32>
    %reduce_sum3A_392 = vector.multi_reduction <add>, %mul3A_390, %reduce_sum3A_391 [0] : vector<64x1024xf32> to vector<1024xf32>
    %broadcast_in_dim3A_393 = vector.shape_cast %reduce_sum3A_392 : vector<1024xf32> to vector<1x1024xf32>
    %mul3A_394 = arith.constant 3.07936502 : f32
    %mul3A_395 = vector.broadcast %mul3A_394 : f32 to vector<128x1024xf32>
    %mul3A_396 = arith.mulf %mul3A_395, %add3A_73 : vector<128x1024xf32>
    %add3A_397 = arith.addf %add3A_67, %mul3A_396 : vector<128x1024xf32>
    %max3A_398 = arith.constant 0.000000e+00 : f32
    %max3A_399 = vector.broadcast %max3A_398 : f32 to vector<128x1024xf32>
    %max3A_400 = arith.maximumf %add3A_397, %max3A_399 : vector<128x1024xf32>
    %dot_general3A_401 = arith.constant dense<0.000000e+00> : vector<64x1024xf32>
    %dot_general3A_402 = tpu.matmul %get3A_13, %max3A_400, %dot_general3A_401 {dimension_numbers = #tpu.dot_dimension_numbers<[1], [0], [0], [1], [0, 0, 1, 1], [], []>, transpose_lhs_hint = false} : vector<64x128xf32>, vector<128x1024xf32>, vector<64x1024xf32> -> vector<64x1024xf32>
    %add3A_403 = vector.broadcast %get3A_16 : vector<64x1xf32> to vector<64x1024xf32>
    %add3A_404 = arith.addf %dot_general3A_402, %add3A_403 : vector<64x1024xf32>
    %max3A_405 = arith.constant 0.000000e+00 : f32
    %max3A_406 = vector.broadcast %max3A_405 : f32 to vector<64x1024xf32>
    %max3A_407 = arith.maximumf %add3A_404, %max3A_406 : vector<64x1024xf32>
    %mul3A_408 = vector.broadcast %get3A_19 : vector<64x1xf32> to vector<64x1024xf32>
    %mul3A_409 = arith.mulf %max3A_407, %mul3A_408 : vector<64x1024xf32>
    %reduce_sum3A_410 = arith.constant dense<0.000000e+00> : vector<1024xf32>
    %reduce_sum3A_411 = vector.multi_reduction <add>, %mul3A_409, %reduce_sum3A_410 [0] : vector<64x1024xf32> to vector<1024xf32>
    %broadcast_in_dim3A_412 = vector.shape_cast %reduce_sum3A_411 : vector<1024xf32> to vector<1x1024xf32>
    %mul3A_413 = arith.constant 3.14285731 : f32
    %mul3A_414 = vector.broadcast %mul3A_413 : f32 to vector<128x1024xf32>
    %mul3A_415 = arith.mulf %mul3A_414, %add3A_73 : vector<128x1024xf32>
    %add3A_416 = arith.addf %add3A_67, %mul3A_415 : vector<128x1024xf32>
    %max3A_417 = arith.constant 0.000000e+00 : f32
    %max3A_418 = vector.broadcast %max3A_417 : f32 to vector<128x1024xf32>
    %max3A_419 = arith.maximumf %add3A_416, %max3A_418 : vector<128x1024xf32>
    %dot_general3A_420 = arith.constant dense<0.000000e+00> : vector<64x1024xf32>
    %dot_general3A_421 = tpu.matmul %get3A_13, %max3A_419, %dot_general3A_420 {dimension_numbers = #tpu.dot_dimension_numbers<[1], [0], [0], [1], [0, 0, 1, 1], [], []>, transpose_lhs_hint = false} : vector<64x128xf32>, vector<128x1024xf32>, vector<64x1024xf32> -> vector<64x1024xf32>
    %add3A_422 = vector.broadcast %get3A_16 : vector<64x1xf32> to vector<64x1024xf32>
    %add3A_423 = arith.addf %dot_general3A_421, %add3A_422 : vector<64x1024xf32>
    %max3A_424 = arith.constant 0.000000e+00 : f32
    %max3A_425 = vector.broadcast %max3A_424 : f32 to vector<64x1024xf32>
    %max3A_426 = arith.maximumf %add3A_423, %max3A_425 : vector<64x1024xf32>
    %mul3A_427 = vector.broadcast %get3A_19 : vector<64x1xf32> to vector<64x1024xf32>
    %mul3A_428 = arith.mulf %max3A_426, %mul3A_427 : vector<64x1024xf32>
    %reduce_sum3A_429 = arith.constant dense<0.000000e+00> : vector<1024xf32>
    %reduce_sum3A_430 = vector.multi_reduction <add>, %mul3A_428, %reduce_sum3A_429 [0] : vector<64x1024xf32> to vector<1024xf32>
    %broadcast_in_dim3A_431 = vector.shape_cast %reduce_sum3A_430 : vector<1024xf32> to vector<1x1024xf32>
    %mul3A_432 = arith.constant 3.20634913 : f32
    %mul3A_433 = vector.broadcast %mul3A_432 : f32 to vector<128x1024xf32>
    %mul3A_434 = arith.mulf %mul3A_433, %add3A_73 : vector<128x1024xf32>
    %add3A_435 = arith.addf %add3A_67, %mul3A_434 : vector<128x1024xf32>
    %max3A_436 = arith.constant 0.000000e+00 : f32
    %max3A_437 = vector.broadcast %max3A_436 : f32 to vector<128x1024xf32>
    %max3A_438 = arith.maximumf %add3A_435, %max3A_437 : vector<128x1024xf32>
    %dot_general3A_439 = arith.constant dense<0.000000e+00> : vector<64x1024xf32>
    %dot_general3A_440 = tpu.matmul %get3A_13, %max3A_438, %dot_general3A_439 {dimension_numbers = #tpu.dot_dimension_numbers<[1], [0], [0], [1], [0, 0, 1, 1], [], []>, transpose_lhs_hint = false} : vector<64x128xf32>, vector<128x1024xf32>, vector<64x1024xf32> -> vector<64x1024xf32>
    %add3A_441 = vector.broadcast %get3A_16 : vector<64x1xf32> to vector<64x1024xf32>
    %add3A_442 = arith.addf %dot_general3A_440, %add3A_441 : vector<64x1024xf32>
    %max3A_443 = arith.constant 0.000000e+00 : f32
    %max3A_444 = vector.broadcast %max3A_443 : f32 to vector<64x1024xf32>
    %max3A_445 = arith.maximumf %add3A_442, %max3A_444 : vector<64x1024xf32>
    %mul3A_446 = vector.broadcast %get3A_19 : vector<64x1xf32> to vector<64x1024xf32>
    %mul3A_447 = arith.mulf %max3A_445, %mul3A_446 : vector<64x1024xf32>
    %reduce_sum3A_448 = arith.constant dense<0.000000e+00> : vector<1024xf32>
    %reduce_sum3A_449 = vector.multi_reduction <add>, %mul3A_447, %reduce_sum3A_448 [0] : vector<64x1024xf32> to vector<1024xf32>
    %broadcast_in_dim3A_450 = vector.shape_cast %reduce_sum3A_449 : vector<1024xf32> to vector<1x1024xf32>
    %mul3A_451 = arith.constant 3.26984143 : f32
    %mul3A_452 = vector.broadcast %mul3A_451 : f32 to vector<128x1024xf32>
    %mul3A_453 = arith.mulf %mul3A_452, %add3A_73 : vector<128x1024xf32>
    %add3A_454 = arith.addf %add3A_67, %mul3A_453 : vector<128x1024xf32>
    %max3A_455 = arith.constant 0.000000e+00 : f32
    %max3A_456 = vector.broadcast %max3A_455 : f32 to vector<128x1024xf32>
    %max3A_457 = arith.maximumf %add3A_454, %max3A_456 : vector<128x1024xf32>
    %dot_general3A_458 = arith.constant dense<0.000000e+00> : vector<64x1024xf32>
    %dot_general3A_459 = tpu.matmul %get3A_13, %max3A_457, %dot_general3A_458 {dimension_numbers = #tpu.dot_dimension_numbers<[1], [0], [0], [1], [0, 0, 1, 1], [], []>, transpose_lhs_hint = false} : vector<64x128xf32>, vector<128x1024xf32>, vector<64x1024xf32> -> vector<64x1024xf32>
    %add3A_460 = vector.broadcast %get3A_16 : vector<64x1xf32> to vector<64x1024xf32>
    %add3A_461 = arith.addf %dot_general3A_459, %add3A_460 : vector<64x1024xf32>
    %max3A_462 = arith.constant 0.000000e+00 : f32
    %max3A_463 = vector.broadcast %max3A_462 : f32 to vector<64x1024xf32>
    %max3A_464 = arith.maximumf %add3A_461, %max3A_463 : vector<64x1024xf32>
    %mul3A_465 = vector.broadcast %get3A_19 : vector<64x1xf32> to vector<64x1024xf32>
    %mul3A_466 = arith.mulf %max3A_464, %mul3A_465 : vector<64x1024xf32>
    %reduce_sum3A_467 = arith.constant dense<0.000000e+00> : vector<1024xf32>
    %reduce_sum3A_468 = vector.multi_reduction <add>, %mul3A_466, %reduce_sum3A_467 [0] : vector<64x1024xf32> to vector<1024xf32>
    %broadcast_in_dim3A_469 = vector.shape_cast %reduce_sum3A_468 : vector<1024xf32> to vector<1x1024xf32>
    %mul3A_470 = arith.constant 3.33333325 : f32
    %mul3A_471 = vector.broadcast %mul3A_470 : f32 to vector<128x1024xf32>
    %mul3A_472 = arith.mulf %mul3A_471, %add3A_73 : vector<128x1024xf32>
    %add3A_473 = arith.addf %add3A_67, %mul3A_472 : vector<128x1024xf32>
    %max3A_474 = arith.constant 0.000000e+00 : f32
    %max3A_475 = vector.broadcast %max3A_474 : f32 to vector<128x1024xf32>
    %max3A_476 = arith.maximumf %add3A_473, %max3A_475 : vector<128x1024xf32>
    %dot_general3A_477 = arith.constant dense<0.000000e+00> : vector<64x1024xf32>
    %dot_general3A_478 = tpu.matmul %get3A_13, %max3A_476, %dot_general3A_477 {dimension_numbers = #tpu.dot_dimension_numbers<[1], [0], [0], [1], [0, 0, 1, 1], [], []>, transpose_lhs_hint = false} : vector<64x128xf32>, vector<128x1024xf32>, vector<64x1024xf32> -> vector<64x1024xf32>
    %add3A_479 = vector.broadcast %get3A_16 : vector<64x1xf32> to vector<64x1024xf32>
    %add3A_480 = arith.addf %dot_general3A_478, %add3A_479 : vector<64x1024xf32>
    %max3A_481 = arith.constant 0.000000e+00 : f32
    %max3A_482 = vector.broadcast %max3A_481 : f32 to vector<64x1024xf32>
    %max3A_483 = arith.maximumf %add3A_480, %max3A_482 : vector<64x1024xf32>
    %mul3A_484 = vector.broadcast %get3A_19 : vector<64x1xf32> to vector<64x1024xf32>
    %mul3A_485 = arith.mulf %max3A_483, %mul3A_484 : vector<64x1024xf32>
    %reduce_sum3A_486 = arith.constant dense<0.000000e+00> : vector<1024xf32>
    %reduce_sum3A_487 = vector.multi_reduction <add>, %mul3A_485, %reduce_sum3A_486 [0] : vector<64x1024xf32> to vector<1024xf32>
    %broadcast_in_dim3A_488 = vector.shape_cast %reduce_sum3A_487 : vector<1024xf32> to vector<1x1024xf32>
    %mul3A_489 = arith.constant 3.39682555 : f32
    %mul3A_490 = vector.broadcast %mul3A_489 : f32 to vector<128x1024xf32>
    %mul3A_491 = arith.mulf %mul3A_490, %add3A_73 : vector<128x1024xf32>
    %add3A_492 = arith.addf %add3A_67, %mul3A_491 : vector<128x1024xf32>
    %max3A_493 = arith.constant 0.000000e+00 : f32
    %max3A_494 = vector.broadcast %max3A_493 : f32 to vector<128x1024xf32>
    %max3A_495 = arith.maximumf %add3A_492, %max3A_494 : vector<128x1024xf32>
    %dot_general3A_496 = arith.constant dense<0.000000e+00> : vector<64x1024xf32>
    %dot_general3A_497 = tpu.matmul %get3A_13, %max3A_495, %dot_general3A_496 {dimension_numbers = #tpu.dot_dimension_numbers<[1], [0], [0], [1], [0, 0, 1, 1], [], []>, transpose_lhs_hint = false} : vector<64x128xf32>, vector<128x1024xf32>, vector<64x1024xf32> -> vector<64x1024xf32>
    %add3A_498 = vector.broadcast %get3A_16 : vector<64x1xf32> to vector<64x1024xf32>
    %add3A_499 = arith.addf %dot_general3A_497, %add3A_498 : vector<64x1024xf32>
    %max3A_500 = arith.constant 0.000000e+00 : f32
    %max3A_501 = vector.broadcast %max3A_500 : f32 to vector<64x1024xf32>
    %max3A_502 = arith.maximumf %add3A_499, %max3A_501 : vector<64x1024xf32>
    %mul3A_503 = vector.broadcast %get3A_19 : vector<64x1xf32> to vector<64x1024xf32>
    %mul3A_504 = arith.mulf %max3A_502, %mul3A_503 : vector<64x1024xf32>
    %reduce_sum3A_505 = arith.constant dense<0.000000e+00> : vector<1024xf32>
    %reduce_sum3A_506 = vector.multi_reduction <add>, %mul3A_504, %reduce_sum3A_505 [0] : vector<64x1024xf32> to vector<1024xf32>
    %broadcast_in_dim3A_507 = vector.shape_cast %reduce_sum3A_506 : vector<1024xf32> to vector<1x1024xf32>
    %mul3A_508 = arith.constant 3.46031737 : f32
    %mul3A_509 = vector.broadcast %mul3A_508 : f32 to vector<128x1024xf32>
    %mul3A_510 = arith.mulf %mul3A_509, %add3A_73 : vector<128x1024xf32>
    %add3A_511 = arith.addf %add3A_67, %mul3A_510 : vector<128x1024xf32>
    %max3A_512 = arith.constant 0.000000e+00 : f32
    %max3A_513 = vector.broadcast %max3A_512 : f32 to vector<128x1024xf32>
    %max3A_514 = arith.maximumf %add3A_511, %max3A_513 : vector<128x1024xf32>
    %dot_general3A_515 = arith.constant dense<0.000000e+00> : vector<64x1024xf32>
    %dot_general3A_516 = tpu.matmul %get3A_13, %max3A_514, %dot_general3A_515 {dimension_numbers = #tpu.dot_dimension_numbers<[1], [0], [0], [1], [0, 0, 1, 1], [], []>, transpose_lhs_hint = false} : vector<64x128xf32>, vector<128x1024xf32>, vector<64x1024xf32> -> vector<64x1024xf32>
    %add3A_517 = vector.broadcast %get3A_16 : vector<64x1xf32> to vector<64x1024xf32>
    %add3A_518 = arith.addf %dot_general3A_516, %add3A_517 : vector<64x1024xf32>
    %max3A_519 = arith.constant 0.000000e+00 : f32
    %max3A_520 = vector.broadcast %max3A_519 : f32 to vector<64x1024xf32>
    %max3A_521 = arith.maximumf %add3A_518, %max3A_520 : vector<64x1024xf32>
    %mul3A_522 = vector.broadcast %get3A_19 : vector<64x1xf32> to vector<64x1024xf32>
    %mul3A_523 = arith.mulf %max3A_521, %mul3A_522 : vector<64x1024xf32>
    %reduce_sum3A_524 = arith.constant dense<0.000000e+00> : vector<1024xf32>
    %reduce_sum3A_525 = vector.multi_reduction <add>, %mul3A_523, %reduce_sum3A_524 [0] : vector<64x1024xf32> to vector<1024xf32>
    %broadcast_in_dim3A_526 = vector.shape_cast %reduce_sum3A_525 : vector<1024xf32> to vector<1x1024xf32>
    %mul3A_527 = arith.constant 3.52380967 : f32
    %mul3A_528 = vector.broadcast %mul3A_527 : f32 to vector<128x1024xf32>
    %mul3A_529 = arith.mulf %mul3A_528, %add3A_73 : vector<128x1024xf32>
    %add3A_530 = arith.addf %add3A_67, %mul3A_529 : vector<128x1024xf32>
    %max3A_531 = arith.constant 0.000000e+00 : f32
    %max3A_532 = vector.broadcast %max3A_531 : f32 to vector<128x1024xf32>
    %max3A_533 = arith.maximumf %add3A_530, %max3A_532 : vector<128x1024xf32>
    %dot_general3A_534 = arith.constant dense<0.000000e+00> : vector<64x1024xf32>
    %dot_general3A_535 = tpu.matmul %get3A_13, %max3A_533, %dot_general3A_534 {dimension_numbers = #tpu.dot_dimension_numbers<[1], [0], [0], [1], [0, 0, 1, 1], [], []>, transpose_lhs_hint = false} : vector<64x128xf32>, vector<128x1024xf32>, vector<64x1024xf32> -> vector<64x1024xf32>
    %add3A_536 = vector.broadcast %get3A_16 : vector<64x1xf32> to vector<64x1024xf32>
    %add3A_537 = arith.addf %dot_general3A_535, %add3A_536 : vector<64x1024xf32>
    %max3A_538 = arith.constant 0.000000e+00 : f32
    %max3A_539 = vector.broadcast %max3A_538 : f32 to vector<64x1024xf32>
    %max3A_540 = arith.maximumf %add3A_537, %max3A_539 : vector<64x1024xf32>
    %mul3A_541 = vector.broadcast %get3A_19 : vector<64x1xf32> to vector<64x1024xf32>
    %mul3A_542 = arith.mulf %max3A_540, %mul3A_541 : vector<64x1024xf32>
    %reduce_sum3A_543 = arith.constant dense<0.000000e+00> : vector<1024xf32>
    %reduce_sum3A_544 = vector.multi_reduction <add>, %mul3A_542, %reduce_sum3A_543 [0] : vector<64x1024xf32> to vector<1024xf32>
    %broadcast_in_dim3A_545 = vector.shape_cast %reduce_sum3A_544 : vector<1024xf32> to vector<1x1024xf32>
    %mul3A_546 = arith.constant 3.58730149 : f32
    %mul3A_547 = vector.broadcast %mul3A_546 : f32 to vector<128x1024xf32>
    %mul3A_548 = arith.mulf %mul3A_547, %add3A_73 : vector<128x1024xf32>
    %add3A_549 = arith.addf %add3A_67, %mul3A_548 : vector<128x1024xf32>
    %max3A_550 = arith.constant 0.000000e+00 : f32
    %max3A_551 = vector.broadcast %max3A_550 : f32 to vector<128x1024xf32>
    %max3A_552 = arith.maximumf %add3A_549, %max3A_551 : vector<128x1024xf32>
    %dot_general3A_553 = arith.constant dense<0.000000e+00> : vector<64x1024xf32>
    %dot_general3A_554 = tpu.matmul %get3A_13, %max3A_552, %dot_general3A_553 {dimension_numbers = #tpu.dot_dimension_numbers<[1], [0], [0], [1], [0, 0, 1, 1], [], []>, transpose_lhs_hint = false} : vector<64x128xf32>, vector<128x1024xf32>, vector<64x1024xf32> -> vector<64x1024xf32>
    %add3A_555 = vector.broadcast %get3A_16 : vector<64x1xf32> to vector<64x1024xf32>
    %add3A_556 = arith.addf %dot_general3A_554, %add3A_555 : vector<64x1024xf32>
    %max3A_557 = arith.constant 0.000000e+00 : f32
    %max3A_558 = vector.broadcast %max3A_557 : f32 to vector<64x1024xf32>
    %max3A_559 = arith.maximumf %add3A_556, %max3A_558 : vector<64x1024xf32>
    %mul3A_560 = vector.broadcast %get3A_19 : vector<64x1xf32> to vector<64x1024xf32>
    %mul3A_561 = arith.mulf %max3A_559, %mul3A_560 : vector<64x1024xf32>
    %reduce_sum3A_562 = arith.constant dense<0.000000e+00> : vector<1024xf32>
    %reduce_sum3A_563 = vector.multi_reduction <add>, %mul3A_561, %reduce_sum3A_562 [0] : vector<64x1024xf32> to vector<1024xf32>
    %broadcast_in_dim3A_564 = vector.shape_cast %reduce_sum3A_563 : vector<1024xf32> to vector<1x1024xf32>
    %mul3A_565 = arith.constant 3.65079379 : f32
    %mul3A_566 = vector.broadcast %mul3A_565 : f32 to vector<128x1024xf32>
    %mul3A_567 = arith.mulf %mul3A_566, %add3A_73 : vector<128x1024xf32>
    %add3A_568 = arith.addf %add3A_67, %mul3A_567 : vector<128x1024xf32>
    %max3A_569 = arith.constant 0.000000e+00 : f32
    %max3A_570 = vector.broadcast %max3A_569 : f32 to vector<128x1024xf32>
    %max3A_571 = arith.maximumf %add3A_568, %max3A_570 : vector<128x1024xf32>
    %dot_general3A_572 = arith.constant dense<0.000000e+00> : vector<64x1024xf32>
    %dot_general3A_573 = tpu.matmul %get3A_13, %max3A_571, %dot_general3A_572 {dimension_numbers = #tpu.dot_dimension_numbers<[1], [0], [0], [1], [0, 0, 1, 1], [], []>, transpose_lhs_hint = false} : vector<64x128xf32>, vector<128x1024xf32>, vector<64x1024xf32> -> vector<64x1024xf32>
    %add3A_574 = vector.broadcast %get3A_16 : vector<64x1xf32> to vector<64x1024xf32>
    %add3A_575 = arith.addf %dot_general3A_573, %add3A_574 : vector<64x1024xf32>
    %max3A_576 = arith.constant 0.000000e+00 : f32
    %max3A_577 = vector.broadcast %max3A_576 : f32 to vector<64x1024xf32>
    %max3A_578 = arith.maximumf %add3A_575, %max3A_577 : vector<64x1024xf32>
    %mul3A_579 = vector.broadcast %get3A_19 : vector<64x1xf32> to vector<64x1024xf32>
    %mul3A_580 = arith.mulf %max3A_578, %mul3A_579 : vector<64x1024xf32>
    %reduce_sum3A_581 = arith.constant dense<0.000000e+00> : vector<1024xf32>
    %reduce_sum3A_582 = vector.multi_reduction <add>, %mul3A_580, %reduce_sum3A_581 [0] : vector<64x1024xf32> to vector<1024xf32>
    %broadcast_in_dim3A_583 = vector.shape_cast %reduce_sum3A_582 : vector<1024xf32> to vector<1x1024xf32>
    %mul3A_584 = arith.constant 3.71428561 : f32
    %mul3A_585 = vector.broadcast %mul3A_584 : f32 to vector<128x1024xf32>
    %mul3A_586 = arith.mulf %mul3A_585, %add3A_73 : vector<128x1024xf32>
    %add3A_587 = arith.addf %add3A_67, %mul3A_586 : vector<128x1024xf32>
    %max3A_588 = arith.constant 0.000000e+00 : f32
    %max3A_589 = vector.broadcast %max3A_588 : f32 to vector<128x1024xf32>
    %max3A_590 = arith.maximumf %add3A_587, %max3A_589 : vector<128x1024xf32>
    %dot_general3A_591 = arith.constant dense<0.000000e+00> : vector<64x1024xf32>
    %dot_general3A_592 = tpu.matmul %get3A_13, %max3A_590, %dot_general3A_591 {dimension_numbers = #tpu.dot_dimension_numbers<[1], [0], [0], [1], [0, 0, 1, 1], [], []>, transpose_lhs_hint = false} : vector<64x128xf32>, vector<128x1024xf32>, vector<64x1024xf32> -> vector<64x1024xf32>
    %add3A_593 = vector.broadcast %get3A_16 : vector<64x1xf32> to vector<64x1024xf32>
    %add3A_594 = arith.addf %dot_general3A_592, %add3A_593 : vector<64x1024xf32>
    %max3A_595 = arith.constant 0.000000e+00 : f32
    %max3A_596 = vector.broadcast %max3A_595 : f32 to vector<64x1024xf32>
    %max3A_597 = arith.maximumf %add3A_594, %max3A_596 : vector<64x1024xf32>
    %mul3A_598 = vector.broadcast %get3A_19 : vector<64x1xf32> to vector<64x1024xf32>
    %mul3A_599 = arith.mulf %max3A_597, %mul3A_598 : vector<64x1024xf32>
    %reduce_sum3A_600 = arith.constant dense<0.000000e+00> : vector<1024xf32>
    %reduce_sum3A_601 = vector.multi_reduction <add>, %mul3A_599, %reduce_sum3A_600 [0] : vector<64x1024xf32> to vector<1024xf32>
    %broadcast_in_dim3A_602 = vector.shape_cast %reduce_sum3A_601 : vector<1024xf32> to vector<1x1024xf32>
    %mul3A_603 = arith.constant 3.77777791 : f32
    %mul3A_604 = vector.broadcast %mul3A_603 : f32 to vector<128x1024xf32>
    %mul3A_605 = arith.mulf %mul3A_604, %add3A_73 : vector<128x1024xf32>
    %add3A_606 = arith.addf %add3A_67, %mul3A_605 : vector<128x1024xf32>
    %max3A_607 = arith.constant 0.000000e+00 : f32
    %max3A_608 = vector.broadcast %max3A_607 : f32 to vector<128x1024xf32>
    %max3A_609 = arith.maximumf %add3A_606, %max3A_608 : vector<128x1024xf32>
    %dot_general3A_610 = arith.constant dense<0.000000e+00> : vector<64x1024xf32>
    %dot_general3A_611 = tpu.matmul %get3A_13, %max3A_609, %dot_general3A_610 {dimension_numbers = #tpu.dot_dimension_numbers<[1], [0], [0], [1], [0, 0, 1, 1], [], []>, transpose_lhs_hint = false} : vector<64x128xf32>, vector<128x1024xf32>, vector<64x1024xf32> -> vector<64x1024xf32>
    %add3A_612 = vector.broadcast %get3A_16 : vector<64x1xf32> to vector<64x1024xf32>
    %add3A_613 = arith.addf %dot_general3A_611, %add3A_612 : vector<64x1024xf32>
    %max3A_614 = arith.constant 0.000000e+00 : f32
    %max3A_615 = vector.broadcast %max3A_614 : f32 to vector<64x1024xf32>
    %max3A_616 = arith.maximumf %add3A_613, %max3A_615 : vector<64x1024xf32>
    %mul3A_617 = vector.broadcast %get3A_19 : vector<64x1xf32> to vector<64x1024xf32>
    %mul3A_618 = arith.mulf %max3A_616, %mul3A_617 : vector<64x1024xf32>
    %reduce_sum3A_619 = arith.constant dense<0.000000e+00> : vector<1024xf32>
    %reduce_sum3A_620 = vector.multi_reduction <add>, %mul3A_618, %reduce_sum3A_619 [0] : vector<64x1024xf32> to vector<1024xf32>
    %broadcast_in_dim3A_621 = vector.shape_cast %reduce_sum3A_620 : vector<1024xf32> to vector<1x1024xf32>
    %mul3A_622 = arith.constant 3.84126973 : f32
    %mul3A_623 = vector.broadcast %mul3A_622 : f32 to vector<128x1024xf32>
    %mul3A_624 = arith.mulf %mul3A_623, %add3A_73 : vector<128x1024xf32>
    %add3A_625 = arith.addf %add3A_67, %mul3A_624 : vector<128x1024xf32>
    %max3A_626 = arith.constant 0.000000e+00 : f32
    %max3A_627 = vector.broadcast %max3A_626 : f32 to vector<128x1024xf32>
    %max3A_628 = arith.maximumf %add3A_625, %max3A_627 : vector<128x1024xf32>
    %dot_general3A_629 = arith.constant dense<0.000000e+00> : vector<64x1024xf32>
    %dot_general3A_630 = tpu.matmul %get3A_13, %max3A_628, %dot_general3A_629 {dimension_numbers = #tpu.dot_dimension_numbers<[1], [0], [0], [1], [0, 0, 1, 1], [], []>, transpose_lhs_hint = false} : vector<64x128xf32>, vector<128x1024xf32>, vector<64x1024xf32> -> vector<64x1024xf32>
    %add3A_631 = vector.broadcast %get3A_16 : vector<64x1xf32> to vector<64x1024xf32>
    %add3A_632 = arith.addf %dot_general3A_630, %add3A_631 : vector<64x1024xf32>
    %max3A_633 = arith.constant 0.000000e+00 : f32
    %max3A_634 = vector.broadcast %max3A_633 : f32 to vector<64x1024xf32>
    %max3A_635 = arith.maximumf %add3A_632, %max3A_634 : vector<64x1024xf32>
    %mul3A_636 = vector.broadcast %get3A_19 : vector<64x1xf32> to vector<64x1024xf32>
    %mul3A_637 = arith.mulf %max3A_635, %mul3A_636 : vector<64x1024xf32>
    %reduce_sum3A_638 = arith.constant dense<0.000000e+00> : vector<1024xf32>
    %reduce_sum3A_639 = vector.multi_reduction <add>, %mul3A_637, %reduce_sum3A_638 [0] : vector<64x1024xf32> to vector<1024xf32>
    %broadcast_in_dim3A_640 = vector.shape_cast %reduce_sum3A_639 : vector<1024xf32> to vector<1x1024xf32>
    %mul3A_641 = arith.constant 3.90476203 : f32
    %mul3A_642 = vector.broadcast %mul3A_641 : f32 to vector<128x1024xf32>
    %mul3A_643 = arith.mulf %mul3A_642, %add3A_73 : vector<128x1024xf32>
    %add3A_644 = arith.addf %add3A_67, %mul3A_643 : vector<128x1024xf32>
    %max3A_645 = arith.constant 0.000000e+00 : f32
    %max3A_646 = vector.broadcast %max3A_645 : f32 to vector<128x1024xf32>
    %max3A_647 = arith.maximumf %add3A_644, %max3A_646 : vector<128x1024xf32>
    %dot_general3A_648 = arith.constant dense<0.000000e+00> : vector<64x1024xf32>
    %dot_general3A_649 = tpu.matmul %get3A_13, %max3A_647, %dot_general3A_648 {dimension_numbers = #tpu.dot_dimension_numbers<[1], [0], [0], [1], [0, 0, 1, 1], [], []>, transpose_lhs_hint = false} : vector<64x128xf32>, vector<128x1024xf32>, vector<64x1024xf32> -> vector<64x1024xf32>
    %add3A_650 = vector.broadcast %get3A_16 : vector<64x1xf32> to vector<64x1024xf32>
    %add3A_651 = arith.addf %dot_general3A_649, %add3A_650 : vector<64x1024xf32>
    %max3A_652 = arith.constant 0.000000e+00 : f32
    %max3A_653 = vector.broadcast %max3A_652 : f32 to vector<64x1024xf32>
    %max3A_654 = arith.maximumf %add3A_651, %max3A_653 : vector<64x1024xf32>
    %mul3A_655 = vector.broadcast %get3A_19 : vector<64x1xf32> to vector<64x1024xf32>
    %mul3A_656 = arith.mulf %max3A_654, %mul3A_655 : vector<64x1024xf32>
    %reduce_sum3A_657 = arith.constant dense<0.000000e+00> : vector<1024xf32>
    %reduce_sum3A_658 = vector.multi_reduction <add>, %mul3A_656, %reduce_sum3A_657 [0] : vector<64x1024xf32> to vector<1024xf32>
    %broadcast_in_dim3A_659 = vector.shape_cast %reduce_sum3A_658 : vector<1024xf32> to vector<1x1024xf32>
    %mul3A_660 = arith.constant 3.96825385 : f32
    %mul3A_661 = vector.broadcast %mul3A_660 : f32 to vector<128x1024xf32>
    %mul3A_662 = arith.mulf %mul3A_661, %add3A_73 : vector<128x1024xf32>
    %add3A_663 = arith.addf %add3A_67, %mul3A_662 : vector<128x1024xf32>
    %max3A_664 = arith.constant 0.000000e+00 : f32
    %max3A_665 = vector.broadcast %max3A_664 : f32 to vector<128x1024xf32>
    %max3A_666 = arith.maximumf %add3A_663, %max3A_665 : vector<128x1024xf32>
    %dot_general3A_667 = arith.constant dense<0.000000e+00> : vector<64x1024xf32>
    %dot_general3A_668 = tpu.matmul %get3A_13, %max3A_666, %dot_general3A_667 {dimension_numbers = #tpu.dot_dimension_numbers<[1], [0], [0], [1], [0, 0, 1, 1], [], []>, transpose_lhs_hint = false} : vector<64x128xf32>, vector<128x1024xf32>, vector<64x1024xf32> -> vector<64x1024xf32>
    %add3A_669 = vector.broadcast %get3A_16 : vector<64x1xf32> to vector<64x1024xf32>
    %add3A_670 = arith.addf %dot_general3A_668, %add3A_669 : vector<64x1024xf32>
    %max3A_671 = arith.constant 0.000000e+00 : f32
    %max3A_672 = vector.broadcast %max3A_671 : f32 to vector<64x1024xf32>
    %max3A_673 = arith.maximumf %add3A_670, %max3A_672 : vector<64x1024xf32>
    %mul3A_674 = vector.broadcast %get3A_19 : vector<64x1xf32> to vector<64x1024xf32>
    %mul3A_675 = arith.mulf %max3A_673, %mul3A_674 : vector<64x1024xf32>
    %reduce_sum3A_676 = arith.constant dense<0.000000e+00> : vector<1024xf32>
    %reduce_sum3A_677 = vector.multi_reduction <add>, %mul3A_675, %reduce_sum3A_676 [0] : vector<64x1024xf32> to vector<1024xf32>
    %broadcast_in_dim3A_678 = vector.shape_cast %reduce_sum3A_677 : vector<1024xf32> to vector<1x1024xf32>
    %mul3A_679 = arith.constant 4.03174639 : f32
    %mul3A_680 = vector.broadcast %mul3A_679 : f32 to vector<128x1024xf32>
    %mul3A_681 = arith.mulf %mul3A_680, %add3A_73 : vector<128x1024xf32>
    %add3A_682 = arith.addf %add3A_67, %mul3A_681 : vector<128x1024xf32>
    %max3A_683 = arith.constant 0.000000e+00 : f32
    %max3A_684 = vector.broadcast %max3A_683 : f32 to vector<128x1024xf32>
    %max3A_685 = arith.maximumf %add3A_682, %max3A_684 : vector<128x1024xf32>
    %dot_general3A_686 = arith.constant dense<0.000000e+00> : vector<64x1024xf32>
    %dot_general3A_687 = tpu.matmul %get3A_13, %max3A_685, %dot_general3A_686 {dimension_numbers = #tpu.dot_dimension_numbers<[1], [0], [0], [1], [0, 0, 1, 1], [], []>, transpose_lhs_hint = false} : vector<64x128xf32>, vector<128x1024xf32>, vector<64x1024xf32> -> vector<64x1024xf32>
    %add3A_688 = vector.broadcast %get3A_16 : vector<64x1xf32> to vector<64x1024xf32>
    %add3A_689 = arith.addf %dot_general3A_687, %add3A_688 : vector<64x1024xf32>
    %max3A_690 = arith.constant 0.000000e+00 : f32
    %max3A_691 = vector.broadcast %max3A_690 : f32 to vector<64x1024xf32>
    %max3A_692 = arith.maximumf %add3A_689, %max3A_691 : vector<64x1024xf32>
    %mul3A_693 = vector.broadcast %get3A_19 : vector<64x1xf32> to vector<64x1024xf32>
    %mul3A_694 = arith.mulf %max3A_692, %mul3A_693 : vector<64x1024xf32>
    %reduce_sum3A_695 = arith.constant dense<0.000000e+00> : vector<1024xf32>
    %reduce_sum3A_696 = vector.multi_reduction <add>, %mul3A_694, %reduce_sum3A_695 [0] : vector<64x1024xf32> to vector<1024xf32>
    %broadcast_in_dim3A_697 = vector.shape_cast %reduce_sum3A_696 : vector<1024xf32> to vector<1x1024xf32>
    %mul3A_698 = arith.constant 4.09523821 : f32
    %mul3A_699 = vector.broadcast %mul3A_698 : f32 to vector<128x1024xf32>
    %mul3A_700 = arith.mulf %mul3A_699, %add3A_73 : vector<128x1024xf32>
    %add3A_701 = arith.addf %add3A_67, %mul3A_700 : vector<128x1024xf32>
    %max3A_702 = arith.constant 0.000000e+00 : f32
    %max3A_703 = vector.broadcast %max3A_702 : f32 to vector<128x1024xf32>
    %max3A_704 = arith.maximumf %add3A_701, %max3A_703 : vector<128x1024xf32>
    %dot_general3A_705 = arith.constant dense<0.000000e+00> : vector<64x1024xf32>
    %dot_general3A_706 = tpu.matmul %get3A_13, %max3A_704, %dot_general3A_705 {dimension_numbers = #tpu.dot_dimension_numbers<[1], [0], [0], [1], [0, 0, 1, 1], [], []>, transpose_lhs_hint = false} : vector<64x128xf32>, vector<128x1024xf32>, vector<64x1024xf32> -> vector<64x1024xf32>
    %add3A_707 = vector.broadcast %get3A_16 : vector<64x1xf32> to vector<64x1024xf32>
    %add3A_708 = arith.addf %dot_general3A_706, %add3A_707 : vector<64x1024xf32>
    %max3A_709 = arith.constant 0.000000e+00 : f32
    %max3A_710 = vector.broadcast %max3A_709 : f32 to vector<64x1024xf32>
    %max3A_711 = arith.maximumf %add3A_708, %max3A_710 : vector<64x1024xf32>
    %mul3A_712 = vector.broadcast %get3A_19 : vector<64x1xf32> to vector<64x1024xf32>
    %mul3A_713 = arith.mulf %max3A_711, %mul3A_712 : vector<64x1024xf32>
    %reduce_sum3A_714 = arith.constant dense<0.000000e+00> : vector<1024xf32>
    %reduce_sum3A_715 = vector.multi_reduction <add>, %mul3A_713, %reduce_sum3A_714 [0] : vector<64x1024xf32> to vector<1024xf32>
    %broadcast_in_dim3A_716 = vector.shape_cast %reduce_sum3A_715 : vector<1024xf32> to vector<1x1024xf32>
    %mul3A_717 = arith.constant 4.158730e+00 : f32
    %mul3A_718 = vector.broadcast %mul3A_717 : f32 to vector<128x1024xf32>
    %mul3A_719 = arith.mulf %mul3A_718, %add3A_73 : vector<128x1024xf32>
    %add3A_720 = arith.addf %add3A_67, %mul3A_719 : vector<128x1024xf32>
    %max3A_721 = arith.constant 0.000000e+00 : f32
    %max3A_722 = vector.broadcast %max3A_721 : f32 to vector<128x1024xf32>
    %max3A_723 = arith.maximumf %add3A_720, %max3A_722 : vector<128x1024xf32>
    %dot_general3A_724 = arith.constant dense<0.000000e+00> : vector<64x1024xf32>
    %dot_general3A_725 = tpu.matmul %get3A_13, %max3A_723, %dot_general3A_724 {dimension_numbers = #tpu.dot_dimension_numbers<[1], [0], [0], [1], [0, 0, 1, 1], [], []>, transpose_lhs_hint = false} : vector<64x128xf32>, vector<128x1024xf32>, vector<64x1024xf32> -> vector<64x1024xf32>
    %add3A_726 = vector.broadcast %get3A_16 : vector<64x1xf32> to vector<64x1024xf32>
    %add3A_727 = arith.addf %dot_general3A_725, %add3A_726 : vector<64x1024xf32>
    %max3A_728 = arith.constant 0.000000e+00 : f32
    %max3A_729 = vector.broadcast %max3A_728 : f32 to vector<64x1024xf32>
    %max3A_730 = arith.maximumf %add3A_727, %max3A_729 : vector<64x1024xf32>
    %mul3A_731 = vector.broadcast %get3A_19 : vector<64x1xf32> to vector<64x1024xf32>
    %mul3A_732 = arith.mulf %max3A_730, %mul3A_731 : vector<64x1024xf32>
    %reduce_sum3A_733 = arith.constant dense<0.000000e+00> : vector<1024xf32>
    %reduce_sum3A_734 = vector.multi_reduction <add>, %mul3A_732, %reduce_sum3A_733 [0] : vector<64x1024xf32> to vector<1024xf32>
    %broadcast_in_dim3A_735 = vector.shape_cast %reduce_sum3A_734 : vector<1024xf32> to vector<1x1024xf32>
    %mul3A_736 = arith.constant 4.22222233 : f32
    %mul3A_737 = vector.broadcast %mul3A_736 : f32 to vector<128x1024xf32>
    %mul3A_738 = arith.mulf %mul3A_737, %add3A_73 : vector<128x1024xf32>
    %add3A_739 = arith.addf %add3A_67, %mul3A_738 : vector<128x1024xf32>
    %max3A_740 = arith.constant 0.000000e+00 : f32
    %max3A_741 = vector.broadcast %max3A_740 : f32 to vector<128x1024xf32>
    %max3A_742 = arith.maximumf %add3A_739, %max3A_741 : vector<128x1024xf32>
    %dot_general3A_743 = arith.constant dense<0.000000e+00> : vector<64x1024xf32>
    %dot_general3A_744 = tpu.matmul %get3A_13, %max3A_742, %dot_general3A_743 {dimension_numbers = #tpu.dot_dimension_numbers<[1], [0], [0], [1], [0, 0, 1, 1], [], []>, transpose_lhs_hint = false} : vector<64x128xf32>, vector<128x1024xf32>, vector<64x1024xf32> -> vector<64x1024xf32>
    %add3A_745 = vector.broadcast %get3A_16 : vector<64x1xf32> to vector<64x1024xf32>
    %add3A_746 = arith.addf %dot_general3A_744, %add3A_745 : vector<64x1024xf32>
    %max3A_747 = arith.constant 0.000000e+00 : f32
    %max3A_748 = vector.broadcast %max3A_747 : f32 to vector<64x1024xf32>
    %max3A_749 = arith.maximumf %add3A_746, %max3A_748 : vector<64x1024xf32>
    %mul3A_750 = vector.broadcast %get3A_19 : vector<64x1xf32> to vector<64x1024xf32>
    %mul3A_751 = arith.mulf %max3A_749, %mul3A_750 : vector<64x1024xf32>
    %reduce_sum3A_752 = arith.constant dense<0.000000e+00> : vector<1024xf32>
    %reduce_sum3A_753 = vector.multi_reduction <add>, %mul3A_751, %reduce_sum3A_752 [0] : vector<64x1024xf32> to vector<1024xf32>
    %broadcast_in_dim3A_754 = vector.shape_cast %reduce_sum3A_753 : vector<1024xf32> to vector<1x1024xf32>
    %mul3A_755 = arith.constant 4.28571463 : f32
    %mul3A_756 = vector.broadcast %mul3A_755 : f32 to vector<128x1024xf32>
    %mul3A_757 = arith.mulf %mul3A_756, %add3A_73 : vector<128x1024xf32>
    %add3A_758 = arith.addf %add3A_67, %mul3A_757 : vector<128x1024xf32>
    %max3A_759 = arith.constant 0.000000e+00 : f32
    %max3A_760 = vector.broadcast %max3A_759 : f32 to vector<128x1024xf32>
    %max3A_761 = arith.maximumf %add3A_758, %max3A_760 : vector<128x1024xf32>
    %dot_general3A_762 = arith.constant dense<0.000000e+00> : vector<64x1024xf32>
    %dot_general3A_763 = tpu.matmul %get3A_13, %max3A_761, %dot_general3A_762 {dimension_numbers = #tpu.dot_dimension_numbers<[1], [0], [0], [1], [0, 0, 1, 1], [], []>, transpose_lhs_hint = false} : vector<64x128xf32>, vector<128x1024xf32>, vector<64x1024xf32> -> vector<64x1024xf32>
    %add3A_764 = vector.broadcast %get3A_16 : vector<64x1xf32> to vector<64x1024xf32>
    %add3A_765 = arith.addf %dot_general3A_763, %add3A_764 : vector<64x1024xf32>
    %max3A_766 = arith.constant 0.000000e+00 : f32
    %max3A_767 = vector.broadcast %max3A_766 : f32 to vector<64x1024xf32>
    %max3A_768 = arith.maximumf %add3A_765, %max3A_767 : vector<64x1024xf32>
    %mul3A_769 = vector.broadcast %get3A_19 : vector<64x1xf32> to vector<64x1024xf32>
    %mul3A_770 = arith.mulf %max3A_768, %mul3A_769 : vector<64x1024xf32>
    %reduce_sum3A_771 = arith.constant dense<0.000000e+00> : vector<1024xf32>
    %reduce_sum3A_772 = vector.multi_reduction <add>, %mul3A_770, %reduce_sum3A_771 [0] : vector<64x1024xf32> to vector<1024xf32>
    %broadcast_in_dim3A_773 = vector.shape_cast %reduce_sum3A_772 : vector<1024xf32> to vector<1x1024xf32>
    %mul3A_774 = arith.constant 4.34920645 : f32
    %mul3A_775 = vector.broadcast %mul3A_774 : f32 to vector<128x1024xf32>
    %mul3A_776 = arith.mulf %mul3A_775, %add3A_73 : vector<128x1024xf32>
    %add3A_777 = arith.addf %add3A_67, %mul3A_776 : vector<128x1024xf32>
    %max3A_778 = arith.constant 0.000000e+00 : f32
    %max3A_779 = vector.broadcast %max3A_778 : f32 to vector<128x1024xf32>
    %max3A_780 = arith.maximumf %add3A_777, %max3A_779 : vector<128x1024xf32>
    %dot_general3A_781 = arith.constant dense<0.000000e+00> : vector<64x1024xf32>
    %dot_general3A_782 = tpu.matmul %get3A_13, %max3A_780, %dot_general3A_781 {dimension_numbers = #tpu.dot_dimension_numbers<[1], [0], [0], [1], [0, 0, 1, 1], [], []>, transpose_lhs_hint = false} : vector<64x128xf32>, vector<128x1024xf32>, vector<64x1024xf32> -> vector<64x1024xf32>
    %add3A_783 = vector.broadcast %get3A_16 : vector<64x1xf32> to vector<64x1024xf32>
    %add3A_784 = arith.addf %dot_general3A_782, %add3A_783 : vector<64x1024xf32>
    %max3A_785 = arith.constant 0.000000e+00 : f32
    %max3A_786 = vector.broadcast %max3A_785 : f32 to vector<64x1024xf32>
    %max3A_787 = arith.maximumf %add3A_784, %max3A_786 : vector<64x1024xf32>
    %mul3A_788 = vector.broadcast %get3A_19 : vector<64x1xf32> to vector<64x1024xf32>
    %mul3A_789 = arith.mulf %max3A_787, %mul3A_788 : vector<64x1024xf32>
    %reduce_sum3A_790 = arith.constant dense<0.000000e+00> : vector<1024xf32>
    %reduce_sum3A_791 = vector.multi_reduction <add>, %mul3A_789, %reduce_sum3A_790 [0] : vector<64x1024xf32> to vector<1024xf32>
    %broadcast_in_dim3A_792 = vector.shape_cast %reduce_sum3A_791 : vector<1024xf32> to vector<1x1024xf32>
    %mul3A_793 = arith.constant 4.41269827 : f32
    %mul3A_794 = vector.broadcast %mul3A_793 : f32 to vector<128x1024xf32>
    %mul3A_795 = arith.mulf %mul3A_794, %add3A_73 : vector<128x1024xf32>
    %add3A_796 = arith.addf %add3A_67, %mul3A_795 : vector<128x1024xf32>
    %max3A_797 = arith.constant 0.000000e+00 : f32
    %max3A_798 = vector.broadcast %max3A_797 : f32 to vector<128x1024xf32>
    %max3A_799 = arith.maximumf %add3A_796, %max3A_798 : vector<128x1024xf32>
    %dot_general3A_800 = arith.constant dense<0.000000e+00> : vector<64x1024xf32>
    %dot_general3A_801 = tpu.matmul %get3A_13, %max3A_799, %dot_general3A_800 {dimension_numbers = #tpu.dot_dimension_numbers<[1], [0], [0], [1], [0, 0, 1, 1], [], []>, transpose_lhs_hint = false} : vector<64x128xf32>, vector<128x1024xf32>, vector<64x1024xf32> -> vector<64x1024xf32>
    %add3A_802 = vector.broadcast %get3A_16 : vector<64x1xf32> to vector<64x1024xf32>
    %add3A_803 = arith.addf %dot_general3A_801, %add3A_802 : vector<64x1024xf32>
    %max3A_804 = arith.constant 0.000000e+00 : f32
    %max3A_805 = vector.broadcast %max3A_804 : f32 to vector<64x1024xf32>
    %max3A_806 = arith.maximumf %add3A_803, %max3A_805 : vector<64x1024xf32>
    %mul3A_807 = vector.broadcast %get3A_19 : vector<64x1xf32> to vector<64x1024xf32>
    %mul3A_808 = arith.mulf %max3A_806, %mul3A_807 : vector<64x1024xf32>
    %reduce_sum3A_809 = arith.constant dense<0.000000e+00> : vector<1024xf32>
    %reduce_sum3A_810 = vector.multi_reduction <add>, %mul3A_808, %reduce_sum3A_809 [0] : vector<64x1024xf32> to vector<1024xf32>
    %broadcast_in_dim3A_811 = vector.shape_cast %reduce_sum3A_810 : vector<1024xf32> to vector<1x1024xf32>
    %mul3A_812 = arith.constant 4.47619057 : f32
    %mul3A_813 = vector.broadcast %mul3A_812 : f32 to vector<128x1024xf32>
    %mul3A_814 = arith.mulf %mul3A_813, %add3A_73 : vector<128x1024xf32>
    %add3A_815 = arith.addf %add3A_67, %mul3A_814 : vector<128x1024xf32>
    %max3A_816 = arith.constant 0.000000e+00 : f32
    %max3A_817 = vector.broadcast %max3A_816 : f32 to vector<128x1024xf32>
    %max3A_818 = arith.maximumf %add3A_815, %max3A_817 : vector<128x1024xf32>
    %dot_general3A_819 = arith.constant dense<0.000000e+00> : vector<64x1024xf32>
    %dot_general3A_820 = tpu.matmul %get3A_13, %max3A_818, %dot_general3A_819 {dimension_numbers = #tpu.dot_dimension_numbers<[1], [0], [0], [1], [0, 0, 1, 1], [], []>, transpose_lhs_hint = false} : vector<64x128xf32>, vector<128x1024xf32>, vector<64x1024xf32> -> vector<64x1024xf32>
    %add3A_821 = vector.broadcast %get3A_16 : vector<64x1xf32> to vector<64x1024xf32>
    %add3A_822 = arith.addf %dot_general3A_820, %add3A_821 : vector<64x1024xf32>
    %max3A_823 = arith.constant 0.000000e+00 : f32
    %max3A_824 = vector.broadcast %max3A_823 : f32 to vector<64x1024xf32>
    %max3A_825 = arith.maximumf %add3A_822, %max3A_824 : vector<64x1024xf32>
    %mul3A_826 = vector.broadcast %get3A_19 : vector<64x1xf32> to vector<64x1024xf32>
    %mul3A_827 = arith.mulf %max3A_825, %mul3A_826 : vector<64x1024xf32>
    %reduce_sum3A_828 = arith.constant dense<0.000000e+00> : vector<1024xf32>
    %reduce_sum3A_829 = vector.multi_reduction <add>, %mul3A_827, %reduce_sum3A_828 [0] : vector<64x1024xf32> to vector<1024xf32>
    %broadcast_in_dim3A_830 = vector.shape_cast %reduce_sum3A_829 : vector<1024xf32> to vector<1x1024xf32>
    %mul3A_831 = arith.constant 4.53968287 : f32
    %mul3A_832 = vector.broadcast %mul3A_831 : f32 to vector<128x1024xf32>
    %mul3A_833 = arith.mulf %mul3A_832, %add3A_73 : vector<128x1024xf32>
    %add3A_834 = arith.addf %add3A_67, %mul3A_833 : vector<128x1024xf32>
    %max3A_835 = arith.constant 0.000000e+00 : f32
    %max3A_836 = vector.broadcast %max3A_835 : f32 to vector<128x1024xf32>
    %max3A_837 = arith.maximumf %add3A_834, %max3A_836 : vector<128x1024xf32>
    %dot_general3A_838 = arith.constant dense<0.000000e+00> : vector<64x1024xf32>
    %dot_general3A_839 = tpu.matmul %get3A_13, %max3A_837, %dot_general3A_838 {dimension_numbers = #tpu.dot_dimension_numbers<[1], [0], [0], [1], [0, 0, 1, 1], [], []>, transpose_lhs_hint = false} : vector<64x128xf32>, vector<128x1024xf32>, vector<64x1024xf32> -> vector<64x1024xf32>
    %add3A_840 = vector.broadcast %get3A_16 : vector<64x1xf32> to vector<64x1024xf32>
    %add3A_841 = arith.addf %dot_general3A_839, %add3A_840 : vector<64x1024xf32>
    %max3A_842 = arith.constant 0.000000e+00 : f32
    %max3A_843 = vector.broadcast %max3A_842 : f32 to vector<64x1024xf32>
    %max3A_844 = arith.maximumf %add3A_841, %max3A_843 : vector<64x1024xf32>
    %mul3A_845 = vector.broadcast %get3A_19 : vector<64x1xf32> to vector<64x1024xf32>
    %mul3A_846 = arith.mulf %max3A_844, %mul3A_845 : vector<64x1024xf32>
    %reduce_sum3A_847 = arith.constant dense<0.000000e+00> : vector<1024xf32>
    %reduce_sum3A_848 = vector.multi_reduction <add>, %mul3A_846, %reduce_sum3A_847 [0] : vector<64x1024xf32> to vector<1024xf32>
    %broadcast_in_dim3A_849 = vector.shape_cast %reduce_sum3A_848 : vector<1024xf32> to vector<1x1024xf32>
    %mul3A_850 = arith.constant 4.60317469 : f32
    %mul3A_851 = vector.broadcast %mul3A_850 : f32 to vector<128x1024xf32>
    %mul3A_852 = arith.mulf %mul3A_851, %add3A_73 : vector<128x1024xf32>
    %add3A_853 = arith.addf %add3A_67, %mul3A_852 : vector<128x1024xf32>
    %max3A_854 = arith.constant 0.000000e+00 : f32
    %max3A_855 = vector.broadcast %max3A_854 : f32 to vector<128x1024xf32>
    %max3A_856 = arith.maximumf %add3A_853, %max3A_855 : vector<128x1024xf32>
    %dot_general3A_857 = arith.constant dense<0.000000e+00> : vector<64x1024xf32>
    %dot_general3A_858 = tpu.matmul %get3A_13, %max3A_856, %dot_general3A_857 {dimension_numbers = #tpu.dot_dimension_numbers<[1], [0], [0], [1], [0, 0, 1, 1], [], []>, transpose_lhs_hint = false} : vector<64x128xf32>, vector<128x1024xf32>, vector<64x1024xf32> -> vector<64x1024xf32>
    %add3A_859 = vector.broadcast %get3A_16 : vector<64x1xf32> to vector<64x1024xf32>
    %add3A_860 = arith.addf %dot_general3A_858, %add3A_859 : vector<64x1024xf32>
    %max3A_861 = arith.constant 0.000000e+00 : f32
    %max3A_862 = vector.broadcast %max3A_861 : f32 to vector<64x1024xf32>
    %max3A_863 = arith.maximumf %add3A_860, %max3A_862 : vector<64x1024xf32>
    %mul3A_864 = vector.broadcast %get3A_19 : vector<64x1xf32> to vector<64x1024xf32>
    %mul3A_865 = arith.mulf %max3A_863, %mul3A_864 : vector<64x1024xf32>
    %reduce_sum3A_866 = arith.constant dense<0.000000e+00> : vector<1024xf32>
    %reduce_sum3A_867 = vector.multi_reduction <add>, %mul3A_865, %reduce_sum3A_866 [0] : vector<64x1024xf32> to vector<1024xf32>
    %broadcast_in_dim3A_868 = vector.shape_cast %reduce_sum3A_867 : vector<1024xf32> to vector<1x1024xf32>
    %mul3A_869 = arith.constant 4.66666651 : f32
    %mul3A_870 = vector.broadcast %mul3A_869 : f32 to vector<128x1024xf32>
    %mul3A_871 = arith.mulf %mul3A_870, %add3A_73 : vector<128x1024xf32>
    %add3A_872 = arith.addf %add3A_67, %mul3A_871 : vector<128x1024xf32>
    %max3A_873 = arith.constant 0.000000e+00 : f32
    %max3A_874 = vector.broadcast %max3A_873 : f32 to vector<128x1024xf32>
    %max3A_875 = arith.maximumf %add3A_872, %max3A_874 : vector<128x1024xf32>
    %dot_general3A_876 = arith.constant dense<0.000000e+00> : vector<64x1024xf32>
    %dot_general3A_877 = tpu.matmul %get3A_13, %max3A_875, %dot_general3A_876 {dimension_numbers = #tpu.dot_dimension_numbers<[1], [0], [0], [1], [0, 0, 1, 1], [], []>, transpose_lhs_hint = false} : vector<64x128xf32>, vector<128x1024xf32>, vector<64x1024xf32> -> vector<64x1024xf32>
    %add3A_878 = vector.broadcast %get3A_16 : vector<64x1xf32> to vector<64x1024xf32>
    %add3A_879 = arith.addf %dot_general3A_877, %add3A_878 : vector<64x1024xf32>
    %max3A_880 = arith.constant 0.000000e+00 : f32
    %max3A_881 = vector.broadcast %max3A_880 : f32 to vector<64x1024xf32>
    %max3A_882 = arith.maximumf %add3A_879, %max3A_881 : vector<64x1024xf32>
    %mul3A_883 = vector.broadcast %get3A_19 : vector<64x1xf32> to vector<64x1024xf32>
    %mul3A_884 = arith.mulf %max3A_882, %mul3A_883 : vector<64x1024xf32>
    %reduce_sum3A_885 = arith.constant dense<0.000000e+00> : vector<1024xf32>
    %reduce_sum3A_886 = vector.multi_reduction <add>, %mul3A_884, %reduce_sum3A_885 [0] : vector<64x1024xf32> to vector<1024xf32>
    %broadcast_in_dim3A_887 = vector.shape_cast %reduce_sum3A_886 : vector<1024xf32> to vector<1x1024xf32>
    %mul3A_888 = arith.constant 4.73015881 : f32
    %mul3A_889 = vector.broadcast %mul3A_888 : f32 to vector<128x1024xf32>
    %mul3A_890 = arith.mulf %mul3A_889, %add3A_73 : vector<128x1024xf32>
    %add3A_891 = arith.addf %add3A_67, %mul3A_890 : vector<128x1024xf32>
    %max3A_892 = arith.constant 0.000000e+00 : f32
    %max3A_893 = vector.broadcast %max3A_892 : f32 to vector<128x1024xf32>
    %max3A_894 = arith.maximumf %add3A_891, %max3A_893 : vector<128x1024xf32>
    %dot_general3A_895 = arith.constant dense<0.000000e+00> : vector<64x1024xf32>
    %dot_general3A_896 = tpu.matmul %get3A_13, %max3A_894, %dot_general3A_895 {dimension_numbers = #tpu.dot_dimension_numbers<[1], [0], [0], [1], [0, 0, 1, 1], [], []>, transpose_lhs_hint = false} : vector<64x128xf32>, vector<128x1024xf32>, vector<64x1024xf32> -> vector<64x1024xf32>
    %add3A_897 = vector.broadcast %get3A_16 : vector<64x1xf32> to vector<64x1024xf32>
    %add3A_898 = arith.addf %dot_general3A_896, %add3A_897 : vector<64x1024xf32>
    %max3A_899 = arith.constant 0.000000e+00 : f32
    %max3A_900 = vector.broadcast %max3A_899 : f32 to vector<64x1024xf32>
    %max3A_901 = arith.maximumf %add3A_898, %max3A_900 : vector<64x1024xf32>
    %mul3A_902 = vector.broadcast %get3A_19 : vector<64x1xf32> to vector<64x1024xf32>
    %mul3A_903 = arith.mulf %max3A_901, %mul3A_902 : vector<64x1024xf32>
    %reduce_sum3A_904 = arith.constant dense<0.000000e+00> : vector<1024xf32>
    %reduce_sum3A_905 = vector.multi_reduction <add>, %mul3A_903, %reduce_sum3A_904 [0] : vector<64x1024xf32> to vector<1024xf32>
    %broadcast_in_dim3A_906 = vector.shape_cast %reduce_sum3A_905 : vector<1024xf32> to vector<1x1024xf32>
    %mul3A_907 = arith.constant 4.7936511 : f32
    %mul3A_908 = vector.broadcast %mul3A_907 : f32 to vector<128x1024xf32>
    %mul3A_909 = arith.mulf %mul3A_908, %add3A_73 : vector<128x1024xf32>
    %add3A_910 = arith.addf %add3A_67, %mul3A_909 : vector<128x1024xf32>
    %max3A_911 = arith.constant 0.000000e+00 : f32
    %max3A_912 = vector.broadcast %max3A_911 : f32 to vector<128x1024xf32>
    %max3A_913 = arith.maximumf %add3A_910, %max3A_912 : vector<128x1024xf32>
    %dot_general3A_914 = arith.constant dense<0.000000e+00> : vector<64x1024xf32>
    %dot_general3A_915 = tpu.matmul %get3A_13, %max3A_913, %dot_general3A_914 {dimension_numbers = #tpu.dot_dimension_numbers<[1], [0], [0], [1], [0, 0, 1, 1], [], []>, transpose_lhs_hint = false} : vector<64x128xf32>, vector<128x1024xf32>, vector<64x1024xf32> -> vector<64x1024xf32>
    %add3A_916 = vector.broadcast %get3A_16 : vector<64x1xf32> to vector<64x1024xf32>
    %add3A_917 = arith.addf %dot_general3A_915, %add3A_916 : vector<64x1024xf32>
    %max3A_918 = arith.constant 0.000000e+00 : f32
    %max3A_919 = vector.broadcast %max3A_918 : f32 to vector<64x1024xf32>
    %max3A_920 = arith.maximumf %add3A_917, %max3A_919 : vector<64x1024xf32>
    %mul3A_921 = vector.broadcast %get3A_19 : vector<64x1xf32> to vector<64x1024xf32>
    %mul3A_922 = arith.mulf %max3A_920, %mul3A_921 : vector<64x1024xf32>
    %reduce_sum3A_923 = arith.constant dense<0.000000e+00> : vector<1024xf32>
    %reduce_sum3A_924 = vector.multi_reduction <add>, %mul3A_922, %reduce_sum3A_923 [0] : vector<64x1024xf32> to vector<1024xf32>
    %broadcast_in_dim3A_925 = vector.shape_cast %reduce_sum3A_924 : vector<1024xf32> to vector<1x1024xf32>
    %mul3A_926 = arith.constant 4.85714245 : f32
    %mul3A_927 = vector.broadcast %mul3A_926 : f32 to vector<128x1024xf32>
    %mul3A_928 = arith.mulf %mul3A_927, %add3A_73 : vector<128x1024xf32>
    %add3A_929 = arith.addf %add3A_67, %mul3A_928 : vector<128x1024xf32>
    %max3A_930 = arith.constant 0.000000e+00 : f32
    %max3A_931 = vector.broadcast %max3A_930 : f32 to vector<128x1024xf32>
    %max3A_932 = arith.maximumf %add3A_929, %max3A_931 : vector<128x1024xf32>
    %dot_general3A_933 = arith.constant dense<0.000000e+00> : vector<64x1024xf32>
    %dot_general3A_934 = tpu.matmul %get3A_13, %max3A_932, %dot_general3A_933 {dimension_numbers = #tpu.dot_dimension_numbers<[1], [0], [0], [1], [0, 0, 1, 1], [], []>, transpose_lhs_hint = false} : vector<64x128xf32>, vector<128x1024xf32>, vector<64x1024xf32> -> vector<64x1024xf32>
    %add3A_935 = vector.broadcast %get3A_16 : vector<64x1xf32> to vector<64x1024xf32>
    %add3A_936 = arith.addf %dot_general3A_934, %add3A_935 : vector<64x1024xf32>
    %max3A_937 = arith.constant 0.000000e+00 : f32
    %max3A_938 = vector.broadcast %max3A_937 : f32 to vector<64x1024xf32>
    %max3A_939 = arith.maximumf %add3A_936, %max3A_938 : vector<64x1024xf32>
    %mul3A_940 = vector.broadcast %get3A_19 : vector<64x1xf32> to vector<64x1024xf32>
    %mul3A_941 = arith.mulf %max3A_939, %mul3A_940 : vector<64x1024xf32>
    %reduce_sum3A_942 = arith.constant dense<0.000000e+00> : vector<1024xf32>
    %reduce_sum3A_943 = vector.multi_reduction <add>, %mul3A_941, %reduce_sum3A_942 [0] : vector<64x1024xf32> to vector<1024xf32>
    %broadcast_in_dim3A_944 = vector.shape_cast %reduce_sum3A_943 : vector<1024xf32> to vector<1x1024xf32>
    %mul3A_945 = arith.constant 4.92063475 : f32
    %mul3A_946 = vector.broadcast %mul3A_945 : f32 to vector<128x1024xf32>
    %mul3A_947 = arith.mulf %mul3A_946, %add3A_73 : vector<128x1024xf32>
    %add3A_948 = arith.addf %add3A_67, %mul3A_947 : vector<128x1024xf32>
    %max3A_949 = arith.constant 0.000000e+00 : f32
    %max3A_950 = vector.broadcast %max3A_949 : f32 to vector<128x1024xf32>
    %max3A_951 = arith.maximumf %add3A_948, %max3A_950 : vector<128x1024xf32>
    %dot_general3A_952 = arith.constant dense<0.000000e+00> : vector<64x1024xf32>
    %dot_general3A_953 = tpu.matmul %get3A_13, %max3A_951, %dot_general3A_952 {dimension_numbers = #tpu.dot_dimension_numbers<[1], [0], [0], [1], [0, 0, 1, 1], [], []>, transpose_lhs_hint = false} : vector<64x128xf32>, vector<128x1024xf32>, vector<64x1024xf32> -> vector<64x1024xf32>
    %add3A_954 = vector.broadcast %get3A_16 : vector<64x1xf32> to vector<64x1024xf32>
    %add3A_955 = arith.addf %dot_general3A_953, %add3A_954 : vector<64x1024xf32>
    %max3A_956 = arith.constant 0.000000e+00 : f32
    %max3A_957 = vector.broadcast %max3A_956 : f32 to vector<64x1024xf32>
    %max3A_958 = arith.maximumf %add3A_955, %max3A_957 : vector<64x1024xf32>
    %mul3A_959 = vector.broadcast %get3A_19 : vector<64x1xf32> to vector<64x1024xf32>
    %mul3A_960 = arith.mulf %max3A_958, %mul3A_959 : vector<64x1024xf32>
    %reduce_sum3A_961 = arith.constant dense<0.000000e+00> : vector<1024xf32>
    %reduce_sum3A_962 = vector.multi_reduction <add>, %mul3A_960, %reduce_sum3A_961 [0] : vector<64x1024xf32> to vector<1024xf32>
    %broadcast_in_dim3A_963 = vector.shape_cast %reduce_sum3A_962 : vector<1024xf32> to vector<1x1024xf32>
    %mul3A_964 = arith.constant 4.98412704 : f32
    %mul3A_965 = vector.broadcast %mul3A_964 : f32 to vector<128x1024xf32>
    %mul3A_966 = arith.mulf %mul3A_965, %add3A_73 : vector<128x1024xf32>
    %add3A_967 = arith.addf %add3A_67, %mul3A_966 : vector<128x1024xf32>
    %max3A_968 = arith.constant 0.000000e+00 : f32
    %max3A_969 = vector.broadcast %max3A_968 : f32 to vector<128x1024xf32>
    %max3A_970 = arith.maximumf %add3A_967, %max3A_969 : vector<128x1024xf32>
    %dot_general3A_971 = arith.constant dense<0.000000e+00> : vector<64x1024xf32>
    %dot_general3A_972 = tpu.matmul %get3A_13, %max3A_970, %dot_general3A_971 {dimension_numbers = #tpu.dot_dimension_numbers<[1], [0], [0], [1], [0, 0, 1, 1], [], []>, transpose_lhs_hint = false} : vector<64x128xf32>, vector<128x1024xf32>, vector<64x1024xf32> -> vector<64x1024xf32>
    %add3A_973 = vector.broadcast %get3A_16 : vector<64x1xf32> to vector<64x1024xf32>
    %add3A_974 = arith.addf %dot_general3A_972, %add3A_973 : vector<64x1024xf32>
    %max3A_975 = arith.constant 0.000000e+00 : f32
    %max3A_976 = vector.broadcast %max3A_975 : f32 to vector<64x1024xf32>
    %max3A_977 = arith.maximumf %add3A_974, %max3A_976 : vector<64x1024xf32>
    %mul3A_978 = vector.broadcast %get3A_19 : vector<64x1xf32> to vector<64x1024xf32>
    %mul3A_979 = arith.mulf %max3A_977, %mul3A_978 : vector<64x1024xf32>
    %reduce_sum3A_980 = arith.constant dense<0.000000e+00> : vector<1024xf32>
    %reduce_sum3A_981 = vector.multi_reduction <add>, %mul3A_979, %reduce_sum3A_980 [0] : vector<64x1024xf32> to vector<1024xf32>
    %broadcast_in_dim3A_982 = vector.shape_cast %reduce_sum3A_981 : vector<1024xf32> to vector<1x1024xf32>
    %mul3A_983 = arith.constant 5.04761934 : f32
    %mul3A_984 = vector.broadcast %mul3A_983 : f32 to vector<128x1024xf32>
    %mul3A_985 = arith.mulf %mul3A_984, %add3A_73 : vector<128x1024xf32>
    %add3A_986 = arith.addf %add3A_67, %mul3A_985 : vector<128x1024xf32>
    %max3A_987 = arith.constant 0.000000e+00 : f32
    %max3A_988 = vector.broadcast %max3A_987 : f32 to vector<128x1024xf32>
    %max3A_989 = arith.maximumf %add3A_986, %max3A_988 : vector<128x1024xf32>
    %dot_general3A_990 = arith.constant dense<0.000000e+00> : vector<64x1024xf32>
    %dot_general3A_991 = tpu.matmul %get3A_13, %max3A_989, %dot_general3A_990 {dimension_numbers = #tpu.dot_dimension_numbers<[1], [0], [0], [1], [0, 0, 1, 1], [], []>, transpose_lhs_hint = false} : vector<64x128xf32>, vector<128x1024xf32>, vector<64x1024xf32> -> vector<64x1024xf32>
    %add3A_992 = vector.broadcast %get3A_16 : vector<64x1xf32> to vector<64x1024xf32>
    %add3A_993 = arith.addf %dot_general3A_991, %add3A_992 : vector<64x1024xf32>
    %max3A_994 = arith.constant 0.000000e+00 : f32
    %max3A_995 = vector.broadcast %max3A_994 : f32 to vector<64x1024xf32>
    %max3A_996 = arith.maximumf %add3A_993, %max3A_995 : vector<64x1024xf32>
    %mul3A_997 = vector.broadcast %get3A_19 : vector<64x1xf32> to vector<64x1024xf32>
    %mul3A_998 = arith.mulf %max3A_996, %mul3A_997 : vector<64x1024xf32>
    %reduce_sum3A_999 = arith.constant dense<0.000000e+00> : vector<1024xf32>
    %reduce_sum3A_1000 = vector.multi_reduction <add>, %mul3A_998, %reduce_sum3A_999 [0] : vector<64x1024xf32> to vector<1024xf32>
    %broadcast_in_dim3A_1001 = vector.shape_cast %reduce_sum3A_1000 : vector<1024xf32> to vector<1x1024xf32>
    %mul3A_1002 = arith.constant 5.11111164 : f32
    %mul3A_1003 = vector.broadcast %mul3A_1002 : f32 to vector<128x1024xf32>
    %mul3A_1004 = arith.mulf %mul3A_1003, %add3A_73 : vector<128x1024xf32>
    %add3A_1005 = arith.addf %add3A_67, %mul3A_1004 : vector<128x1024xf32>
    %max3A_1006 = arith.constant 0.000000e+00 : f32
    %max3A_1007 = vector.broadcast %max3A_1006 : f32 to vector<128x1024xf32>
    %max3A_1008 = arith.maximumf %add3A_1005, %max3A_1007 : vector<128x1024xf32>
    %dot_general3A_1009 = arith.constant dense<0.000000e+00> : vector<64x1024xf32>
    %dot_general3A_1010 = tpu.matmul %get3A_13, %max3A_1008, %dot_general3A_1009 {dimension_numbers = #tpu.dot_dimension_numbers<[1], [0], [0], [1], [0, 0, 1, 1], [], []>, transpose_lhs_hint = false} : vector<64x128xf32>, vector<128x1024xf32>, vector<64x1024xf32> -> vector<64x1024xf32>
    %add3A_1011 = vector.broadcast %get3A_16 : vector<64x1xf32> to vector<64x1024xf32>
    %add3A_1012 = arith.addf %dot_general3A_1010, %add3A_1011 : vector<64x1024xf32>
    %max3A_1013 = arith.constant 0.000000e+00 : f32
    %max3A_1014 = vector.broadcast %max3A_1013 : f32 to vector<64x1024xf32>
    %max3A_1015 = arith.maximumf %add3A_1012, %max3A_1014 : vector<64x1024xf32>
    %mul3A_1016 = vector.broadcast %get3A_19 : vector<64x1xf32> to vector<64x1024xf32>
    %mul3A_1017 = arith.mulf %max3A_1015, %mul3A_1016 : vector<64x1024xf32>
    %reduce_sum3A_1018 = arith.constant dense<0.000000e+00> : vector<1024xf32>
    %reduce_sum3A_1019 = vector.multi_reduction <add>, %mul3A_1017, %reduce_sum3A_1018 [0] : vector<64x1024xf32> to vector<1024xf32>
    %broadcast_in_dim3A_1020 = vector.shape_cast %reduce_sum3A_1019 : vector<1024xf32> to vector<1x1024xf32>
    %mul3A_1021 = arith.constant 5.17460299 : f32
    %mul3A_1022 = vector.broadcast %mul3A_1021 : f32 to vector<128x1024xf32>
    %mul3A_1023 = arith.mulf %mul3A_1022, %add3A_73 : vector<128x1024xf32>
    %add3A_1024 = arith.addf %add3A_67, %mul3A_1023 : vector<128x1024xf32>
    %max3A_1025 = arith.constant 0.000000e+00 : f32
    %max3A_1026 = vector.broadcast %max3A_1025 : f32 to vector<128x1024xf32>
    %max3A_1027 = arith.maximumf %add3A_1024, %max3A_1026 : vector<128x1024xf32>
    %dot_general3A_1028 = arith.constant dense<0.000000e+00> : vector<64x1024xf32>
    %dot_general3A_1029 = tpu.matmul %get3A_13, %max3A_1027, %dot_general3A_1028 {dimension_numbers = #tpu.dot_dimension_numbers<[1], [0], [0], [1], [0, 0, 1, 1], [], []>, transpose_lhs_hint = false} : vector<64x128xf32>, vector<128x1024xf32>, vector<64x1024xf32> -> vector<64x1024xf32>
    %add3A_1030 = vector.broadcast %get3A_16 : vector<64x1xf32> to vector<64x1024xf32>
    %add3A_1031 = arith.addf %dot_general3A_1029, %add3A_1030 : vector<64x1024xf32>
    %max3A_1032 = arith.constant 0.000000e+00 : f32
    %max3A_1033 = vector.broadcast %max3A_1032 : f32 to vector<64x1024xf32>
    %max3A_1034 = arith.maximumf %add3A_1031, %max3A_1033 : vector<64x1024xf32>
    %mul3A_1035 = vector.broadcast %get3A_19 : vector<64x1xf32> to vector<64x1024xf32>
    %mul3A_1036 = arith.mulf %max3A_1034, %mul3A_1035 : vector<64x1024xf32>
    %reduce_sum3A_1037 = arith.constant dense<0.000000e+00> : vector<1024xf32>
    %reduce_sum3A_1038 = vector.multi_reduction <add>, %mul3A_1036, %reduce_sum3A_1037 [0] : vector<64x1024xf32> to vector<1024xf32>
    %broadcast_in_dim3A_1039 = vector.shape_cast %reduce_sum3A_1038 : vector<1024xf32> to vector<1x1024xf32>
    %mul3A_1040 = arith.constant 5.23809528 : f32
    %mul3A_1041 = vector.broadcast %mul3A_1040 : f32 to vector<128x1024xf32>
    %mul3A_1042 = arith.mulf %mul3A_1041, %add3A_73 : vector<128x1024xf32>
    %add3A_1043 = arith.addf %add3A_67, %mul3A_1042 : vector<128x1024xf32>
    %max3A_1044 = arith.constant 0.000000e+00 : f32
    %max3A_1045 = vector.broadcast %max3A_1044 : f32 to vector<128x1024xf32>
    %max3A_1046 = arith.maximumf %add3A_1043, %max3A_1045 : vector<128x1024xf32>
    %dot_general3A_1047 = arith.constant dense<0.000000e+00> : vector<64x1024xf32>
    %dot_general3A_1048 = tpu.matmul %get3A_13, %max3A_1046, %dot_general3A_1047 {dimension_numbers = #tpu.dot_dimension_numbers<[1], [0], [0], [1], [0, 0, 1, 1], [], []>, transpose_lhs_hint = false} : vector<64x128xf32>, vector<128x1024xf32>, vector<64x1024xf32> -> vector<64x1024xf32>
    %add3A_1049 = vector.broadcast %get3A_16 : vector<64x1xf32> to vector<64x1024xf32>
    %add3A_1050 = arith.addf %dot_general3A_1048, %add3A_1049 : vector<64x1024xf32>
    %max3A_1051 = arith.constant 0.000000e+00 : f32
    %max3A_1052 = vector.broadcast %max3A_1051 : f32 to vector<64x1024xf32>
    %max3A_1053 = arith.maximumf %add3A_1050, %max3A_1052 : vector<64x1024xf32>
    %mul3A_1054 = vector.broadcast %get3A_19 : vector<64x1xf32> to vector<64x1024xf32>
    %mul3A_1055 = arith.mulf %max3A_1053, %mul3A_1054 : vector<64x1024xf32>
    %reduce_sum3A_1056 = arith.constant dense<0.000000e+00> : vector<1024xf32>
    %reduce_sum3A_1057 = vector.multi_reduction <add>, %mul3A_1055, %reduce_sum3A_1056 [0] : vector<64x1024xf32> to vector<1024xf32>
    %broadcast_in_dim3A_1058 = vector.shape_cast %reduce_sum3A_1057 : vector<1024xf32> to vector<1x1024xf32>
    %mul3A_1059 = arith.constant 5.30158758 : f32
    %mul3A_1060 = vector.broadcast %mul3A_1059 : f32 to vector<128x1024xf32>
    %mul3A_1061 = arith.mulf %mul3A_1060, %add3A_73 : vector<128x1024xf32>
    %add3A_1062 = arith.addf %add3A_67, %mul3A_1061 : vector<128x1024xf32>
    %max3A_1063 = arith.constant 0.000000e+00 : f32
    %max3A_1064 = vector.broadcast %max3A_1063 : f32 to vector<128x1024xf32>
    %max3A_1065 = arith.maximumf %add3A_1062, %max3A_1064 : vector<128x1024xf32>
    %dot_general3A_1066 = arith.constant dense<0.000000e+00> : vector<64x1024xf32>
    %dot_general3A_1067 = tpu.matmul %get3A_13, %max3A_1065, %dot_general3A_1066 {dimension_numbers = #tpu.dot_dimension_numbers<[1], [0], [0], [1], [0, 0, 1, 1], [], []>, transpose_lhs_hint = false} : vector<64x128xf32>, vector<128x1024xf32>, vector<64x1024xf32> -> vector<64x1024xf32>
    %add3A_1068 = vector.broadcast %get3A_16 : vector<64x1xf32> to vector<64x1024xf32>
    %add3A_1069 = arith.addf %dot_general3A_1067, %add3A_1068 : vector<64x1024xf32>
    %max3A_1070 = arith.constant 0.000000e+00 : f32
    %max3A_1071 = vector.broadcast %max3A_1070 : f32 to vector<64x1024xf32>
    %max3A_1072 = arith.maximumf %add3A_1069, %max3A_1071 : vector<64x1024xf32>
    %mul3A_1073 = vector.broadcast %get3A_19 : vector<64x1xf32> to vector<64x1024xf32>
    %mul3A_1074 = arith.mulf %max3A_1072, %mul3A_1073 : vector<64x1024xf32>
    %reduce_sum3A_1075 = arith.constant dense<0.000000e+00> : vector<1024xf32>
    %reduce_sum3A_1076 = vector.multi_reduction <add>, %mul3A_1074, %reduce_sum3A_1075 [0] : vector<64x1024xf32> to vector<1024xf32>
    %broadcast_in_dim3A_1077 = vector.shape_cast %reduce_sum3A_1076 : vector<1024xf32> to vector<1x1024xf32>
    %mul3A_1078 = arith.constant 5.36507893 : f32
    %mul3A_1079 = vector.broadcast %mul3A_1078 : f32 to vector<128x1024xf32>
    %mul3A_1080 = arith.mulf %mul3A_1079, %add3A_73 : vector<128x1024xf32>
    %add3A_1081 = arith.addf %add3A_67, %mul3A_1080 : vector<128x1024xf32>
    %max3A_1082 = arith.constant 0.000000e+00 : f32
    %max3A_1083 = vector.broadcast %max3A_1082 : f32 to vector<128x1024xf32>
    %max3A_1084 = arith.maximumf %add3A_1081, %max3A_1083 : vector<128x1024xf32>
    %dot_general3A_1085 = arith.constant dense<0.000000e+00> : vector<64x1024xf32>
    %dot_general3A_1086 = tpu.matmul %get3A_13, %max3A_1084, %dot_general3A_1085 {dimension_numbers = #tpu.dot_dimension_numbers<[1], [0], [0], [1], [0, 0, 1, 1], [], []>, transpose_lhs_hint = false} : vector<64x128xf32>, vector<128x1024xf32>, vector<64x1024xf32> -> vector<64x1024xf32>
    %add3A_1087 = vector.broadcast %get3A_16 : vector<64x1xf32> to vector<64x1024xf32>
    %add3A_1088 = arith.addf %dot_general3A_1086, %add3A_1087 : vector<64x1024xf32>
    %max3A_1089 = arith.constant 0.000000e+00 : f32
    %max3A_1090 = vector.broadcast %max3A_1089 : f32 to vector<64x1024xf32>
    %max3A_1091 = arith.maximumf %add3A_1088, %max3A_1090 : vector<64x1024xf32>
    %mul3A_1092 = vector.broadcast %get3A_19 : vector<64x1xf32> to vector<64x1024xf32>
    %mul3A_1093 = arith.mulf %max3A_1091, %mul3A_1092 : vector<64x1024xf32>
    %reduce_sum3A_1094 = arith.constant dense<0.000000e+00> : vector<1024xf32>
    %reduce_sum3A_1095 = vector.multi_reduction <add>, %mul3A_1093, %reduce_sum3A_1094 [0] : vector<64x1024xf32> to vector<1024xf32>
    %broadcast_in_dim3A_1096 = vector.shape_cast %reduce_sum3A_1095 : vector<1024xf32> to vector<1x1024xf32>
    %mul3A_1097 = arith.constant 5.42857122 : f32
    %mul3A_1098 = vector.broadcast %mul3A_1097 : f32 to vector<128x1024xf32>
    %mul3A_1099 = arith.mulf %mul3A_1098, %add3A_73 : vector<128x1024xf32>
    %add3A_1100 = arith.addf %add3A_67, %mul3A_1099 : vector<128x1024xf32>
    %max3A_1101 = arith.constant 0.000000e+00 : f32
    %max3A_1102 = vector.broadcast %max3A_1101 : f32 to vector<128x1024xf32>
    %max3A_1103 = arith.maximumf %add3A_1100, %max3A_1102 : vector<128x1024xf32>
    %dot_general3A_1104 = arith.constant dense<0.000000e+00> : vector<64x1024xf32>
    %dot_general3A_1105 = tpu.matmul %get3A_13, %max3A_1103, %dot_general3A_1104 {dimension_numbers = #tpu.dot_dimension_numbers<[1], [0], [0], [1], [0, 0, 1, 1], [], []>, transpose_lhs_hint = false} : vector<64x128xf32>, vector<128x1024xf32>, vector<64x1024xf32> -> vector<64x1024xf32>
    %add3A_1106 = vector.broadcast %get3A_16 : vector<64x1xf32> to vector<64x1024xf32>
    %add3A_1107 = arith.addf %dot_general3A_1105, %add3A_1106 : vector<64x1024xf32>
    %max3A_1108 = arith.constant 0.000000e+00 : f32
    %max3A_1109 = vector.broadcast %max3A_1108 : f32 to vector<64x1024xf32>
    %max3A_1110 = arith.maximumf %add3A_1107, %max3A_1109 : vector<64x1024xf32>
    %mul3A_1111 = vector.broadcast %get3A_19 : vector<64x1xf32> to vector<64x1024xf32>
    %mul3A_1112 = arith.mulf %max3A_1110, %mul3A_1111 : vector<64x1024xf32>
    %reduce_sum3A_1113 = arith.constant dense<0.000000e+00> : vector<1024xf32>
    %reduce_sum3A_1114 = vector.multi_reduction <add>, %mul3A_1112, %reduce_sum3A_1113 [0] : vector<64x1024xf32> to vector<1024xf32>
    %broadcast_in_dim3A_1115 = vector.shape_cast %reduce_sum3A_1114 : vector<1024xf32> to vector<1x1024xf32>
    %mul3A_1116 = arith.constant 5.49206352 : f32
    %mul3A_1117 = vector.broadcast %mul3A_1116 : f32 to vector<128x1024xf32>
    %mul3A_1118 = arith.mulf %mul3A_1117, %add3A_73 : vector<128x1024xf32>
    %add3A_1119 = arith.addf %add3A_67, %mul3A_1118 : vector<128x1024xf32>
    %max3A_1120 = arith.constant 0.000000e+00 : f32
    %max3A_1121 = vector.broadcast %max3A_1120 : f32 to vector<128x1024xf32>
    %max3A_1122 = arith.maximumf %add3A_1119, %max3A_1121 : vector<128x1024xf32>
    %dot_general3A_1123 = arith.constant dense<0.000000e+00> : vector<64x1024xf32>
    %dot_general3A_1124 = tpu.matmul %get3A_13, %max3A_1122, %dot_general3A_1123 {dimension_numbers = #tpu.dot_dimension_numbers<[1], [0], [0], [1], [0, 0, 1, 1], [], []>, transpose_lhs_hint = false} : vector<64x128xf32>, vector<128x1024xf32>, vector<64x1024xf32> -> vector<64x1024xf32>
    %add3A_1125 = vector.broadcast %get3A_16 : vector<64x1xf32> to vector<64x1024xf32>
    %add3A_1126 = arith.addf %dot_general3A_1124, %add3A_1125 : vector<64x1024xf32>
    %max3A_1127 = arith.constant 0.000000e+00 : f32
    %max3A_1128 = vector.broadcast %max3A_1127 : f32 to vector<64x1024xf32>
    %max3A_1129 = arith.maximumf %add3A_1126, %max3A_1128 : vector<64x1024xf32>
    %mul3A_1130 = vector.broadcast %get3A_19 : vector<64x1xf32> to vector<64x1024xf32>
    %mul3A_1131 = arith.mulf %max3A_1129, %mul3A_1130 : vector<64x1024xf32>
    %reduce_sum3A_1132 = arith.constant dense<0.000000e+00> : vector<1024xf32>
    %reduce_sum3A_1133 = vector.multi_reduction <add>, %mul3A_1131, %reduce_sum3A_1132 [0] : vector<64x1024xf32> to vector<1024xf32>
    %broadcast_in_dim3A_1134 = vector.shape_cast %reduce_sum3A_1133 : vector<1024xf32> to vector<1x1024xf32>
    %mul3A_1135 = arith.constant 5.55555582 : f32
    %mul3A_1136 = vector.broadcast %mul3A_1135 : f32 to vector<128x1024xf32>
    %mul3A_1137 = arith.mulf %mul3A_1136, %add3A_73 : vector<128x1024xf32>
    %add3A_1138 = arith.addf %add3A_67, %mul3A_1137 : vector<128x1024xf32>
    %max3A_1139 = arith.constant 0.000000e+00 : f32
    %max3A_1140 = vector.broadcast %max3A_1139 : f32 to vector<128x1024xf32>
    %max3A_1141 = arith.maximumf %add3A_1138, %max3A_1140 : vector<128x1024xf32>
    %dot_general3A_1142 = arith.constant dense<0.000000e+00> : vector<64x1024xf32>
    %dot_general3A_1143 = tpu.matmul %get3A_13, %max3A_1141, %dot_general3A_1142 {dimension_numbers = #tpu.dot_dimension_numbers<[1], [0], [0], [1], [0, 0, 1, 1], [], []>, transpose_lhs_hint = false} : vector<64x128xf32>, vector<128x1024xf32>, vector<64x1024xf32> -> vector<64x1024xf32>
    %add3A_1144 = vector.broadcast %get3A_16 : vector<64x1xf32> to vector<64x1024xf32>
    %add3A_1145 = arith.addf %dot_general3A_1143, %add3A_1144 : vector<64x1024xf32>
    %max3A_1146 = arith.constant 0.000000e+00 : f32
    %max3A_1147 = vector.broadcast %max3A_1146 : f32 to vector<64x1024xf32>
    %max3A_1148 = arith.maximumf %add3A_1145, %max3A_1147 : vector<64x1024xf32>
    %mul3A_1149 = vector.broadcast %get3A_19 : vector<64x1xf32> to vector<64x1024xf32>
    %mul3A_1150 = arith.mulf %max3A_1148, %mul3A_1149 : vector<64x1024xf32>
    %reduce_sum3A_1151 = arith.constant dense<0.000000e+00> : vector<1024xf32>
    %reduce_sum3A_1152 = vector.multi_reduction <add>, %mul3A_1150, %reduce_sum3A_1151 [0] : vector<64x1024xf32> to vector<1024xf32>
    %broadcast_in_dim3A_1153 = vector.shape_cast %reduce_sum3A_1152 : vector<1024xf32> to vector<1x1024xf32>
    %mul3A_1154 = arith.constant 5.61904812 : f32
    %mul3A_1155 = vector.broadcast %mul3A_1154 : f32 to vector<128x1024xf32>
    %mul3A_1156 = arith.mulf %mul3A_1155, %add3A_73 : vector<128x1024xf32>
    %add3A_1157 = arith.addf %add3A_67, %mul3A_1156 : vector<128x1024xf32>
    %max3A_1158 = arith.constant 0.000000e+00 : f32
    %max3A_1159 = vector.broadcast %max3A_1158 : f32 to vector<128x1024xf32>
    %max3A_1160 = arith.maximumf %add3A_1157, %max3A_1159 : vector<128x1024xf32>
    %dot_general3A_1161 = arith.constant dense<0.000000e+00> : vector<64x1024xf32>
    %dot_general3A_1162 = tpu.matmul %get3A_13, %max3A_1160, %dot_general3A_1161 {dimension_numbers = #tpu.dot_dimension_numbers<[1], [0], [0], [1], [0, 0, 1, 1], [], []>, transpose_lhs_hint = false} : vector<64x128xf32>, vector<128x1024xf32>, vector<64x1024xf32> -> vector<64x1024xf32>
    %add3A_1163 = vector.broadcast %get3A_16 : vector<64x1xf32> to vector<64x1024xf32>
    %add3A_1164 = arith.addf %dot_general3A_1162, %add3A_1163 : vector<64x1024xf32>
    %max3A_1165 = arith.constant 0.000000e+00 : f32
    %max3A_1166 = vector.broadcast %max3A_1165 : f32 to vector<64x1024xf32>
    %max3A_1167 = arith.maximumf %add3A_1164, %max3A_1166 : vector<64x1024xf32>
    %mul3A_1168 = vector.broadcast %get3A_19 : vector<64x1xf32> to vector<64x1024xf32>
    %mul3A_1169 = arith.mulf %max3A_1167, %mul3A_1168 : vector<64x1024xf32>
    %reduce_sum3A_1170 = arith.constant dense<0.000000e+00> : vector<1024xf32>
    %reduce_sum3A_1171 = vector.multi_reduction <add>, %mul3A_1169, %reduce_sum3A_1170 [0] : vector<64x1024xf32> to vector<1024xf32>
    %broadcast_in_dim3A_1172 = vector.shape_cast %reduce_sum3A_1171 : vector<1024xf32> to vector<1x1024xf32>
    %mul3A_1173 = arith.constant 5.68253946 : f32
    %mul3A_1174 = vector.broadcast %mul3A_1173 : f32 to vector<128x1024xf32>
    %mul3A_1175 = arith.mulf %mul3A_1174, %add3A_73 : vector<128x1024xf32>
    %add3A_1176 = arith.addf %add3A_67, %mul3A_1175 : vector<128x1024xf32>
    %max3A_1177 = arith.constant 0.000000e+00 : f32
    %max3A_1178 = vector.broadcast %max3A_1177 : f32 to vector<128x1024xf32>
    %max3A_1179 = arith.maximumf %add3A_1176, %max3A_1178 : vector<128x1024xf32>
    %dot_general3A_1180 = arith.constant dense<0.000000e+00> : vector<64x1024xf32>
    %dot_general3A_1181 = tpu.matmul %get3A_13, %max3A_1179, %dot_general3A_1180 {dimension_numbers = #tpu.dot_dimension_numbers<[1], [0], [0], [1], [0, 0, 1, 1], [], []>, transpose_lhs_hint = false} : vector<64x128xf32>, vector<128x1024xf32>, vector<64x1024xf32> -> vector<64x1024xf32>
    %add3A_1182 = vector.broadcast %get3A_16 : vector<64x1xf32> to vector<64x1024xf32>
    %add3A_1183 = arith.addf %dot_general3A_1181, %add3A_1182 : vector<64x1024xf32>
    %max3A_1184 = arith.constant 0.000000e+00 : f32
    %max3A_1185 = vector.broadcast %max3A_1184 : f32 to vector<64x1024xf32>
    %max3A_1186 = arith.maximumf %add3A_1183, %max3A_1185 : vector<64x1024xf32>
    %mul3A_1187 = vector.broadcast %get3A_19 : vector<64x1xf32> to vector<64x1024xf32>
    %mul3A_1188 = arith.mulf %max3A_1186, %mul3A_1187 : vector<64x1024xf32>
    %reduce_sum3A_1189 = arith.constant dense<0.000000e+00> : vector<1024xf32>
    %reduce_sum3A_1190 = vector.multi_reduction <add>, %mul3A_1188, %reduce_sum3A_1189 [0] : vector<64x1024xf32> to vector<1024xf32>
    %broadcast_in_dim3A_1191 = vector.shape_cast %reduce_sum3A_1190 : vector<1024xf32> to vector<1x1024xf32>
    %mul3A_1192 = arith.constant 5.74603176 : f32
    %mul3A_1193 = vector.broadcast %mul3A_1192 : f32 to vector<128x1024xf32>
    %mul3A_1194 = arith.mulf %mul3A_1193, %add3A_73 : vector<128x1024xf32>
    %add3A_1195 = arith.addf %add3A_67, %mul3A_1194 : vector<128x1024xf32>
    %max3A_1196 = arith.constant 0.000000e+00 : f32
    %max3A_1197 = vector.broadcast %max3A_1196 : f32 to vector<128x1024xf32>
    %max3A_1198 = arith.maximumf %add3A_1195, %max3A_1197 : vector<128x1024xf32>
    %dot_general3A_1199 = arith.constant dense<0.000000e+00> : vector<64x1024xf32>
    %dot_general3A_1200 = tpu.matmul %get3A_13, %max3A_1198, %dot_general3A_1199 {dimension_numbers = #tpu.dot_dimension_numbers<[1], [0], [0], [1], [0, 0, 1, 1], [], []>, transpose_lhs_hint = false} : vector<64x128xf32>, vector<128x1024xf32>, vector<64x1024xf32> -> vector<64x1024xf32>
    %add3A_1201 = vector.broadcast %get3A_16 : vector<64x1xf32> to vector<64x1024xf32>
    %add3A_1202 = arith.addf %dot_general3A_1200, %add3A_1201 : vector<64x1024xf32>
    %max3A_1203 = arith.constant 0.000000e+00 : f32
    %max3A_1204 = vector.broadcast %max3A_1203 : f32 to vector<64x1024xf32>
    %max3A_1205 = arith.maximumf %add3A_1202, %max3A_1204 : vector<64x1024xf32>
    %mul3A_1206 = vector.broadcast %get3A_19 : vector<64x1xf32> to vector<64x1024xf32>
    %mul3A_1207 = arith.mulf %max3A_1205, %mul3A_1206 : vector<64x1024xf32>
    %reduce_sum3A_1208 = arith.constant dense<0.000000e+00> : vector<1024xf32>
    %reduce_sum3A_1209 = vector.multi_reduction <add>, %mul3A_1207, %reduce_sum3A_1208 [0] : vector<64x1024xf32> to vector<1024xf32>
    %broadcast_in_dim3A_1210 = vector.shape_cast %reduce_sum3A_1209 : vector<1024xf32> to vector<1x1024xf32>
    %mul3A_1211 = arith.constant 5.80952406 : f32
    %mul3A_1212 = vector.broadcast %mul3A_1211 : f32 to vector<128x1024xf32>
    %mul3A_1213 = arith.mulf %mul3A_1212, %add3A_73 : vector<128x1024xf32>
    %add3A_1214 = arith.addf %add3A_67, %mul3A_1213 : vector<128x1024xf32>
    %max3A_1215 = arith.constant 0.000000e+00 : f32
    %max3A_1216 = vector.broadcast %max3A_1215 : f32 to vector<128x1024xf32>
    %max3A_1217 = arith.maximumf %add3A_1214, %max3A_1216 : vector<128x1024xf32>
    %dot_general3A_1218 = arith.constant dense<0.000000e+00> : vector<64x1024xf32>
    %dot_general3A_1219 = tpu.matmul %get3A_13, %max3A_1217, %dot_general3A_1218 {dimension_numbers = #tpu.dot_dimension_numbers<[1], [0], [0], [1], [0, 0, 1, 1], [], []>, transpose_lhs_hint = false} : vector<64x128xf32>, vector<128x1024xf32>, vector<64x1024xf32> -> vector<64x1024xf32>
    %add3A_1220 = vector.broadcast %get3A_16 : vector<64x1xf32> to vector<64x1024xf32>
    %add3A_1221 = arith.addf %dot_general3A_1219, %add3A_1220 : vector<64x1024xf32>
    %max3A_1222 = arith.constant 0.000000e+00 : f32
    %max3A_1223 = vector.broadcast %max3A_1222 : f32 to vector<64x1024xf32>
    %max3A_1224 = arith.maximumf %add3A_1221, %max3A_1223 : vector<64x1024xf32>
    %mul3A_1225 = vector.broadcast %get3A_19 : vector<64x1xf32> to vector<64x1024xf32>
    %mul3A_1226 = arith.mulf %max3A_1224, %mul3A_1225 : vector<64x1024xf32>
    %reduce_sum3A_1227 = arith.constant dense<0.000000e+00> : vector<1024xf32>
    %reduce_sum3A_1228 = vector.multi_reduction <add>, %mul3A_1226, %reduce_sum3A_1227 [0] : vector<64x1024xf32> to vector<1024xf32>
    %broadcast_in_dim3A_1229 = vector.shape_cast %reduce_sum3A_1228 : vector<1024xf32> to vector<1x1024xf32>
    %mul3A_1230 = arith.constant 5.8730154 : f32
    %mul3A_1231 = vector.broadcast %mul3A_1230 : f32 to vector<128x1024xf32>
    %mul3A_1232 = arith.mulf %mul3A_1231, %add3A_73 : vector<128x1024xf32>
    %add3A_1233 = arith.addf %add3A_67, %mul3A_1232 : vector<128x1024xf32>
    %max3A_1234 = arith.constant 0.000000e+00 : f32
    %max3A_1235 = vector.broadcast %max3A_1234 : f32 to vector<128x1024xf32>
    %max3A_1236 = arith.maximumf %add3A_1233, %max3A_1235 : vector<128x1024xf32>
    %dot_general3A_1237 = arith.constant dense<0.000000e+00> : vector<64x1024xf32>
    %dot_general3A_1238 = tpu.matmul %get3A_13, %max3A_1236, %dot_general3A_1237 {dimension_numbers = #tpu.dot_dimension_numbers<[1], [0], [0], [1], [0, 0, 1, 1], [], []>, transpose_lhs_hint = false} : vector<64x128xf32>, vector<128x1024xf32>, vector<64x1024xf32> -> vector<64x1024xf32>
    %add3A_1239 = vector.broadcast %get3A_16 : vector<64x1xf32> to vector<64x1024xf32>
    %add3A_1240 = arith.addf %dot_general3A_1238, %add3A_1239 : vector<64x1024xf32>
    %max3A_1241 = arith.constant 0.000000e+00 : f32
    %max3A_1242 = vector.broadcast %max3A_1241 : f32 to vector<64x1024xf32>
    %max3A_1243 = arith.maximumf %add3A_1240, %max3A_1242 : vector<64x1024xf32>
    %mul3A_1244 = vector.broadcast %get3A_19 : vector<64x1xf32> to vector<64x1024xf32>
    %mul3A_1245 = arith.mulf %max3A_1243, %mul3A_1244 : vector<64x1024xf32>
    %reduce_sum3A_1246 = arith.constant dense<0.000000e+00> : vector<1024xf32>
    %reduce_sum3A_1247 = vector.multi_reduction <add>, %mul3A_1245, %reduce_sum3A_1246 [0] : vector<64x1024xf32> to vector<1024xf32>
    %broadcast_in_dim3A_1248 = vector.shape_cast %reduce_sum3A_1247 : vector<1024xf32> to vector<1x1024xf32>
    %mul3A_1249 = arith.constant 5.9365077 : f32
    %mul3A_1250 = vector.broadcast %mul3A_1249 : f32 to vector<128x1024xf32>
    %mul3A_1251 = arith.mulf %mul3A_1250, %add3A_73 : vector<128x1024xf32>
    %add3A_1252 = arith.addf %add3A_67, %mul3A_1251 : vector<128x1024xf32>
    %max3A_1253 = arith.constant 0.000000e+00 : f32
    %max3A_1254 = vector.broadcast %max3A_1253 : f32 to vector<128x1024xf32>
    %max3A_1255 = arith.maximumf %add3A_1252, %max3A_1254 : vector<128x1024xf32>
    %dot_general3A_1256 = arith.constant dense<0.000000e+00> : vector<64x1024xf32>
    %dot_general3A_1257 = tpu.matmul %get3A_13, %max3A_1255, %dot_general3A_1256 {dimension_numbers = #tpu.dot_dimension_numbers<[1], [0], [0], [1], [0, 0, 1, 1], [], []>, transpose_lhs_hint = false} : vector<64x128xf32>, vector<128x1024xf32>, vector<64x1024xf32> -> vector<64x1024xf32>
    %add3A_1258 = vector.broadcast %get3A_16 : vector<64x1xf32> to vector<64x1024xf32>
    %add3A_1259 = arith.addf %dot_general3A_1257, %add3A_1258 : vector<64x1024xf32>
    %max3A_1260 = arith.constant 0.000000e+00 : f32
    %max3A_1261 = vector.broadcast %max3A_1260 : f32 to vector<64x1024xf32>
    %max3A_1262 = arith.maximumf %add3A_1259, %max3A_1261 : vector<64x1024xf32>
    %mul3A_1263 = vector.broadcast %get3A_19 : vector<64x1xf32> to vector<64x1024xf32>
    %mul3A_1264 = arith.mulf %max3A_1262, %mul3A_1263 : vector<64x1024xf32>
    %reduce_sum3A_1265 = arith.constant dense<0.000000e+00> : vector<1024xf32>
    %reduce_sum3A_1266 = vector.multi_reduction <add>, %mul3A_1264, %reduce_sum3A_1265 [0] : vector<64x1024xf32> to vector<1024xf32>
    %broadcast_in_dim3A_1267 = vector.shape_cast %reduce_sum3A_1266 : vector<1024xf32> to vector<1x1024xf32>
    %mul3A_1268 = arith.constant 6.000000e+00 : f32
    %mul3A_1269 = vector.broadcast %mul3A_1268 : f32 to vector<128x1024xf32>
    %mul3A_1270 = arith.mulf %mul3A_1269, %add3A_73 : vector<128x1024xf32>
    %add3A_1271 = arith.addf %add3A_67, %mul3A_1270 : vector<128x1024xf32>
    %max3A_1272 = arith.constant 0.000000e+00 : f32
    %max3A_1273 = vector.broadcast %max3A_1272 : f32 to vector<128x1024xf32>
    %max3A_1274 = arith.maximumf %add3A_1271, %max3A_1273 : vector<128x1024xf32>
    %dot_general3A_1275 = arith.constant dense<0.000000e+00> : vector<64x1024xf32>
    %dot_general3A_1276 = tpu.matmul %get3A_13, %max3A_1274, %dot_general3A_1275 {dimension_numbers = #tpu.dot_dimension_numbers<[1], [0], [0], [1], [0, 0, 1, 1], [], []>, transpose_lhs_hint = false} : vector<64x128xf32>, vector<128x1024xf32>, vector<64x1024xf32> -> vector<64x1024xf32>
    %add3A_1277 = vector.broadcast %get3A_16 : vector<64x1xf32> to vector<64x1024xf32>
    %add3A_1278 = arith.addf %dot_general3A_1276, %add3A_1277 : vector<64x1024xf32>
    %max3A_1279 = arith.constant 0.000000e+00 : f32
    %max3A_1280 = vector.broadcast %max3A_1279 : f32 to vector<64x1024xf32>
    %max3A_1281 = arith.maximumf %add3A_1278, %max3A_1280 : vector<64x1024xf32>
    %mul3A_1282 = vector.broadcast %get3A_19 : vector<64x1xf32> to vector<64x1024xf32>
    %mul3A_1283 = arith.mulf %max3A_1281, %mul3A_1282 : vector<64x1024xf32>
    %reduce_sum3A_1284 = arith.constant dense<0.000000e+00> : vector<1024xf32>
    %reduce_sum3A_1285 = vector.multi_reduction <add>, %mul3A_1283, %reduce_sum3A_1284 [0] : vector<64x1024xf32> to vector<1024xf32>
    %broadcast_in_dim3A_1286 = vector.shape_cast %reduce_sum3A_1285 : vector<1024xf32> to vector<1x1024xf32>
    %concatenate3A = tpu.concatenate %broadcast_in_dim3A_89, %broadcast_in_dim3A_108, %broadcast_in_dim3A_127, %broadcast_in_dim3A_146, %broadcast_in_dim3A_165, %broadcast_in_dim3A_184, %broadcast_in_dim3A_203, %broadcast_in_dim3A_222, %broadcast_in_dim3A_241, %broadcast_in_dim3A_260, %broadcast_in_dim3A_279, %broadcast_in_dim3A_298, %broadcast_in_dim3A_317, %broadcast_in_dim3A_336, %broadcast_in_dim3A_355, %broadcast_in_dim3A_374, %broadcast_in_dim3A_393, %broadcast_in_dim3A_412, %broadcast_in_dim3A_431, %broadcast_in_dim3A_450, %broadcast_in_dim3A_469, %broadcast_in_dim3A_488, %broadcast_in_dim3A_507, %broadcast_in_dim3A_526, %broadcast_in_dim3A_545, %broadcast_in_dim3A_564, %broadcast_in_dim3A_583, %broadcast_in_dim3A_602, %broadcast_in_dim3A_621, %broadcast_in_dim3A_640, %broadcast_in_dim3A_659, %broadcast_in_dim3A_678, %broadcast_in_dim3A_697, %broadcast_in_dim3A_716, %broadcast_in_dim3A_735, %broadcast_in_dim3A_754, %broadcast_in_dim3A_773, %broadcast_in_dim3A_792, %broadcast_in_dim3A_811, %broadcast_in_dim3A_830, %broadcast_in_dim3A_849, %broadcast_in_dim3A_868, %broadcast_in_dim3A_887, %broadcast_in_dim3A_906, %broadcast_in_dim3A_925, %broadcast_in_dim3A_944, %broadcast_in_dim3A_963, %broadcast_in_dim3A_982, %broadcast_in_dim3A_1001, %broadcast_in_dim3A_1020, %broadcast_in_dim3A_1039, %broadcast_in_dim3A_1058, %broadcast_in_dim3A_1077, %broadcast_in_dim3A_1096, %broadcast_in_dim3A_1115, %broadcast_in_dim3A_1134, %broadcast_in_dim3A_1153, %broadcast_in_dim3A_1172, %broadcast_in_dim3A_1191, %broadcast_in_dim3A_1210, %broadcast_in_dim3A_1229, %broadcast_in_dim3A_1248, %broadcast_in_dim3A_1267, %broadcast_in_dim3A_1286 in 0 : vector<1x1024xf32>, vector<1x1024xf32>, vector<1x1024xf32>, vector<1x1024xf32>, vector<1x1024xf32>, vector<1x1024xf32>, vector<1x1024xf32>, vector<1x1024xf32>, vector<1x1024xf32>, vector<1x1024xf32>, vector<1x1024xf32>, vector<1x1024xf32>, vector<1x1024xf32>, vector<1x1024xf32>, vector<1x1024xf32>, vector<1x1024xf32>, vector<1x1024xf32>, vector<1x1024xf32>, vector<1x1024xf32>, vector<1x1024xf32>, vector<1x1024xf32>, vector<1x1024xf32>, vector<1x1024xf32>, vector<1x1024xf32>, vector<1x1024xf32>, vector<1x1024xf32>, vector<1x1024xf32>, vector<1x1024xf32>, vector<1x1024xf32>, vector<1x1024xf32>, vector<1x1024xf32>, vector<1x1024xf32>, vector<1x1024xf32>, vector<1x1024xf32>, vector<1x1024xf32>, vector<1x1024xf32>, vector<1x1024xf32>, vector<1x1024xf32>, vector<1x1024xf32>, vector<1x1024xf32>, vector<1x1024xf32>, vector<1x1024xf32>, vector<1x1024xf32>, vector<1x1024xf32>, vector<1x1024xf32>, vector<1x1024xf32>, vector<1x1024xf32>, vector<1x1024xf32>, vector<1x1024xf32>, vector<1x1024xf32>, vector<1x1024xf32>, vector<1x1024xf32>, vector<1x1024xf32>, vector<1x1024xf32>, vector<1x1024xf32>, vector<1x1024xf32>, vector<1x1024xf32>, vector<1x1024xf32>, vector<1x1024xf32>, vector<1x1024xf32>, vector<1x1024xf32>, vector<1x1024xf32>, vector<1x1024xf32>, vector<1x1024xf32> -> vector<64x1024xf32>
    %transpose3A = tpu.transpose %concatenate3A, [1, 0] : vector<64x1024xf32> -> vector<1024x64xf32>
    %swap3A = arith.constant 0 : index
    %swap3A_1287 = arith.constant 0 : index
    %swap3A_1288 = vector.load %arg8[%swap3A, %swap3A_1287] : memref<1024x64xf32, #tpu.memory_space<vmem>>, vector<1024x64xf32>
    tpu.vector_store %arg8[%swap3A, %swap3A_1287], %transpose3A {strides = array<i32>} : memref<1024x64xf32, #tpu.memory_space<vmem>>, vector<1024x64xf32>,
    return
  }
  func.func @transform_0(%arg0: i32) -> (i32, i32) {
    %c0_i32 = arith.constant 0 : i32
    %c0_i32_0 = arith.constant 0 : i32
    return %c0_i32, %arg0 : i32, i32
  }
  func.func @transform_1(%arg0: i32) -> (i32, i32) {
    %c0_i32 = arith.constant 0 : i32
    %c0_i32_0 = arith.constant 0 : i32
    return %c0_i32, %arg0 : i32, i32
  }
  func.func @transform_2(%arg0: i32) -> (i32, i32) {
    %c0_i32 = arith.constant 0 : i32
    %c0_i32_0 = arith.constant 0 : i32
    %c0_i32_1 = arith.constant 0 : i32
    return %c0_i32, %c0_i32_0 : i32, i32
  }
  func.func @transform_3(%arg0: i32) -> (i32, i32) {
    %c0_i32 = arith.constant 0 : i32
    %c0_i32_0 = arith.constant 0 : i32
    %c0_i32_1 = arith.constant 0 : i32
    return %c0_i32, %c0_i32_0 : i32, i32
  }
  func.func @transform_4(%arg0: i32) -> (i32, i32) {
    %c0_i32 = arith.constant 0 : i32
    %c0_i32_0 = arith.constant 0 : i32
    %c0_i32_1 = arith.constant 0 : i32
    return %c0_i32, %c0_i32_0 : i32, i32
  }
  func.func @transform_5(%arg0: i32) -> (i32, i32) {
    %c0_i32 = arith.constant 0 : i32
    %c0_i32_0 = arith.constant 0 : i32
    %c0_i32_1 = arith.constant 0 : i32
    return %c0_i32, %c0_i32_0 : i32, i32
  }
  func.func @transform_6(%arg0: i32) -> (i32, i32) {
    %c0_i32 = arith.constant 0 : i32
    %c0_i32_0 = arith.constant 0 : i32
    %c0_i32_1 = arith.constant 0 : i32
    return %c0_i32, %c0_i32_0 : i32, i32
  }
  func.func @transform_7(%arg0: i32) -> (i32, i32) {
    %c0_i32 = arith.constant 0 : i32
    %c0_i32_0 = arith.constant 0 : i32
    return %arg0, %c0_i32 : i32, i32
  }
}

</mosaic_0001>

<sc_bundles>
// kernel: kernel.4.cloned.1.call-start
scs
__scs_entry_jumppad:
0x0: {  	(pc) =	sbr.rel $0x88, $3  }
0x1: {  	(tag) =	ssettag $0x0;
	lr =	simm.s32 $0x1  }
0x2: {  	[smem:$0x3F9A] =	sst lr;
	_ =	strace $0xD0000000  }
0x3: {  	_ = 	snop  }
0x4: {  	_ = 	snop  }
0x5: {  	_ = 	snop  }
0x6: {  	_ = 	snop  }
0x7: {  	_ = 	snop  }
__scs_overlays_trampoline_lowered:
0x8: {  	[smem:$0x3FA9] =	sst s0  }
0x9: {  	[smem:$0x3FAA] =	sst s1  }
0xa: {  	[smem:$0x3FAB] =	sst s2  }
0xb: {  	[smem:$0x3FAC] =	sst s3  }
0xc: {  	[smem:$0x3FAD] =	sst s4  }
0xd: {  	[smem:$0x3FAE] =	sst s5  }
0xe: {  	[smem:$0x3FAF] =	sst s6  }
0xf: {  	[smem:$0x3FB0] =	sst s7  }
0x10: {  	[smem:$0x3FB1] =	sst s8  }
0x11: {  	[smem:$0x3FB2] =	sst s9;
	s0 =	simm.s32 @!p0 $0x0  }
0x12: {  	s1 =	sld [smem:$0x3F98];
	s0 =	simm.s32 @p0 $0x1  }
0x13: {  	[smem:$0x3FB3] =	sst s0;
	s0 =	simm.s32 @!p1 $0x0  }
0x14: {  	s2 =	sld [smem:$0x3F97];
	s0 =	simm.s32 @p1 $0x1  }
0x15: {  	[smem:$0x3FB4] =	sst s0;
	s0 =	simm.s32 @!p2 $0x0  }
0x16: {  	s3 =	sld [smem:$0x3FDB];
	s0 =	simm.s32 @p2 $0x1  }
0x17: {  	s4 =	simm.s32 $0x1BF5;
	[smem:$0x3FB6] =	sst s0  }
0x18: {  	s0 =	sld [smem:$0x3F99];
	_ =	swait.ge [sflag:s4], $0x0  }
0x19: {  	s7 =	sld [smem:$0x3F9A]  }
0x1a: {  	s8 =	sadd.s32 $0xFFFFE003, lr  }
0x1b: {  	s9 =	sadd.s32 $0xFFFFFEF7, lr;
	s5 =	simm.s32 $0xFFFFFFFF;
	p2 =	slt.u32 s8, $0xFFFFF086  }
0x1c: {  	p1 =	slt.u32 s9, $0xF7A;
	s5 =	simm.s32 @!p2 $0x0  }
0x1d: {  	s5 =	simm.s32 @p1 $0x1;
	p0 =	seq.s32 s7, s2  }
0x1e: {  	s7 =	smul.u32 @!p0 $0xF7A, s2;
	p2 =	seq.s32 @!p0 s5, $0x0  }
0x1f: {  	s9 =	smul.u32 $0xF7A, s1;
	s8 =	simm.s32 @!p0 $0x1BF5;
	p2 =	por !p2, p0  }
0x20: {  	[sflag:s8] =	ssyncset.s32 @!p0 $0xFFFFF086;
	s6 =	sadd.s32 @!p0 s3, s7;
	s7 =	simm.s32 @!p0 $0x108  }
0x21: {  	s3 =	sadd.s32 s3, s9;
	s6 =	sadd.s32 @!p0 $0x88, s6;
	s7 =	simm.s32 @p2 $0x1082  }
0x22: {  	[simem:s7], [sflag:s8] =	dma.local @!p0 [hbm:s6], $0xF7A  }
0x23: {  	s9 =	sor.u32 $0xD0000000, s2;
	s6 =	simm.s32 $0x108;
	_ =	swait.ge @!p0 [sflag:s8], $0x0  }
0x24: {  	s3 =	sadd.s32 $0x88, s3;
	s6 =	simm.s32 @!p1 $0x1082;
	[sflag:s4] =	ssyncset.s32 $0xFFFFF086  }
0x25: {  	[simem:s6], [sflag:s4] =	dma.local [hbm:s3], $0xF7A  }
0x26: {  	[smem:$0x3F9A] =	sst s1;
	(tag) =	ssettag s2;
	_ =	strace s9  }
0x27: {  	s1 =	sld [smem:$0x3FAA]  }
0x28: {  	s2 =	sld [smem:$0x3FAB]  }
0x29: {  	s4 =	sld [smem:$0x3FAD]  }
0x2a: {  	p0 =	seq.s32 s5, $0x0;
	s5 =	sld [smem:$0x3FAE]  }
0x2b: {  	s6 =	sld [smem:$0x3FAF]  }
0x2c: {  	s7 =	sld [smem:$0x3FB0]  }
0x2d: {  	s3 =	simm.s32 $0x108;
	s8 =	sld [smem:$0x3FB1]  }
0x2e: {  	s3 =	simm.s32 @!p0 $0x1082;
	s9 =	sld [smem:$0x3FB2]  }
0x2f: {  	lr =	sadd.s32 s0, s3;
	s0 =	sld [smem:$0x3FA9]  }
0x30: {  	s3 =	sld [smem:$0x3FAC]  }
0x31: {  	[smem:$0x3FB5] =	sst s10  }
0x32: {  	s10 =	sld [smem:$0x3FB3];
	_ =	sdelay $0x3  }
0x33: {  	p0 =	seq.s32 s10, $0x1;
	s10 =	sld [smem:$0x3FB5];
	_ =	sdelay $0x3  }
0x34: {  	[smem:$0x3FB5] =	sst s10  }
0x35: {  	s10 =	sld [smem:$0x3FB4];
	_ =	sdelay $0x3  }
0x36: {  	p1 =	seq.s32 s10, $0x1;
	s10 =	sld [smem:$0x3FB5];
	_ =	sdelay $0x3  }
0x37: {  	[smem:$0x3FB5] =	sst s10  }
0x38: {  	s10 =	sld [smem:$0x3FB6]  }
0x39: {  	_ = 	snop;
	(pc) =	sbr.ind lr, $3  }
0x3a: {  	_ = 	snop  }
0x3b: {  	_ = 	snop  }
0x3c: {  	p2 =	seq.s32 s10, $0x1;
	s10 =	sld [smem:$0x3FB5]  }
0x3d: {  	_ =	shalt  }
0x3e: {  	_ =	shalt  }
0x3f: {  	_ =	shalt  }
0x40: {  	_ =	shalt  }
0x41: {  	_ =	shalt  }
0x42: {  	_ =	shalt  }
0x43: {  	_ =	shalt  }
0x44: {  	_ =	shalt  }
0x45: {  	_ =	shalt  }
0x46: {  	_ =	shalt  }
0x47: {  	_ =	shalt  }
0x48: {  	_ =	shalt  }
0x49: {  	_ =	shalt  }
0x4a: {  	_ =	shalt  }
0x4b: {  	_ =	shalt  }
0x4c: {  	_ =	shalt  }
0x4d: {  	_ =	shalt  }
0x4e: {  	_ =	shalt  }
0x4f: {  	_ =	shalt  }
0x50: {  	_ =	shalt  }
0x51: {  	_ =	shalt  }
0x52: {  	_ =	shalt  }
0x53: {  	_ =	shalt  }
0x54: {  	_ =	shalt  }
0x55: {  	_ =	shalt  }
0x56: {  	_ =	shalt  }
0x57: {  	_ =	shalt  }
0x58: {  	_ =	shalt  }
0x59: {  	_ =	shalt  }
0x5a: {  	_ =	shalt  }
0x5b: {  	_ =	shalt  }
0x5c: {  	_ =	shalt  }
0x5d: {  	_ =	shalt  }
0x5e: {  	_ =	shalt  }
0x5f: {  	_ =	shalt  }
0x60: {  	_ =	shalt  }
0x61: {  	_ =	shalt  }
0x62: {  	_ =	shalt  }
0x63: {  	_ =	shalt  }
0x64: {  	_ =	shalt  }
0x65: {  	_ =	shalt  }
0x66: {  	_ =	shalt  }
0x67: {  	_ =	shalt  }
0x68: {  	_ =	shalt  }
0x69: {  	_ =	shalt  }
0x6a: {  	_ =	shalt  }
0x6b: {  	_ =	shalt  }
0x6c: {  	_ =	shalt  }
0x6d: {  	_ =	shalt  }
0x6e: {  	_ =	shalt  }
0x6f: {  	_ =	shalt  }
0x70: {  	_ =	shalt  }
0x71: {  	_ =	shalt  }
0x72: {  	_ =	shalt  }
0x73: {  	_ =	shalt  }
0x74: {  	_ =	shalt  }
0x75: {  	_ =	shalt  }
0x76: {  	_ =	shalt  }
0x77: {  	_ =	shalt  }
0x78: {  	_ =	shalt  }
0x79: {  	_ =	shalt  }
0x7a: {  	_ =	shalt  }
0x7b: {  	_ =	shalt  }
0x7c: {  	_ =	shalt  }
0x7d: {  	_ =	shalt  }
0x7e: {  	_ =	shalt  }
0x7f: {  	_ =	shalt  }
0x80: {  	_ =	shalt  }
0x81: {  	_ =	shalt  }
0x82: {  	_ =	shalt  }
0x83: {  	_ =	shalt  }
0x84: {  	_ =	shalt  }
0x85: {  	_ =	shalt  }
0x86: {  	_ =	shalt  }
0x87: {  	_ =	shalt  }
.Lfunc_end0:
.L_simem_size_0:
called_computation_lowered:
.L_overlay_start_0:
0x88: {  	s2 =	sld [smem:$0x3FD9]  }
0x89: {  	s3 =	sld [smem:$0x3FFE];
	_ =	sdelay $0x1  }
0x8a: {  	s1 =	srdreg.scid  }
0x8b: {  	s0 =	sand.u32 $0x1, s1  }
0x8c: {  	s14 =	sshll.u32 s0, $0xA;
	s2 =	sadd.s32 s3, s2  }
0x8d: {  	s2 =	sadd.s32 s2, s14  }
0x8e: {  	[smem:$0x3FC1] =	sst s2  }
0x8f: {  	_ = 	snop  }
0x90: {  	s2 =	sld [smem:$0x3FD0];
	_ =	sdelay $0x2  }
0x91: {  	s15 =	simm.s32 $0xA;
	s4 =	simm.s32 $0x10  }
0x92: {  	[smem:s4], [sflag:s15] =	dma.local [hbm:s2], $0x1  }
0x93: {  	_ =	swait.eq [sflag:s15], $0x1  }
0x94: {  	s16 =	sld [smem:$0x10];
	[sflag:s15] =	ssyncset.done $0x0  }
0x95: {  	s17 =	sld [smem:$0x11];
	[sflag:s15] =	ssyncadd.s32 $0xFFFFFFFF  }
0x96: {  	s18 =	sld [smem:$0x12];
	(tm) =	ssettm $0x1  }
0x97: {  	s5 =	sld [smem:$0x3FFB];
	_ =	sdelay $0x3  }
0x98: {  	_ =	strace s5  }
0x99: {  	s5 =	sld [smem:$0x3FFC];
	_ =	sdelay $0x3  }
0x9a: {  	_ =	strace s5  }
0x9b: {  	s5 =	sld [smem:$0x3FFD];
	_ =	sdelay $0x3  }
0x9c: {  	_ =	strace s5  }
0x9d: {  	_ =	strace $0x8FFFFFFF  }
0x9e: {  	s19 =	sld [smem:$0x3FDB];
	_ =	sdelay $0x1  }
0x9f: {  	s6 =	simm.s32 $_scs_section_size  }
0xa0: {  	s7 =	simm.s32 $_size__tile_overlayer_lowered;
	s8 =	simm.s32 $_tile_overlayer_lowered  }
0xa1: {  	s22 =	simm.s32 $0x1BFF;
	s21 =	sshll.u32 s8, $0x1;
	s5 =	sadd.s32 s6, s19  }
0xa2: {  	s9 =	simm.s32 $0x0;
	s20 =	sshll.u32 s7, $0x1;
	s7 =	sadd.s32 s21, s5  }
0xa3: {  	[timem:s9], [sflag:s22] =	dma.local [hbm:s7], s20  }
0xa4: {  	_ =	swait.ge [sflag:s22], s20  }
0xa5: {  	s6 =	ssub.s32 $0x0, s20;
	[sflag:s22] =	ssyncset.done $0x0  }
0xa6: {  	[sflag:s22] =	ssyncadd.s32 s6;
	_ =	sdelay $0x1  }
0xa7: {  	s23 =	simm.s32 $0x1B8B  }
0xa8: {  	_ =	swait.ge [sflag:s23], $0x1  }
0xa9: {  	[sflag:s23] =	ssyncset.done $0x0  }
0xaa: {  	s25 =	simm.s32 $0x1B8E;
	s24 =	sld [smem:$0x3FFE];
	[sflag:s23] =	ssyncadd.s32 $0xFFFFFFFF  }
0xab: {  	s26 =	simm.s32 $execute0_lowered;
	[smem:$0x3FD2] =	sst s25  }
0xac: {  	s7 =	sshll.u32 s26, $0x1;
	_ =	strace $0x80000046;
	[dreg:$0x1] =	wrdreg $0xFFFFFFFF  }
0xad: {  	s28 =	simm.s32 $_size_execute0_lowered;
	s5 =	sadd.s32 s5, s7;
	[dreg:$0x0] =	wrdreg $0x0  }
0xae: {  	s7 =	sshll.u32 s28, $0x1;
	[dreg:$0x2] =	wrdreg s5  }
0xaf: {  	[dreg:$0x3] =	wrdreg s7  }
0xb0: {  	[dreg:$0x4] =	wrdreg $0xC0  }
0xb1: {  	_ =	task [dreg:s9], $0x5FFFF  }
0xb2: {  	[dreg:$0x1] =	wrdreg $0xFFFFFFFF  }
0xb3: {  	[dreg:$0x0] =	wrdreg $0x60  }
0xb4: {  	[dreg:$0x2] =	wrdreg s17  }
0xb5: {  	[dreg:$0x3] =	wrdreg s24  }
0xb6: {  	[dreg:$0x4] =	wrdreg s16  }
0xb7: {  	[dreg:$0x5] =	wrdreg s18  }
0xb8: {  	[dreg:$0x6] =	wrdreg $0x9  }
0xb9: {  	_ =	task.clear_ibuf [dreg:s9], $0x7FFFF;
	_ =	strace $0x90000046  }
0xba: {  	s29 =	simm.s32 $0x9;
	_ =	strace $0x80000048  }
0xbb: {  	_ =	swait.ge [sflag:s29], $0x1  }
0xbc: {  	[sflag:s29] =	ssyncadd.s32 $0xFFFFFFFF  }
0xbd: {  	_ =	strace $0x90000048  }
0xbe: {  	_ =	sfence  }
0xbf: {  	s30 =	sld [smem:$0x0];
	_ =	sdelay $0x2  }
0xc0: {  	s31 =	sshll.u32 s1, $0xD;
	s1 =	sshrl.u32 s1, $0x2  }
0xc1: {  	s3 =	sand.u32 $0x4000, s31;
	s1 =	sadd.s32 s1, s30  }
0xc2: {  	s0 =	sor.u32 s3, s0;
	s1 =	sshll.u32 s1, $0x11  }
0xc3: {  	s0 =	sor.u32 s1, s0  }
0xc4: {  	s0 =	sadd.s32 $0x8F2B, s0  }
0xc5: {  	[sflag:s0] =	ssyncadd.remote.s32 $0x1  }
0xc6: {  	_ =	sfence.sel $0xFFFF  }
0xc7: {  	[dreg:$0x0] =	wrdreg $0xFFFFFFFF;
	(pc) =	sbr.abs _section_cstart, $3  }
0xc8: {  	[dreg:$0x1] =	wrdreg $0xFFFFFFFF  }
0xc9: {  	_ =	task.clear_ibuf [dreg:s9], $0x2FFFF;
	_ =	strace $0x9FFFFFFF  }
0xca: {  	(tm) =	ssettm $0x7FFFFFFF  }
0xcb: {  	_ =	shalt  }
tec
execute0_lowered:
.L_overlay_start_1:
0x0: {  	(tag) =	ssettag $0x1  }
0x1: {  	v0 =	vimm.f32 $1.500000000e+01  }
0x2: {  	vm14 =	vcmask $0x300;
	vm13 =	vcmask $0x704;
	vm12 =	vcmask $0xB08  }
0x3: {  	vm11 =	vcmask $0xF0C;
	vm10 =	vcmask $0x1310;
	vm9 =	vcmask $0x1714  }
0x4: {  	vm8 =	vcmask $0x1B18;
	vm7 =	vcmask $0x1F1C;
	vm6 =	vcmask $0x2320  }
0x5: {  	vm5 =	vcmask $0x2724;
	vm4 =	vcmask $0x2B28;
	vm3 =	vcmask $0x2F2C  }
0x6: {  	vm2 =	vcmask $0x3330;
	vm0 =	vcmask $0x3734;
	vm1 =	vcmask $0x3B38  }
0x7: {  	v2 =	vimm.s32 $0x1;
	v3 =	vimm.f32 $3.100000000e+01;
	v4 =	vimm.f32 $4.700000000e+01  }
0x8: {  	v5 =	vimm.f32 $6.300000000e+01;
	v6 =	vlaneseq.u32;
	v0 =	vsel vm14, $0x0, v0  }
0x9: {  	v3 =	vsel vm14, $0x41800000, v3;
	v4 =	vsel vm14, $0x42000000, v4;
	v5 =	vsel vm14, $0x42400000, v5  }
0xa: {  	v7 =	vor.u32 $0x10, v6;
	v8 =	vor.u32 $0x20, v6;
	v9 =	vor.u32 $0x30, v6  }
0xb: {  	v0 =	vsel vm13, $0x3F800000, v0;
	v3 =	vsel vm13, $0x41880000, v3;
	v4 =	vsel vm13, $0x42040000, v4  }
0xc: {  	v5 =	vsel vm13, $0x42440000, v5;
	v0 =	vsel vm12, $0x40000000, v0;
	v3 =	vsel vm12, $0x41900000, v3  }
0xd: {  	v4 =	vsel vm12, $0x42080000, v4;
	v5 =	vsel vm12, $0x42480000, v5;
	v0 =	vsel vm11, $0x40400000, v0  }
0xe: {  	v3 =	vsel vm11, $0x41980000, v3;
	v4 =	vsel vm11, $0x420C0000, v4;
	v5 =	vsel vm11, $0x424C0000, v5  }
0xf: {  	s6 =	rddreg [dreg:$0x0];
	v0 =	vsel vm10, $0x40800000, v0;
	v3 =	vsel vm10, $0x41A00000, v3;
	v4 =	vsel vm10, $0x42100000, v4  }
0x10: {  	s5 =	rddreg [dreg:$0x1];
	v5 =	vsel vm10, $0x42500000, v5;
	v0 =	vsel vm9, $0x40A00000, v0;
	v3 =	vsel vm9, $0x41A80000, v3  }
0x11: {  	s0 =	rddreg [dreg:$0x2];
	v4 =	vsel vm9, $0x42140000, v4;
	v5 =	vsel vm9, $0x42540000, v5;
	v0 =	vsel vm8, $0x40C00000, v0  }
0x12: {  	s7 =	rddreg [dreg:$0x3];
	v3 =	vsel vm8, $0x41B00000, v3;
	v4 =	vsel vm8, $0x42180000, v4;
	v5 =	vsel vm8, $0x42580000, v5  }
0x13: {  	s1 =	rddreg [dreg:$0x4];
	v0 =	vsel vm7, $0x40E00000, v0;
	v3 =	vsel vm7, $0x41B80000, v3;
	v4 =	vsel vm7, $0x421C0000, v4  }
0x14: {  	s2 =	simm.s32 $0x0;
	s4 =	srdreg.scid;
	s3 =	stileid.u32;
	v5 =	vsel vm7, $0x425C0000, v5;
	v0 =	vsel vm6, $0x41000000, v0;
	v3 =	vsel vm6, $0x41C00000, v3  }
0x15: {  	s12 =	simm.s32 $0x18100;
	s13 =	simm.s32 $0x18200;
	s14 =	simm.s32 $0x18180;
	v4 =	vsel vm6, $0x42200000, v4;
	v5 =	vsel vm6, $0x42600000, v5;
	v0 =	vsel vm5, $0x41100000, v0  }
0x16: {  	s15 =	simm.s32 $0x8000;
	s16 =	simm.s32 $0x18280;
	s17 =	simm.s32 $0x18380;
	v3 =	vsel vm5, $0x41C80000, v3;
	v4 =	vsel vm5, $0x42240000, v4;
	v5 =	vsel vm5, $0x42640000, v5  }
0x17: {  	s18 =	simm.s32 $0x18300;
	s19 =	simm.s32 $0x18400;
	s20 =	simm.s32 $0x0;
	v0 =	vsel vm4, $0x41200000, v0;
	v3 =	vsel vm4, $0x41D00000, v3;
	v4 =	vsel vm4, $0x42280000, v4  }
0x18: {  	[smem:$0x7FF] =	sst s2;
	s8 =	sand.u32 $0x1, s4;
	s4 =	sadd.s32 $0x1000, s5;
	v5 =	vsel vm4, $0x42680000, v5;
	v0 =	vsel vm3, $0x41300000, v0;
	v3 =	vsel vm3, $0x41D80000, v3  }
0x19: {  	s10 =	sshll.u32 s3, $0x1;
	s5 =	sadd.s32 $0xE00, s5;
	s9 =	ssub.s32 $0x2, s8;
	v4 =	vsel vm3, $0x422C0000, v4;
	v5 =	vsel vm3, $0x426C0000, v5;
	v1 =	vsel vm2, $0x41400000, v0  }
0x1a: {  	_ =	strace $0x80000047;
	s8 =	sor.u32 s8, s10;
	s11 =	sshrl.u32 s9, $0x1;
	v0 =	vimm.s32 $0x0;
	v3 =	vsel vm2, $0x41E00000, v3;
	v4 =	vsel vm2, $0x42300000, v4  }
0x1b: {  	s10 =	sshll.u32 s8, $0xC;
	s8 =	sshll.u32 s8, $0xD;
	s9 =	ssub.s32 s9, s11;
	v5 =	vsel vm2, $0x42700000, v5;
	v1 =	vsel vm0, $0x41500000, v1;
	v3 =	vsel vm0, $0x41E80000, v3  }
0x1c: {  	s6 =	sadd.s32 s6, s10;
	s7 =	sadd.s32 s7, s8;
	s10 =	simm.s32 $0x18000;
	v4 =	vsel vm0, $0x42340000, v4;
	v5 =	vsel vm0, $0x42740000, v5;
	v1 =	vsel vm1, $0x41600000, v1  }
0x1d: {  	s11 =	simm.s32 $0x18080;
	s8 =	smax.u32 s9, $0x1;
	s9 =	simm.s32 $0x1;
	v3 =	vsel vm1, $0x41F00000, v3;
	v4 =	vsel vm1, $0x42380000, v4;
	v5 =	vsel vm1, $0x42780000, v5  }
.LBB2_1:
0x1e: {  	[tilespmem:s2], [sflag:$0x1] =	stream.linear.gather [hbm4b:s6+s2], $0x8000, $0x38;
	[tilespmem:$0x18480] =	vst v63  }
0x1f: {  	_ =	swait.ge [sflag:s9], $0x8000  }
0x20: {  	[sflag:s9] =	ssyncset.done $0x0  }
0x21: {  	[sflag:s9] =	ssyncadd.s32 $0xFFFF8000  }
0x22: {  	[tilespmem:s10], [sflag:$0x1] =	stream.linear.gather [hbm4b:s4+s2], $0x80, $0x38;
	[tilespmem:$0x18480] =	vst v63  }
0x23: {  	_ =	swait.ge [sflag:s9], $0x80  }
0x24: {  	[sflag:s9] =	ssyncset.done $0x0  }
0x25: {  	[sflag:s9] =	ssyncadd.s32 $0xFFFFFF80  }
0x26: {  	[tilespmem:s11], [sflag:$0x1] =	stream.linear.gather [hbm4b:s0+s2], $0x80, $0x38;
	[tilespmem:$0x18480] =	vst v63  }
0x27: {  	_ =	swait.ge [sflag:s9], $0x80  }
0x28: {  	[sflag:s9] =	ssyncset.done $0x0  }
0x29: {  	[sflag:s9] =	ssyncadd.s32 $0xFFFFFF80  }
0x2a: {  	[tilespmem:s12], [sflag:$0x1] =	stream.linear.gather [hbm4b:s5+s2], $0x80, $0x38;
	[tilespmem:$0x18480] =	vst v63  }
0x2b: {  	_ =	swait.ge [sflag:s9], $0x80  }
0x2c: {  	[sflag:s9] =	ssyncset.done $0x0  }
0x2d: {  	[sflag:s9] =	ssyncadd.s32 $0xFFFFFF80  }
0x2e: {  	v10 =	vld [tilespmem:$0x18080]  }
0x2f: {  	v11 =	vld [tilespmem:$0x18090]  }
0x30: {  	v12 =	vld [tilespmem:$0x180A0]  }
0x31: {  	v13 =	vld [tilespmem:$0x180B0]  }
0x32: {  	v14 =	vld [tilespmem:$0x18100]  }
0x33: {  	v15 =	vld [tilespmem:$0x18110]  }
0x34: {  	v16 =	vld [tilespmem:$0x18120]  }
0x35: {  	s21 =	simm.s32 $0x40;
	s22 =	simm.s32 $0x80;
	s23 =	simm.s32 $0x20;
	v17 =	vld [tilespmem:$0x18130]  }
.LBB2_2:
0x36: {  	v18 =	vld [tilespmem:s23+$0xFFFFFFE0]  }
0x37: {  	v19 =	vld [tilespmem:s23+$0xFFFFFFF0]  }
0x38: {  	v20 =	vld [tilespmem:s23+$0x0]  }
0x39: {  	v21 =	vld [tilespmem:s23+$0x10];
	_ =	sdelay $0x4  }
0x3a: {  	v22 =	vmax.f32 v18, v19;
	v23 =	vmax.f32 v20, v21  }
0x3b: {  	v22 =	vmax.f32 v22, v23  }
0x3c: {  	(xrf0) =	vmax.scan.msk.f32 $0xffff, v22;
	_ =	sdelay $0x5  }
0x3d: {  	v22, _, _ =	vpop (xrf0)  }
0x3e: {  	v22 =	vbroadcast v22, $0xF;
	_ =	sdelay $0x1  }
0x3f: {  	v18 =	vsub.f32 v18, v22  }
0x40: {  	v19 =	vsub.f32 v19, v22  }
0x41: {  	v18 =	vmul.f32 $1.442695020e+00, v18  }
0x42: {  	v20 =	vsub.f32 v20, v22;
	v19 =	vmul.f32 $1.442695020e+00, v19  }
0x43: {  	(erf) = vpow2.f32 v18  }
0x44: {  	v18 =	vmul.f32 $1.442695020e+00, v20;
	(erf) = vpow2.f32 v19;
	v19 =	vsub.f32 v21, v22;
	_ =	sdelay $0x1  }
0x45: {  	(erf) = vpow2.f32 v18;
	v18 =	vmul.f32 $1.442695020e+00, v19;
	_ =	sdelay $0x1  }
0x46: {  	(erf) = vpow2.f32 v18;
	_ =	sdelay $0x3  }
0x47: {  	v18 =	vpop (erf)  }
0x48: {  	v19 =	vpop (erf);
	(xrf2) =	vadd.scan.msk.f32 $0xffff, v18  }
0x49: {  	(xrf2) =	vadd.scan.msk.f32 $0xffff, v19  }
0x4a: {  	v18 =	vpop (erf)  }
0x4b: {  	(xrf2) =	vadd.scan.msk.f32 $0xffff, v18  }
0x4c: {  	v18 =	vpop (erf)  }
0x4d: {  	(xrf2) =	vadd.scan.msk.f32 $0xffff, v18;
	_ =	sdelay $0x4  }
0x4e: {  	v18, _, _ =	vpop (xrf2)  }
0x4f: {  	v19, _, _ =	vpop (xrf2);
	(v2sf) =	vpush v18, $0xF  }
0x50: {  	(v2sf) =	vpush v19, $0xF  }
0x51: {  	v28, _, _ =	vpop (xrf2)  }
0x52: {  	(v2sf) =	vpush v28, $0xF  }
0x53: {  	v29, _, _ =	vpop (xrf2)  }
0x54: {  	(v2sf) =	vpush v29, $0xF  }
0x55: {  	(v2sf) =	vpush v18, $0x0  }
0x56: {  	(v2sf) =	vpush v29, $0xE;
	_ =	sdelay $0x7  }
0x57: {  	s24 =	spop (v2sf)  }
0x58: {  	s25 =	spop (v2sf)  }
0x59: {  	s24 =	sadd.f32 s25, s24  }
0x5a: {  	s30 =	spop (v2sf)  }
0x5b: {  	s25 =	sadd.f32 s24, s30  }
0x5c: {  	s26 =	spop (v2sf)  }
0x5d: {  	s26 =	sadd.f32 s25, s26;
	s28 =	spop (v2sf)  }
0x5e: {  	s29 =	spop (v2sf)  }
0x5f: {  	s29 =	sadd.f32 s25, s29;
	s26 =	smul.f32 $9.999999740e-06, s26  }
0x60: {  	_ = 	snop  }
0x61: {  	s28 =	ssub.f32 s29, s28;
	s31 =	smul.f32 $6.200000000e+01, s26  }
0x62: {  	_ = 	snop  }
0x63: {  	s28 =	sadd.f32 s31, s28;
	_ =	sdelay $0x1  }
0x64: {  	v30 =	vmov s28  }
0x65: {  	v22 =	vadd.f32 $0.0e+00, v30;
	_ =	sdelay $0x1  }
0x66: {  	v22 =	vbroadcast v22, $0x0;
	_ =	sdelay $0x1  }
0x67: {  	(erf) = vrcp.f32 v22;
	_ =	sdelay $0x3  }
0x68: {  	v31 =	vadd.f32 $0.0e+00, v18;
	v32 =	vbroadcast v18, $0x0;
	v18 =	vbroadcast v18, $0xF;
	_ =	sdelay $0x1  }
0x69: {  	v18 =	vadd.f32 v18, v19;
	v24 =	vmul.f32 s26, v1;
	v22 =	vsub.f32 v31, v32  }
0x6a: {  	v20 =	vadd.f32 s24, v28  }
0x6b: {  	v18 =	vsub.f32 v18, v32;
	v33 =	vmul.f32 s26, v3;
	v19 =	vadd.f32 v24, v22  }
0x6c: {  	v20 =	vsub.f32 v20, v32;
	v21 =	vadd.f32 s25, v29;
	v35 =	vmul.f32 s26, v4;
	v34 =	vpop (erf)  }
0x6d: {  	v18 =	vadd.f32 v33, v18;
	v19 =	vmul.f32 v34, v19  }
0x6e: {  	[tilespmem:$0x18200] =	vst v0;
	v21 =	vsub.f32 v21, v32;
	v36 =	vmul.f32 s26, v5;
	v20 =	vadd.f32 v35, v20  }
0x6f: {  	[tilespmem:$0x18280] =	vst v0;
	v18 =	vmul.f32 v34, v18;
	v25 =	vmul.f32 $6.300000000e+01, v19  }
0x70: {  	[tilespmem:$0x18210] =	vst v0;
	v21 =	vadd.f32 v36, v21;
	v20 =	vmul.f32 v34, v20  }
0x71: {  	[tilespmem:$0x18290] =	vst v0;
	v37 =	vmul.f32 $6.300000000e+01, v18;
	v26 =	vtrunc.f32 v25  }
0x72: {  	[tilespmem:$0x18220] =	vst v0;
	v21 =	vmul.f32 v34, v21;
	v38 =	vcvt.f32.s32 v26;
	vm0 =	vgt.f32 v25, v26  }
0x73: {  	[tilespmem:$0x182A0] =	vst v0;
	v27 =	vmul.f32 $6.300000000e+01, v20;
	v39 =	vtrunc.f32 v37;
	v26 =	vsel vm0, $0x1, v0  }
0x74: {  	[tilespmem:$0x18230] =	vst v0;
	v40 =	vcvt.f32.s32 v39;
	vm9 =	vgt.f32 v37, v39;
	v22 =	vadd.s32 v38, v26  }
0x75: {  	[tilespmem:$0x182B0] =	vst v0;
	v42 =	vmul.f32 $6.300000000e+01, v21;
	v41 =	vtrunc.f32 v27;
	v23 =	vsel vm9, $0x1, v0  }
0x76: {  	[tilespmem:$0x18240] =	vst v0;
	v43 =	vcvt.f32.s32 v41;
	vm10 =	vgt.f32 v27, v41;
	v23 =	vadd.s32 v40, v23  }
0x77: {  	[tilespmem:$0x182C0] =	vst v0;
	v44 =	vtrunc.f32 v42;
	v25 =	vsel vm10, $0x1, v0  }
0x78: {  	[tilespmem:$0x18180] =	vst v19;
	v45 =	vcvt.f32.s32 v44;
	vm11 =	vgt.f32 v42, v44;
	v19 =	vadd.s32 v43, v25  }
0x79: {  	v46 =	vsel vm11, $0x1, v0;
	[tilespmem:v22+s13+$0x0] =	vst.idx.add.s32.msk $0xffff, v2  }
0x7a: {  	[tilespmem:$0x18190] =	vst v18;
	v18 =	vadd.s32 v45, v46  }
0x7b: {  	[tilespmem:v23+s13+$0x0] =	vst.idx.add.s32.msk $0xffff, v2  }
0x7c: {  	[tilespmem:$0x181A0] =	vst v20  }
0x7d: {  	[tilespmem:v19+s13+$0x0] =	vst.idx.add.s32.msk $0xffff, v2  }
0x7e: {  	[tilespmem:$0x181B0] =	vst v21  }
0x7f: {  	[tilespmem:v18+s13+$0x0] =	vst.idx.add.s32.msk $0x7fff, v2  }
0x80: {  	v18 =	vld [tilespmem:$0x18200];
	_ =	sdelay $0x4  }
0x81: {  	(xrf0) =	vadd.scan.msk.s32 $0xffff, v18;
	_ =	sdelay $0x5  }
0x82: {  	v18, _, _ =	vpop (xrf0)  }
0x83: {  	v19 =	vadd.s32 $0xFFFFFFFF, v18;
	vm12 =	vlt.s32 v18, $0x3E  }
0x84: {  	v47 =	vnsel vm12, $0x3E, v18;
	_ =	sdelay $0x3  }
0x85: {  	v21 =	vld.idx.msk [tilespmem:v19+s14+$0x0], $0xffff  }
0x86: {  	v48 =	vld.idx.msk [tilespmem:v47+s14+$0x0], $0xffff;
	_ =	sdelay $0x4  }
0x87: {  	v22 =	vsub.f32 v48, v21;
	_ =	sdelay $0x1  }
0x88: {  	vm13 =	vlt.f32 v22, $9.999999740e-06  }
0x89: {  	v22 =	vsel vm13, $0x3F800000, v22  }
0x8a: {  	(erf) = vrcp.f32 v22;
	_ =	sdelay $0x3  }
0x8b: {  	v19 =	vld.idx.msk [tilespmem:v19+s10+$0x0], $0xffff  }
0x8c: {  	v20 =	vld.idx.msk [tilespmem:v47+s10+$0x0], $0xffff;
	_ =	sdelay $0x2  }
0x8d: {  	v21 =	vsub.f32 v10, v21  }
0x8e: {  	v22 =	vpop (erf)  }
0x8f: {  	v20 =	vsub.f32 v20, v19;
	v21 =	vmul.f32 v22, v21;
	_ =	sdelay $0x1  }
0x90: {  	v20 =	vmul.f32 v21, v20;
	_ =	sdelay $0x1  }
0x91: {  	v19 =	vadd.f32 v20, v19;
	_ =	sdelay $0x1  }
0x92: {  	v49 =	vld [tilespmem:$0x18210];
	v50 =	vadd.f32 $-2.000000000e+00, v19;
	_ =	sdelay $0x1  }
0x93: {  	v21 =	vmul.f32 $1.575000000e+01, v50;
	_ =	sdelay $0x1  }
0x94: {  	v21 =	vtrunc.f32 v21  }
0x95: {  	(xrf0) =	vadd.scan.msk.s32 $0xffff, v49;
	v51 =	vcvt.f32.s32 v21;
	_ =	sdelay $0x1  }
0x96: {  	v20 =	vadd.s32 $0x1, v51  }
0x97: {  	vm14 =	vgt.s32 v20, $0x0  }
0x98: {  	s28 =	sadd.s32 $0xFFFFFF80, s22;
	v20 =	vnsel vm14, $0x0, v20  }
0x99: {  	v52 =	vor.u32 s28, v6;
	v53 =	vbroadcast v18, $0xF;
	v20 =	vmin.u32 v20, $0x40  }
0x9a: {  	v54, _, _ =	vpop (xrf0);
	v55 =	vadd.s32 v52, v20  }
0x9b: {  	v22 =	vadd.s32 v53, v54  }
0x9c: {  	v56 =	vadd.s32 $0xFFFFFFFF, v22;
	vm15 =	vlt.s32 v22, $0x3E  }
0x9d: {  	v22 =	vnsel vm15, $0x3E, v22  }
0x9e: {  	v57 =	vld [tilespmem:$0x18220]  }
0x9f: {  	v58 =	vld [tilespmem:$0x18230];
	[tilespmem:v55+s15+$0x0] =	vst.idx.msk $0xffff, v19  }
0xa0: {  	[tilespmem:v20+s16+$0x0] =	vst.idx.add.s32.msk $0xffff, v2  }
0xa1: {  	v19 =	vld.idx.msk [tilespmem:v56+s14+$0x0], $0xffff  }
0xa2: {  	v20 =	vld.idx.msk [tilespmem:v22+s14+$0x0], $0xffff;
	_ =	sdelay $0x4  }
0xa3: {  	v20 =	vsub.f32 v20, v19;
	_ =	sdelay $0x1  }
0xa4: {  	vm4 =	vlt.f32 v20, $9.999999740e-06  }
0xa5: {  	v20 =	vsel vm4, $0x3F800000, v20  }
0xa6: {  	(erf) = vrcp.f32 v20;
	_ =	sdelay $0x3  }
0xa7: {  	v59 =	vld.idx.msk [tilespmem:v56+s10+$0x0], $0xffff  }
0xa8: {  	v22 =	vld.idx.msk [tilespmem:v22+s10+$0x0], $0xffff;
	_ =	sdelay $0x2  }
0xa9: {  	v19 =	vsub.f32 v11, v19  }
0xaa: {  	v60 =	vpop (erf)  }
0xab: {  	(v2sf) =	vpush v18, $0xF;
	v18 =	vmul.f32 v60, v19;
	v19 =	vsub.f32 v22, v59  }
0xac: {  	(v2sf) =	vpush v54, $0xF  }
0xad: {  	v18 =	vmul.f32 v18, v19;
	_ =	sdelay $0x1  }
0xae: {  	v18 =	vadd.f32 v18, v59;
	_ =	sdelay $0x1  }
0xaf: {  	v19 =	vadd.f32 $-2.000000000e+00, v18;
	_ =	sdelay $0x1  }
0xb0: {  	v19 =	vmul.f32 $1.575000000e+01, v19;
	_ =	sdelay $0x1  }
0xb1: {  	v19 =	vtrunc.f32 v19  }
0xb2: {  	(xrf0) =	vadd.scan.msk.s32 $0xffff, v57;
	v19 =	vcvt.f32.s32 v19;
	_ =	sdelay $0x1  }
0xb3: {  	v19 =	vadd.s32 $0x1, v19  }
0xb4: {  	vm5 =	vgt.s32 v19, $0x0  }
0xb5: {  	s29 =	spop (v2sf);
	v19 =	vnsel vm5, $0x0, v19  }
0xb6: {  	v61 =	vor.u32 s28, v7;
	s30 =	spop (v2sf);
	v19 =	vmin.u32 v19, $0x40  }
0xb7: {  	v62, _, _ =	vpop (xrf0);
	s25 =	sadd.s32 s29, s30;
	v63 =	vadd.s32 v61, v19  }
0xb8: {  	v28 =	vadd.s32 s25, v62  }
0xb9: {  	v29 =	vadd.s32 $0xFFFFFFFF, v28;
	vm6 =	vlt.s32 v28, $0x3E  }
0xba: {  	v24 =	vnsel vm6, $0x3E, v28;
	_ =	sdelay $0x1  }
0xbb: {  	[tilespmem:v63+s15+$0x0] =	vst.idx.msk $0xffff, v18  }
0xbc: {  	[tilespmem:v19+s16+$0x0] =	vst.idx.add.s32.msk $0xffff, v2  }
0xbd: {  	v18 =	vld.idx.msk [tilespmem:v29+s14+$0x0], $0xffff  }
0xbe: {  	v19 =	vld.idx.msk [tilespmem:v24+s14+$0x0], $0xffff;
	_ =	sdelay $0x4  }
0xbf: {  	v19 =	vsub.f32 v19, v18;
	_ =	sdelay $0x1  }
0xc0: {  	vm7 =	vlt.f32 v19, $9.999999740e-06  }
0xc1: {  	v19 =	vsel vm7, $0x3F800000, v19  }
0xc2: {  	(erf) = vrcp.f32 v19;
	_ =	sdelay $0x3  }
0xc3: {  	v23 =	vld.idx.msk [tilespmem:v24+s10+$0x0], $0xffff  }
0xc4: {  	v19 =	vld.idx.msk [tilespmem:v29+s10+$0x0], $0xffff;
	_ =	sdelay $0x2  }
0xc5: {  	v18 =	vsub.f32 v12, v18  }
0xc6: {  	v30 =	vpop (erf)  }
0xc7: {  	v23 =	vsub.f32 v23, v19;
	v18 =	vmul.f32 v30, v18  }
0xc8: {  	(v2sf) =	vpush v62, $0xF  }
0xc9: {  	v18 =	vmul.f32 v18, v23;
	_ =	sdelay $0x1  }
0xca: {  	v18 =	vadd.f32 v18, v19;
	_ =	sdelay $0x1  }
0xcb: {  	v19 =	vadd.f32 $-2.000000000e+00, v18;
	_ =	sdelay $0x1  }
0xcc: {  	v19 =	vmul.f32 $1.575000000e+01, v19;
	_ =	sdelay $0x1  }
0xcd: {  	v19 =	vtrunc.f32 v19  }
0xce: {  	(xrf0) =	vadd.scan.msk.s32 $0xffff, v58;
	v19 =	vcvt.f32.s32 v19;
	_ =	sdelay $0x1  }
0xcf: {  	v19 =	vadd.s32 $0x1, v19  }
0xd0: {  	vm8 =	vgt.s32 v19, $0x0  }
0xd1: {  	v19 =	vnsel vm8, $0x0, v19  }
0xd2: {  	v31 =	vor.u32 s28, v8;
	s31 =	spop (v2sf);
	v19 =	vmin.u32 v19, $0x40  }
0xd3: {  	v32, _, _ =	vpop (xrf0);
	s25 =	sadd.s32 s31, s25;
	v33 =	vadd.s32 v31, v19  }
0xd4: {  	v23 =	vadd.s32 s25, v32  }
0xd5: {  	v34 =	vadd.s32 $0xFFFFFFFF, v23;
	vm9 =	vlt.s32 v23, $0x3E  }
0xd6: {  	v23 =	vnsel vm9, $0x3E, v23;
	_ =	sdelay $0x1  }
0xd7: {  	[tilespmem:v33+s15+$0x0] =	vst.idx.msk $0xffff, v18  }
0xd8: {  	[tilespmem:v19+s16+$0x0] =	vst.idx.add.s32.msk $0xffff, v2  }
0xd9: {  	v18 =	vld.idx.msk [tilespmem:v34+s14+$0x0], $0xffff  }
0xda: {  	v19 =	vld.idx.msk [tilespmem:v23+s14+$0x0], $0xffff;
	_ =	sdelay $0x4  }
0xdb: {  	v19 =	vsub.f32 v19, v18;
	_ =	sdelay $0x1  }
0xdc: {  	vm10 =	vlt.f32 v19, $9.999999740e-06  }
0xdd: {  	v19 =	vsel vm10, $0x3F800000, v19  }
0xde: {  	(erf) = vrcp.f32 v19;
	_ =	sdelay $0x3  }
0xdf: {  	v23 =	vld.idx.msk [tilespmem:v23+s10+$0x0], $0xffff  }
0xe0: {  	v19 =	vld.idx.msk [tilespmem:v34+s10+$0x0], $0xffff;
	_ =	sdelay $0x2  }
0xe1: {  	v18 =	vsub.f32 v13, v18  }
0xe2: {  	v35 =	vpop (erf)  }
0xe3: {  	v23 =	vsub.f32 v23, v19;
	v18 =	vmul.f32 v35, v18;
	_ =	sdelay $0x1  }
0xe4: {  	v18 =	vmul.f32 v18, v23;
	_ =	sdelay $0x1  }
0xe5: {  	v18 =	vadd.f32 v18, v19;
	_ =	sdelay $0x1  }
0xe6: {  	v19 =	vadd.f32 $-2.000000000e+00, v18;
	_ =	sdelay $0x1  }
0xe7: {  	v19 =	vmul.f32 $1.575000000e+01, v19;
	_ =	sdelay $0x1  }
0xe8: {  	v19 =	vtrunc.f32 v19  }
0xe9: {  	v19 =	vcvt.f32.s32 v19;
	_ =	sdelay $0x1  }
0xea: {  	v19 =	vadd.s32 $0x1, v19  }
0xeb: {  	vm11 =	vgt.s32 v19, $0x0  }
0xec: {  	v19 =	vnsel vm11, $0x0, v19  }
0xed: {  	v36 =	vor.u32 s28, v9;
	v19 =	vmin.u32 v19, $0x40  }
0xee: {  	v37 =	vadd.s32 v36, v19;
	_ =	sdelay $0x4  }
0xef: {  	[tilespmem:v37+s15+$0x0] =	vst.idx.msk $0xffff, v18  }
0xf0: {  	[tilespmem:v19+s16+$0x0] =	vst.idx.add.s32.msk $0xffff, v2  }
0xf1: {  	v18 =	vld [tilespmem:$0x18280]  }
0xf2: {  	v19 =	vld [tilespmem:$0x18290]  }
0xf3: {  	v24 =	vld [tilespmem:$0x182A0];
	_ =	sdelay $0x2  }
0xf4: {  	(xrf0) =	vadd.scan.msk.s32 $0xffff, v18  }
0xf5: {  	(xrf0) =	vadd.scan.msk.s32 $0xffff, v19  }
0xf6: {  	(xrf0) =	vadd.scan.msk.s32 $0xffff, v24;
	_ =	sdelay $0x3  }
0xf7: {  	v18, _, _ =	vpop (xrf0)  }
0xf8: {  	v19, _, _ =	vpop (xrf0);
	(v2sf) =	vpush v18, $0xF  }
0xf9: {  	v24, _, _ =	vpop (xrf0);
	(v2sf) =	vpush v19, $0xF  }
0xfa: {  	(v2sf) =	vpush v24, $0xF;
	_ =	sdelay $0x3  }
0xfb: {  	v38 =	vld [tilespmem:$0x182B0];
	_ =	sdelay $0x4  }
0xfc: {  	(xrf0) =	vadd.scan.msk.s32 $0xffff, v38;
	_ =	sdelay $0x3  }
0xfd: {  	v39 =	vbroadcast v18, $0xF;
	s26 =	spop (v2sf)  }
0xfe: {  	v18 =	vadd.s32 v52, v18;
	v19 =	vadd.s32 v61, v19;
	s28 =	spop (v2sf)  }
0xff: {  	v19 =	vadd.s32 v39, v19;
	v41 =	vadd.s32 v31, v24;
	v40, _, _ =	vpop (xrf0);
	s24 =	sadd.s32 s26, s28;
	s29 =	spop (v2sf)  }
0x100: {  	v20 =	vadd.s32 v36, v40;
	s25 =	sadd.s32 s29, s24;
	v21 =	vadd.s32 s24, v41  }
0x101: {  	v20 =	vadd.s32 s25, v20;
	_ =	sdelay $0x1  }
0x102: {  	[tilespmem:v18+s15+$0x0] =	vst.idx.msk $0xffff, v14  }
0x103: {  	[tilespmem:v19+s15+$0x0] =	vst.idx.msk $0xffff, v15  }
0x104: {  	[tilespmem:v21+s15+$0x0] =	vst.idx.msk $0xffff, v16  }
0x105: {  	[tilespmem:v20+s15+$0x0] =	vst.idx.msk $0xffff, v17  }
0x106: {  	s30 =	sor.u32 $0x50, s21;
	v18 =	vld [tilespmem:s23+$0x20]  }
0x107: {  	s31 =	sor.u32 $0x60, s21;
	v19 =	vld [tilespmem:s30+$0x0]  }
0x108: {  	s25 =	sor.u32 $0x70, s21;
	v20 =	vld [tilespmem:s31+$0x0]  }
0x109: {  	v21 =	vld [tilespmem:s25+$0x0];
	_ =	sdelay $0x4  }
0x10a: {  	v42 =	vmax.f32 v18, v19;
	v43 =	vmax.f32 v20, v21  }
0x10b: {  	v22 =	vmax.f32 v42, v43  }
0x10c: {  	(xrf0) =	vmax.scan.msk.f32 $0xffff, v22;
	_ =	sdelay $0x5  }
0x10d: {  	v22, _, _ =	vpop (xrf0)  }
0x10e: {  	v22 =	vbroadcast v22, $0xF;
	_ =	sdelay $0x1  }
0x10f: {  	v18 =	vsub.f32 v18, v22  }
0x110: {  	v19 =	vsub.f32 v19, v22  }
0x111: {  	v18 =	vmul.f32 $1.442695020e+00, v18  }
0x112: {  	v20 =	vsub.f32 v20, v22;
	v19 =	vmul.f32 $1.442695020e+00, v19  }
0x113: {  	(erf) = vpow2.f32 v18  }
0x114: {  	v18 =	vmul.f32 $1.442695020e+00, v20;
	(erf) = vpow2.f32 v19;
	v19 =	vsub.f32 v21, v22;
	_ =	sdelay $0x1  }
0x115: {  	(erf) = vpow2.f32 v18;
	v18 =	vmul.f32 $1.442695020e+00, v19;
	_ =	sdelay $0x1  }
0x116: {  	(erf) = vpow2.f32 v18;
	_ =	sdelay $0x3  }
0x117: {  	v18 =	vpop (erf)  }
0x118: {  	v19 =	vpop (erf);
	(xrf2) =	vadd.scan.msk.f32 $0xffff, v18  }
0x119: {  	(xrf2) =	vadd.scan.msk.f32 $0xffff, v19  }
0x11a: {  	v18 =	vpop (erf)  }
0x11b: {  	(xrf2) =	vadd.scan.msk.f32 $0xffff, v18  }
0x11c: {  	v18 =	vpop (erf)  }
0x11d: {  	(xrf2) =	vadd.scan.msk.f32 $0xffff, v18;
	_ =	sdelay $0x4  }
0x11e: {  	v18, _, _ =	vpop (xrf2)  }
0x11f: {  	v19, _, _ =	vpop (xrf2);
	(v2sf) =	vpush v18, $0xF  }
0x120: {  	(v2sf) =	vpush v19, $0xF  }
0x121: {  	v44, _, _ =	vpop (xrf2)  }
0x122: {  	(v2sf) =	vpush v44, $0xF  }
0x123: {  	v45, _, _ =	vpop (xrf2)  }
0x124: {  	(v2sf) =	vpush v45, $0xF  }
0x125: {  	(v2sf) =	vpush v18, $0x0  }
0x126: {  	(v2sf) =	vpush v45, $0xE;
	_ =	sdelay $0x7  }
0x127: {  	s26 =	spop (v2sf)  }
0x128: {  	s28 =	spop (v2sf)  }
0x129: {  	s24 =	sadd.f32 s28, s26  }
0x12a: {  	s29 =	spop (v2sf)  }
0x12b: {  	s25 =	sadd.f32 s24, s29  }
0x12c: {  	s30 =	spop (v2sf)  }
0x12d: {  	s26 =	sadd.f32 s25, s30;
	s31 =	spop (v2sf)  }
0x12e: {  	s30 =	spop (v2sf)  }
0x12f: {  	s29 =	sadd.f32 s25, s30;
	s26 =	smul.f32 $9.999999740e-06, s26  }
0x130: {  	_ = 	snop  }
0x131: {  	s28 =	ssub.f32 s29, s31;
	s31 =	smul.f32 $6.200000000e+01, s26  }
0x132: {  	_ = 	snop  }
0x133: {  	s28 =	sadd.f32 s31, s28;
	_ =	sdelay $0x1  }
0x134: {  	v46 =	vmov s28  }
0x135: {  	v22 =	vadd.f32 $0.0e+00, v46;
	_ =	sdelay $0x1  }
0x136: {  	v22 =	vbroadcast v22, $0x0;
	_ =	sdelay $0x1  }
0x137: {  	(erf) = vrcp.f32 v22;
	_ =	sdelay $0x3  }
0x138: {  	v47 =	vadd.f32 $0.0e+00, v18;
	v48 =	vbroadcast v18, $0x0;
	v18 =	vbroadcast v18, $0xF;
	_ =	sdelay $0x1  }
0x139: {  	v18 =	vadd.f32 v18, v19;
	v49 =	vmul.f32 s26, v1;
	v22 =	vsub.f32 v47, v48  }
0x13a: {  	v20 =	vadd.f32 s24, v44  }
0x13b: {  	v18 =	vsub.f32 v18, v48;
	v50 =	vmul.f32 s26, v3;
	v19 =	vadd.f32 v49, v22  }
0x13c: {  	v20 =	vsub.f32 v20, v48;
	v21 =	vadd.f32 s25, v45;
	v52 =	vmul.f32 s26, v4;
	v51 =	vpop (erf)  }
0x13d: {  	v18 =	vadd.f32 v50, v18;
	v19 =	vmul.f32 v51, v19  }
0x13e: {  	[tilespmem:$0x18380] =	vst v0;
	v21 =	vsub.f32 v21, v48;
	v54 =	vmul.f32 s26, v5;
	v20 =	vadd.f32 v52, v20  }
0x13f: {  	[tilespmem:$0x18400] =	vst v0;
	v18 =	vmul.f32 v51, v18;
	v53 =	vmul.f32 $6.300000000e+01, v19  }
0x140: {  	[tilespmem:$0x18390] =	vst v0;
	v21 =	vadd.f32 v54, v21;
	v20 =	vmul.f32 v51, v20  }
0x141: {  	[tilespmem:$0x18410] =	vst v0;
	v55 =	vmul.f32 $6.300000000e+01, v18;
	v56 =	vtrunc.f32 v53  }
0x142: {  	[tilespmem:$0x183A0] =	vst v0;
	v21 =	vmul.f32 v51, v21;
	v57 =	vcvt.f32.s32 v56;
	vm12 =	vgt.f32 v53, v56  }
0x143: {  	[tilespmem:$0x18420] =	vst v0;
	v59 =	vmul.f32 $6.300000000e+01, v20;
	v58 =	vtrunc.f32 v55;
	v26 =	vsel vm12, $0x1, v0  }
0x144: {  	[tilespmem:$0x183B0] =	vst v0;
	v60 =	vcvt.f32.s32 v58;
	vm13 =	vgt.f32 v55, v58;
	v22 =	vadd.s32 v57, v26  }
0x145: {  	[tilespmem:$0x18430] =	vst v0;
	v62 =	vmul.f32 $6.300000000e+01, v21;
	v61 =	vtrunc.f32 v59;
	v23 =	vsel vm13, $0x1, v0  }
0x146: {  	[tilespmem:$0x183C0] =	vst v0;
	v63 =	vcvt.f32.s32 v61;
	vm14 =	vgt.f32 v59, v61;
	v23 =	vadd.s32 v60, v23  }
0x147: {  	[tilespmem:$0x18440] =	vst v0;
	v30 =	vtrunc.f32 v62;
	v25 =	vsel vm14, $0x1, v0  }
0x148: {  	[tilespmem:$0x18300] =	vst v19;
	v31 =	vcvt.f32.s32 v30;
	vm15 =	vgt.f32 v62, v30;
	v19 =	vadd.s32 v63, v25  }
0x149: {  	v32 =	vsel vm15, $0x1, v0;
	[tilespmem:v22+s17+$0x0] =	vst.idx.add.s32.msk $0xffff, v2  }
0x14a: {  	[tilespmem:$0x18310] =	vst v18;
	v18 =	vadd.s32 v31, v32  }
0x14b: {  	[tilespmem:v23+s17+$0x0] =	vst.idx.add.s32.msk $0xffff, v2  }
0x14c: {  	[tilespmem:$0x18320] =	vst v20  }
0x14d: {  	[tilespmem:v19+s17+$0x0] =	vst.idx.add.s32.msk $0xffff, v2  }
0x14e: {  	[tilespmem:$0x18330] =	vst v21  }
0x14f: {  	[tilespmem:v18+s17+$0x0] =	vst.idx.add.s32.msk $0x7fff, v2  }
0x150: {  	v18 =	vld [tilespmem:$0x18380];
	_ =	sdelay $0x4  }
0x151: {  	(xrf0) =	vadd.scan.msk.s32 $0xffff, v18;
	_ =	sdelay $0x5  }
0x152: {  	v18, _, _ =	vpop (xrf0)  }
0x153: {  	v19 =	vadd.s32 $0xFFFFFFFF, v18;
	vm4 =	vlt.s32 v18, $0x3E  }
0x154: {  	v33 =	vnsel vm4, $0x3E, v18;
	_ =	sdelay $0x3  }
0x155: {  	v21 =	vld.idx.msk [tilespmem:v19+s18+$0x0], $0xffff  }
0x156: {  	v34 =	vld.idx.msk [tilespmem:v33+s18+$0x0], $0xffff;
	_ =	sdelay $0x4  }
0x157: {  	v22 =	vsub.f32 v34, v21;
	_ =	sdelay $0x1  }
0x158: {  	vm5 =	vlt.f32 v22, $9.999999740e-06  }
0x159: {  	v22 =	vsel vm5, $0x3F800000, v22  }
0x15a: {  	(erf) = vrcp.f32 v22;
	_ =	sdelay $0x3  }
0x15b: {  	v19 =	vld.idx.msk [tilespmem:v19+s10+$0x0], $0xffff  }
0x15c: {  	v20 =	vld.idx.msk [tilespmem:v33+s10+$0x0], $0xffff;
	_ =	sdelay $0x2  }
0x15d: {  	v21 =	vsub.f32 v10, v21  }
0x15e: {  	v22 =	vpop (erf)  }
0x15f: {  	v20 =	vsub.f32 v20, v19;
	v21 =	vmul.f32 v22, v21;
	_ =	sdelay $0x1  }
0x160: {  	v20 =	vmul.f32 v21, v20;
	_ =	sdelay $0x1  }
0x161: {  	v19 =	vadd.f32 v20, v19;
	_ =	sdelay $0x1  }
0x162: {  	v35 =	vld [tilespmem:$0x18390];
	v36 =	vadd.f32 $-2.000000000e+00, v19;
	_ =	sdelay $0x1  }
0x163: {  	v21 =	vmul.f32 $1.575000000e+01, v36;
	_ =	sdelay $0x1  }
0x164: {  	v21 =	vtrunc.f32 v21  }
0x165: {  	(xrf0) =	vadd.scan.msk.s32 $0xffff, v35;
	v37 =	vcvt.f32.s32 v21;
	_ =	sdelay $0x1  }
0x166: {  	v20 =	vadd.s32 $0x1, v37  }
0x167: {  	vm6 =	vgt.s32 v20, $0x0  }
0x168: {  	v20 =	vnsel vm6, $0x0, v20  }
0x169: {  	v38 =	vor.u32 s22, v6;
	v39 =	vbroadcast v18, $0xF;
	v20 =	vmin.u32 v20, $0x40  }
0x16a: {  	v40, _, _ =	vpop (xrf0);
	v41 =	vadd.s32 v38, v20  }
0x16b: {  	v22 =	vadd.s32 v39, v40  }
0x16c: {  	v42 =	vadd.s32 $0xFFFFFFFF, v22;
	vm7 =	vlt.s32 v22, $0x3E  }
0x16d: {  	v22 =	vnsel vm7, $0x3E, v22  }
0x16e: {  	v43 =	vld [tilespmem:$0x183A0]  }
0x16f: {  	v44 =	vld [tilespmem:$0x183B0];
	[tilespmem:v41+s15+$0x0] =	vst.idx.msk $0xffff, v19  }
0x170: {  	[tilespmem:v20+s19+$0x0] =	vst.idx.add.s32.msk $0xffff, v2  }
0x171: {  	v19 =	vld.idx.msk [tilespmem:v42+s18+$0x0], $0xffff  }
0x172: {  	v20 =	vld.idx.msk [tilespmem:v22+s18+$0x0], $0xffff;
	_ =	sdelay $0x4  }
0x173: {  	v20 =	vsub.f32 v20, v19;
	_ =	sdelay $0x1  }
0x174: {  	vm8 =	vlt.f32 v20, $9.999999740e-06  }
0x175: {  	v20 =	vsel vm8, $0x3F800000, v20  }
0x176: {  	(erf) = vrcp.f32 v20;
	_ =	sdelay $0x3  }
0x177: {  	v45 =	vld.idx.msk [tilespmem:v42+s10+$0x0], $0xffff  }
0x178: {  	v22 =	vld.idx.msk [tilespmem:v22+s10+$0x0], $0xffff;
	_ =	sdelay $0x2  }
0x179: {  	v19 =	vsub.f32 v11, v19  }
0x17a: {  	v46 =	vpop (erf)  }
0x17b: {  	(v2sf) =	vpush v18, $0xF;
	v18 =	vmul.f32 v46, v19;
	v19 =	vsub.f32 v22, v45  }
0x17c: {  	(v2sf) =	vpush v40, $0xF  }
0x17d: {  	v18 =	vmul.f32 v18, v19;
	_ =	sdelay $0x1  }
0x17e: {  	v18 =	vadd.f32 v18, v45;
	_ =	sdelay $0x1  }
0x17f: {  	v19 =	vadd.f32 $-2.000000000e+00, v18;
	_ =	sdelay $0x1  }
0x180: {  	v19 =	vmul.f32 $1.575000000e+01, v19;
	_ =	sdelay $0x1  }
0x181: {  	v19 =	vtrunc.f32 v19  }
0x182: {  	(xrf0) =	vadd.scan.msk.s32 $0xffff, v43;
	v19 =	vcvt.f32.s32 v19;
	_ =	sdelay $0x1  }
0x183: {  	v19 =	vadd.s32 $0x1, v19  }
0x184: {  	vm9 =	vgt.s32 v19, $0x0  }
0x185: {  	s25 =	spop (v2sf);
	v19 =	vnsel vm9, $0x0, v19  }
0x186: {  	v47 =	vor.u32 s22, v7;
	s26 =	spop (v2sf);
	v19 =	vmin.u32 v19, $0x40  }
0x187: {  	v48, _, _ =	vpop (xrf0);
	s24 =	sadd.s32 s25, s26;
	v49 =	vadd.s32 v47, v19  }
0x188: {  	v50 =	vadd.s32 s24, v48  }
0x189: {  	v51 =	vadd.s32 $0xFFFFFFFF, v50;
	vm10 =	vlt.s32 v50, $0x3E  }
0x18a: {  	v24 =	vnsel vm10, $0x3E, v50;
	_ =	sdelay $0x1  }
0x18b: {  	[tilespmem:v49+s15+$0x0] =	vst.idx.msk $0xffff, v18  }
0x18c: {  	[tilespmem:v19+s19+$0x0] =	vst.idx.add.s32.msk $0xffff, v2  }
0x18d: {  	v18 =	vld.idx.msk [tilespmem:v51+s18+$0x0], $0xffff  }
0x18e: {  	v19 =	vld.idx.msk [tilespmem:v24+s18+$0x0], $0xffff;
	_ =	sdelay $0x4  }
0x18f: {  	v19 =	vsub.f32 v19, v18;
	_ =	sdelay $0x1  }
0x190: {  	vm11 =	vlt.f32 v19, $9.999999740e-06  }
0x191: {  	v19 =	vsel vm11, $0x3F800000, v19  }
0x192: {  	(erf) = vrcp.f32 v19;
	_ =	sdelay $0x3  }
0x193: {  	v23 =	vld.idx.msk [tilespmem:v24+s10+$0x0], $0xffff  }
0x194: {  	v19 =	vld.idx.msk [tilespmem:v51+s10+$0x0], $0xffff;
	_ =	sdelay $0x2  }
0x195: {  	v18 =	vsub.f32 v12, v18  }
0x196: {  	v52 =	vpop (erf)  }
0x197: {  	v23 =	vsub.f32 v23, v19;
	v18 =	vmul.f32 v52, v18  }
0x198: {  	(v2sf) =	vpush v48, $0xF  }
0x199: {  	v18 =	vmul.f32 v18, v23;
	_ =	sdelay $0x1  }
0x19a: {  	v18 =	vadd.f32 v18, v19;
	_ =	sdelay $0x1  }
0x19b: {  	v19 =	vadd.f32 $-2.000000000e+00, v18;
	_ =	sdelay $0x1  }
0x19c: {  	v19 =	vmul.f32 $1.575000000e+01, v19;
	_ =	sdelay $0x1  }
0x19d: {  	v19 =	vtrunc.f32 v19  }
0x19e: {  	(xrf0) =	vadd.scan.msk.s32 $0xffff, v44;
	v19 =	vcvt.f32.s32 v19;
	_ =	sdelay $0x1  }
0x19f: {  	v19 =	vadd.s32 $0x1, v19  }
0x1a0: {  	vm12 =	vgt.s32 v19, $0x0  }
0x1a1: {  	v19 =	vnsel vm12, $0x0, v19  }
0x1a2: {  	v53 =	vor.u32 s22, v8;
	s28 =	spop (v2sf);
	v19 =	vmin.u32 v19, $0x40  }
0x1a3: {  	v54, _, _ =	vpop (xrf0);
	s24 =	sadd.s32 s28, s24;
	v55 =	vadd.s32 v53, v19  }
0x1a4: {  	v23 =	vadd.s32 s24, v54  }
0x1a5: {  	v56 =	vadd.s32 $0xFFFFFFFF, v23;
	vm13 =	vlt.s32 v23, $0x3E  }
0x1a6: {  	v23 =	vnsel vm13, $0x3E, v23;
	_ =	sdelay $0x1  }
0x1a7: {  	[tilespmem:v55+s15+$0x0] =	vst.idx.msk $0xffff, v18  }
0x1a8: {  	[tilespmem:v19+s19+$0x0] =	vst.idx.add.s32.msk $0xffff, v2  }
0x1a9: {  	v18 =	vld.idx.msk [tilespmem:v56+s18+$0x0], $0xffff  }
0x1aa: {  	v19 =	vld.idx.msk [tilespmem:v23+s18+$0x0], $0xffff;
	_ =	sdelay $0x4  }
0x1ab: {  	v19 =	vsub.f32 v19, v18;
	_ =	sdelay $0x1  }
0x1ac: {  	vm14 =	vlt.f32 v19, $9.999999740e-06  }
0x1ad: {  	v19 =	vsel vm14, $0x3F800000, v19  }
0x1ae: {  	(erf) = vrcp.f32 v19;
	_ =	sdelay $0x3  }
0x1af: {  	v23 =	vld.idx.msk [tilespmem:v23+s10+$0x0], $0xffff  }
0x1b0: {  	v19 =	vld.idx.msk [tilespmem:v56+s10+$0x0], $0xffff;
	_ =	sdelay $0x2  }
0x1b1: {  	v18 =	vsub.f32 v13, v18  }
0x1b2: {  	v57 =	vpop (erf)  }
0x1b3: {  	v23 =	vsub.f32 v23, v19;
	v18 =	vmul.f32 v57, v18;
	_ =	sdelay $0x1  }
0x1b4: {  	v18 =	vmul.f32 v18, v23;
	_ =	sdelay $0x1  }
0x1b5: {  	v18 =	vadd.f32 v18, v19;
	_ =	sdelay $0x1  }
0x1b6: {  	v19 =	vadd.f32 $-2.000000000e+00, v18;
	_ =	sdelay $0x1  }
0x1b7: {  	v19 =	vmul.f32 $1.575000000e+01, v19;
	_ =	sdelay $0x1  }
0x1b8: {  	v19 =	vtrunc.f32 v19  }
0x1b9: {  	v19 =	vcvt.f32.s32 v19;
	_ =	sdelay $0x1  }
0x1ba: {  	v19 =	vadd.s32 $0x1, v19  }
0x1bb: {  	vm15 =	vgt.s32 v19, $0x0  }
0x1bc: {  	v19 =	vnsel vm15, $0x0, v19  }
0x1bd: {  	v58 =	vor.u32 s22, v9;
	v19 =	vmin.u32 v19, $0x40  }
0x1be: {  	v59 =	vadd.s32 v58, v19;
	_ =	sdelay $0x4  }
0x1bf: {  	[tilespmem:v59+s15+$0x0] =	vst.idx.msk $0xffff, v18  }
0x1c0: {  	[tilespmem:v19+s19+$0x0] =	vst.idx.add.s32.msk $0xffff, v2  }
0x1c1: {  	v18 =	vld [tilespmem:$0x18400]  }
0x1c2: {  	v19 =	vld [tilespmem:$0x18410]  }
0x1c3: {  	v24 =	vld [tilespmem:$0x18420];
	_ =	sdelay $0x2  }
0x1c4: {  	(xrf0) =	vadd.scan.msk.s32 $0xffff, v18  }
0x1c5: {  	(xrf0) =	vadd.scan.msk.s32 $0xffff, v19  }
0x1c6: {  	(xrf0) =	vadd.scan.msk.s32 $0xffff, v24;
	_ =	sdelay $0x3  }
0x1c7: {  	v18, _, _ =	vpop (xrf0)  }
0x1c8: {  	v19, _, _ =	vpop (xrf0);
	(v2sf) =	vpush v18, $0xF  }
0x1c9: {  	v24, _, _ =	vpop (xrf0);
	(v2sf) =	vpush v19, $0xF  }
0x1ca: {  	(v2sf) =	vpush v24, $0xF;
	_ =	sdelay $0x3  }
0x1cb: {  	v60 =	vld [tilespmem:$0x18430];
	_ =	sdelay $0x4  }
0x1cc: {  	(xrf0) =	vadd.scan.msk.s32 $0xffff, v60;
	_ =	sdelay $0x3  }
0x1cd: {  	v61 =	vbroadcast v18, $0xF;
	s29 =	spop (v2sf)  }
0x1ce: {  	v18 =	vadd.s32 v38, v18;
	v19 =	vadd.s32 v47, v19;
	s30 =	spop (v2sf)  }
0x1cf: {  	v19 =	vadd.s32 v61, v19;
	v63 =	vadd.s32 v53, v24;
	v62, _, _ =	vpop (xrf0);
	s24 =	sadd.s32 s29, s30;
	s31 =	spop (v2sf)  }
0x1d0: {  	v20 =	vadd.s32 v58, v62;
	s25 =	sadd.s32 s31, s24;
	v21 =	vadd.s32 s24, v63  }
0x1d1: {  	p0 =	sne.s32 s21, $0x7FC0;
	v20 =	vadd.s32 s25, v20  }
.Ltmp0:
0x1d2: {  	_ = 	snop;
	(pc) =	sbr.rel @p0 .LBB2_2-.Ltmp0, $4  }
0x1d3: {  	[tilespmem:v18+s15+$0x0] =	vst.idx.msk $0xffff, v14  }
0x1d4: {  	[tilespmem:v19+s15+$0x0] =	vst.idx.msk $0xffff, v15  }
0x1d5: {  	[tilespmem:v21+s15+$0x0] =	vst.idx.msk $0xffff, v16  }
0x1d6: {  	s21 =	sadd.s32 $0x80, s21;
	s23 =	sadd.s32 $0x80, s23;
	s22 =	sadd.s32 $0x100, s22;
	[tilespmem:v20+s15+$0x0] =	vst.idx.msk $0xffff, v17  }
0x1d7: {  	s20 =	sadd.s32 $0x1, s20  }
0x1d8: {  	p0 =	sne.s32 s20, s8  }
.Ltmp1:
0x1d9: {  	_ = 	snop;
	(pc) =	sbr.rel @p0 .LBB2_1-.Ltmp1, $4  }
0x1da: {  	[hbm4b:s7+s2] =	stream.linear.scatter [tilespmem:s15], [sflag:$0x1], $0x10000, $0x38;
	[tilespmem:$0x18480] =	vst v63  }
0x1db: {  	_ =	swait.ge [sflag:s9], $0x10000  }
0x1dc: {  	[sflag:s9] =	ssyncset.done $0x0  }
0x1dd: {  	[sflag:s9] =	ssyncadd.s32 $0xFFFF0000  }
0x1de: {  	_ =	sfence.sel $0x180000  }
0x1df: {  	[bflag:$0x0] =	sbarrier.arrive $0xFFFF  }
0x1e0: {  	p0 =	sne.s32 s3, $0x0;
	_ =	strace $0x90000047  }
0x1e1: {  	s0 =	sadd.s32 @!p0 $0x100000, s1;
	[bflag:$0x2] =	sbarrier.arrive $0xFFFF  }
0x1e2: {  	[sflag:s0] =	ssyncadd.tile.s32 @!p0 $0x1;
	_ =	shalt  }
.Lfunc_end2:
_tile_overlayer_lowered:
.L_overlay_start_2:
0x1e3: {  	(tag) =	ssettag $0x2  }
0x1e4: {  	s0 =	rddreg [dreg:$0x0];
	s2 =	stileid.u32  }
0x1e5: {  	s1 =	rddreg [dreg:$0x1];
	p0 =	sne.s32 s2, $0x0  }
0x1e6: {  	s3 =	rddreg [dreg:$0x2];
	[bflag:$0x3] =	sbarrier.arrive $0xFFFF;
	s2 =	simm.s32 @!p0 $0x1C01  }
0x1e7: {  	[timem:s3], [sflag:s2] =	dma.local @!p0 [hbm:s0], s1  }
0x1e8: {  	s0 =	simm.s32 @!p0 $0x1  }
0x1e9: {  	_ =	swait.ge @!p0 [sflag:s0], s1  }
0x1ea: {  	s1 =	ssub.s32 @!p0 $0x0, s1;
	[sflag:s0] =	ssyncset.done @!p0 $0x0  }
0x1eb: {  	[sflag:s0] =	ssyncadd.s32 @!p0 s1  }
0x1ec: {  	[bflag:$0x3] =	sbarrier.arrive $0xFFFF  }
0x1ed: {  	_ =	shalt  }

</sc_bundles>
